<compile_context>
chip_gen: v7x
topology: tpu7x:2x2x1
jax: 0.10.2.dev20260603
libtpu: 0.0.44.dev20260713+nightly
codegen_flags: <defaults>
</compile_context>

<pallas_src>
import functools

import jax
import jax.numpy as jnp
from jax import lax
from jax.experimental import pallas as pl
from jax.experimental.pallas import tpu as pltpu
from jax.experimental.pallas import tpu_sc as plsc

N = 10000
E = 320000
NFEAT = 128
NHID = 128
NCLASS = 40
D1 = 128

NC = 2
NS = 16
NW = NC * NS
EPW = E // NW
CH = 80
NITER = EPW // CH
PHASES = ((0, 64), (64, 61))
N_PAD = 10240
ROWS_PER_TILE = N_PAD // NS



@functools.lru_cache(maxsize=None)
def _make_sc_agg(d):
  mesh = plsc.VectorSubcoreMesh(core_axis_name="c", subcore_axis_name="s")

  @functools.partial(
      pl.kernel,
      mesh=mesh,
      out_type=jax.ShapeDtypeStruct((NC, N_PAD, d), jnp.float32),
      scratch_types=[
          pltpu.VMEM((PHASES[0][1], CH), jnp.int32),
          pltpu.VMEM((PHASES[0][1], CH), jnp.int32),
          pltpu.VMEM((CH, d), jnp.float32),
          pltpu.VMEM((CH, d), jnp.float32),
          pltpu.VMEM((CH, d), jnp.float32),
          pltpu.VMEM_SHARED((N_PAD, d), jnp.float32),
          pltpu.SemaphoreType.DMA,
          pltpu.SemaphoreType.DMA,
          pltpu.SemaphoreType.DMA,
      ],
  )
  def sc_agg(xl_hbm, src_hbm, dst_hbm, zero_hbm, out_hbm,
             src_v, dst_v, rows0_v, rows1_v, rows2_v, acc, sem0, sem1, sem2):
    c = lax.axis_index("c")
    s = lax.axis_index("s")
    wid = c * NS + s

    pltpu.sync_copy(zero_hbm, acc.at[pl.ds(s * ROWS_PER_TILE, ROWS_PER_TILE)])
    plsc.subcore_barrier()

    bufs = ((rows0_v, sem0), (rows1_v, sem1), (rows2_v, sem2))

    def gather(j, b):
      pltpu.async_copy(xl_hbm.at[src_v.at[j]], bufs[b][0], bufs[b][1])

    def consume(j, b):
      pltpu.make_async_copy(xl_hbm.at[src_v.at[j]], bufs[b][0],
                            bufs[b][1]).wait()
      pltpu.sync_copy(bufs[b][0], acc.at[dst_v.at[j]], add=True)

    for base, cnt in PHASES:
      pltpu.sync_copy(src_hbm.at[wid, pl.ds(base, cnt)],
                      src_v.at[pl.ds(0, cnt)])
      pltpu.sync_copy(dst_hbm.at[wid, pl.ds(base, cnt)],
                      dst_v.at[pl.ds(0, cnt)])

      for b in range(3):
        gather(b, b)

      def body(i, carry):
        j0 = 3 * i
        for b in range(3):
          consume(j0 + b, b)
          gather(j0 + b + 3, b)
        return carry

      nfull = (cnt - 4) // 3
      lax.fori_loop(0, nfull, body, 0, unroll=False)

      for j in range(3 * nfull, cnt):
        b = j % 3
        consume(j, b)
        if j + 3 < cnt:
          gather(j + 3, b)

    plsc.subcore_barrier()

    sl = pl.ds(s * ROWS_PER_TILE, ROWS_PER_TILE)
    pltpu.sync_copy(acc.at[sl], out_hbm.at[c, sl])

  return sc_agg



BN = 1000


def _layer_norm_block(xb, g, b, eps=1e-5):
  mu = jnp.mean(xb, axis=1, keepdims=True)
  var = jnp.mean((xb - mu) ** 2, axis=1, keepdims=True)
  return (xb - mu) / jnp.sqrt(var + eps) * g + b


def _tc_a_body(x_ref, g_ref, b_ref, wl_ref, bl_ref, wr_ref, xl_ref, xr_ref):
  h = _layer_norm_block(x_ref[...], g_ref[...], b_ref[...])
  xl_ref[...] = (jnp.dot(h, wl_ref[...], preferred_element_type=jnp.float32)
                 + bl_ref[...])
  xr_ref[...] = jnp.dot(h, wr_ref[...], preferred_element_type=jnp.float32)


def _tc_b_body(p0_ref, p1_ref, xr_ref, g_ref, b_ref, wl_ref, bl_ref, wr_ref,
               xl_ref, xr1_ref):
  s = p0_ref[0] + p1_ref[0] + xr_ref[...]
  nrm = jnp.sqrt(jnp.sum(s * s, axis=1, keepdims=True))
  h = s / jnp.maximum(nrm, 1e-12)
  h = _layer_norm_block(h, g_ref[...], b_ref[...])
  h = jnp.maximum(h, 0.0)
  xl_ref[...] = (jnp.dot(h, wl_ref[...], preferred_element_type=jnp.float32)
                 + bl_ref[...])
  xr1_ref[...] = jnp.dot(h, wr_ref[...], preferred_element_type=jnp.float32)


def _tc_c_body(p0_ref, p1_ref, xr_ref, o_ref):
  s = (p0_ref[0] + p1_ref[0] + xr_ref[...])[:, :NCLASS]
  nrm = jnp.sqrt(jnp.sum(s * s, axis=1, keepdims=True))
  h = s / jnp.maximum(nrm, 1e-12)
  m = jnp.max(h, axis=1, keepdims=True)
  lse = jnp.log(jnp.sum(jnp.exp(h - m), axis=1, keepdims=True))
  o_ref[...] = h - m - lse


def _row_spec(bn, d):
  return pl.BlockSpec((bn, d), lambda i: (i, 0))


def _part_spec(bn, d, c):
  return pl.BlockSpec((1, bn, d), lambda i, _c=c: (_c, i, 0))


def _full_spec(shape):
  return pl.BlockSpec(shape, lambda i: tuple(0 for _ in shape))


def _tc_a(x, g0, b0, Wl0, bl0, Wr0):
  grid = (N // BN,)
  return pl.pallas_call(
      _tc_a_body,
      grid=grid,
      in_specs=[
          _row_spec(BN, NFEAT),
          _full_spec((NFEAT,)), _full_spec((NFEAT,)),
          _full_spec((NFEAT, NHID)), _full_spec((NHID,)),
          _full_spec((NFEAT, NHID)),
      ],
      out_specs=[_row_spec(BN, NHID), _row_spec(BN, NHID)],
      out_shape=[jax.ShapeDtypeStruct((N, NHID), jnp.float32),
                 jax.ShapeDtypeStruct((N, NHID), jnp.float32)],
  )(x, g0, b0, Wl0, bl0, Wr0)


def _tc_b(part, xr0, g1, b1, Wl1p, bl1p, Wr1p):
  grid = (N // BN,)
  return pl.pallas_call(
      _tc_b_body,
      grid=grid,
      in_specs=[
          _part_spec(BN, NHID, 0), _part_spec(BN, NHID, 1), _row_spec(BN, NHID),
          _full_spec((NHID,)), _full_spec((NHID,)),
          _full_spec((NHID, D1)), _full_spec((D1,)),
          _full_spec((NHID, D1)),
      ],
      out_specs=[_row_spec(BN, D1), _row_spec(BN, D1)],
      out_shape=[jax.ShapeDtypeStruct((N, D1), jnp.float32),
                 jax.ShapeDtypeStruct((N, D1), jnp.float32)],
  )(part, part, xr0, g1, b1, Wl1p, bl1p, Wr1p)


def _tc_c(part, xr1):
  grid = (N // BN,)
  return pl.pallas_call(
      _tc_c_body,
      grid=grid,
      in_specs=[_part_spec(BN, D1, 0), _part_spec(BN, D1, 1),
                _row_spec(BN, D1)],
      out_specs=_row_spec(BN, NCLASS),
      out_shape=jax.ShapeDtypeStruct((N, NCLASS), jnp.float32),
  )(part, part, xr1)



def kernel(x, edge_index, g0, b0, Wl0, bl0, Wr0, g1, b1, Wl1, bl1, Wr1):
  src = edge_index[0].astype(jnp.int32).reshape(NW, NITER, CH)
  dst = edge_index[1].astype(jnp.int32).reshape(NW, NITER, CH)

  zero128 = jnp.zeros((ROWS_PER_TILE, NHID), jnp.float32)
  zero64 = jnp.zeros((ROWS_PER_TILE, D1), jnp.float32)

  Wl1p = jnp.zeros((NHID, D1), jnp.float32).at[:, :NCLASS].set(Wl1)
  Wr1p = jnp.zeros((NHID, D1), jnp.float32).at[:, :NCLASS].set(Wr1)
  bl1p = jnp.zeros((D1,), jnp.float32).at[:NCLASS].set(bl1)

  xl0, xr0 = _tc_a(x, g0, b0, Wl0, bl0, Wr0)
  part0 = _make_sc_agg(NHID)(xl0, src, dst, zero128)
  xl1, xr1 = _tc_b(part0, xr0, g1, b1, Wl1p, bl1p, Wr1p)
  part1 = _make_sc_agg(D1)(xl1, src, dst, zero64)
  return _tc_c(part1, xr1)

# --- scband reference (transcript-rebuilt; emitter-appended) ---
"""Pipeline reference for scband-gcn-55224689492101 (READ-ONLY COPY).

The authoritative reference and input builder live on the scoring server;
editing this copy changes nothing except your own understanding.
"""

import jax, jax.numpy as jnp
import numpy as np

N = 10000
E = 320000
NFEAT = 128
NHID = 128
NCLASS = 40


def layer_norm(x, g, b, eps=1e-5):
    mu = jnp.mean(x, axis=-1, keepdims=True)
    var = jnp.var(x, axis=-1, keepdims=True)
    return (x - mu) / jnp.sqrt(var + eps) * g + b


def l2_normalize(x, eps=1e-12):
    n = jnp.linalg.norm(x, ord=2, axis=-1, keepdims=True)
    return x / jnp.maximum(n, eps)


def gcn_conv(x, edge_index, Wl, bl, Wr):
    # lin_l applied to source features, then propagate (aggr='add'),
    # then add lin_r(x_root), then F.normalize(p=2, dim=-1)
    xl = x @ Wl + bl
    src = edge_index[0]
    dst = edge_index[1]
    msg = xl[src]
    out = jax.ops.segment_sum(msg, dst, num_segments=N)
    out = out + x @ Wr
    return l2_normalize(out)


def setup_inputs(seed: int = 0) -> dict:
    key = jax.random.key(seed)
    ks = jax.random.split(key, 12)
    x = jax.random.normal(ks[0], (N, NFEAT), dtype=jnp.float32)
    edge_index = jax.random.randint(ks[1], (2, E), 0, N, dtype=jnp.int64)
    # LayerNorm params
    g0 = jnp.ones((NFEAT,), dtype=jnp.float32)
    b0 = jnp.zeros((NFEAT,), dtype=jnp.float32)
    g1 = jnp.ones((NHID,), dtype=jnp.float32)
    b1 = jnp.zeros((NHID,), dtype=jnp.float32)
    # conv0: nfeat -> nhid
    Wl0 = jax.random.normal(ks[2], (NFEAT, NHID), dtype=jnp.float32) * (2.0 / NFEAT) ** 0.5
    bl0 = jnp.zeros((NHID,), dtype=jnp.float32)
    Wr0 = jax.random.normal(ks[3], (NFEAT, NHID), dtype=jnp.float32) * (2.0 / NFEAT) ** 0.5
    # conv1: nhid -> nclass
    Wl1 = jax.random.normal(ks[4], (NHID, NCLASS), dtype=jnp.float32) * (2.0 / NHID) ** 0.5
    bl1 = jnp.zeros((NCLASS,), dtype=jnp.float32)
    Wr1 = jax.random.normal(ks[5], (NHID, NCLASS), dtype=jnp.float32) * (2.0 / NHID) ** 0.5
    return {"x": x, "edge_index": edge_index, "g0": g0, "b0": b0,
            "Wl0": Wl0, "bl0": bl0, "Wr0": Wr0,
            "g1": g1, "b1": b1, "Wl1": Wl1, "bl1": bl1, "Wr1": Wr1}


def reference(x, edge_index, g0, b0, Wl0, bl0, Wr0, g1, b1, Wl1, bl1, Wr1):
    # layer_norm_first=True, use_ln=True, layer=2, eval mode (dropout no-op)
    h = layer_norm(x, g0, b0)
    h = gcn_conv(h, edge_index, Wl0, bl0, Wr0)
    h = layer_norm(h, g1, b1)
    h = jax.nn.relu(h)
    h = gcn_conv(h, edge_index, Wl1, bl1, Wr1)
    return jax.nn.log_softmax(h, axis=1)

if __name__ == "__main__":
    import jax
    _d = setup_inputs()
    print(jax.jit(kernel)(*tuple(_d.values())))

</pallas_src>

<mosaic_0001>
#map = affine_map<(d0, d1) -> (0, 0)>
#map1 = affine_map<(d0, d1) -> (0, 0, 0)>
module attributes {stable_mosaic.version = 14 : i64} {
  func.func @sc_agg(%arg0: i32, %arg1: i32, %arg2: memref<10000x128xf32, #tpu.memory_space<hbm>>, %arg3: memref<32x125x80xi32, #tpu.memory_space<hbm>>, %arg4: memref<32x125x80xi32, #tpu.memory_space<hbm>>, %arg5: memref<640x128xf32, #tpu.memory_space<hbm>>, %arg6: memref<2x10240x128xf32, #tpu.memory_space<hbm>>, %arg7: memref<64x80xi32, #tpu.memory_space<vmem>>, %arg8: memref<64x80xi32, #tpu.memory_space<vmem>>, %arg9: memref<80x128xf32, #tpu.memory_space<vmem>>, %arg10: memref<80x128xf32, #tpu.memory_space<vmem>>, %arg11: memref<80x128xf32, #tpu.memory_space<vmem>>, %arg12: memref<10240x128xf32, #tpu.memory_space<vmem_shared>>, %arg13: memref<!tpu.dma_semaphore, #tpu.memory_space<semaphore_mem>>, %arg14: memref<!tpu.dma_semaphore, #tpu.memory_space<semaphore_mem>>, %arg15: memref<!tpu.dma_semaphore, #tpu.memory_space<semaphore_mem>>) attributes {dimension_semantics = [#tpu.dimension_semantics<core_parallel>, #tpu.dimension_semantics<subcore_parallel>], iteration_bounds = array<i64: 2, 16>, scalar_prefetch = 0 : i64, scratch_operands = 9 : i64, tpu.core_type = #tpu.core_type<sc_vector_subcore>, window_params = [{transform_indices = #map}, {transform_indices = #map1}, {transform_indices = #map1}, {transform_indices = #map}, {transform_indices = #map1}]} {
    %mul3A = arith.constant 16 : i32
    %mul3A_0 = arith.muli %arg0, %mul3A : i32
    %add3A = arith.addi %mul3A_0, %arg1 : i32
    %mul3A_1 = arith.constant 640 : i32
    %mul3A_2 = arith.muli %arg1, %mul3A_1 : i32
    "tpu.region"() ({
      %run_scoped3A_134 = tpu.sem_alloc : memref<!tpu.dma_semaphore, #tpu.memory_space<semaphore_mem>>
      %dma_start3A_135 = arith.constant 0 : i32
      %dma_start3A_136 = tpu.memref_slice %arg12[%mul3A_2, %dma_start3A_135] : memref<10240x128xf32, #tpu.memory_space<vmem_shared>> -> memref<640x128xf32, #tpu.memory_space<vmem_shared>>
      tpu.enqueue_dma source(%arg5 : memref<640x128xf32, #tpu.memory_space<hbm>>) target(%dma_start3A_136 : memref<640x128xf32, #tpu.memory_space<vmem_shared>>) target_semaphore(%run_scoped3A_134 : memref<!tpu.dma_semaphore, #tpu.memory_space<semaphore_mem>>)
      %dma_wait3A_137 = arith.constant 0 : i32
      %dma_wait3A_138 = tpu.memref_slice %arg12[%mul3A_2, %dma_wait3A_137] : memref<10240x128xf32, #tpu.memory_space<vmem_shared>> -> memref<640x128xf32, #tpu.memory_space<vmem_shared>>
      tpu.wait_dma2 semaphore(%run_scoped3A_134 : memref<!tpu.dma_semaphore, #tpu.memory_space<semaphore_mem>>) src(%arg5 : memref<640x128xf32, #tpu.memory_space<hbm>>) dst(%dma_wait3A_138 : memref<640x128xf32, #tpu.memory_space<vmem_shared>>)
      tpu.yield
    }) : () -> ()
    %barrier3A = arith.constant 0 : index
    tpu.barrier barrier_id(%barrier3A)
    "tpu.region"() ({
      %run_scoped3A_134 = tpu.sem_alloc : memref<!tpu.dma_semaphore, #tpu.memory_space<semaphore_mem>>
      %dma_start3A_135 = arith.constant 0 : i32
      %dma_start3A_136 = arith.constant 0 : i32
      %dma_start3A_137 = tpu.memref_slice %arg7[%dma_start3A_135, %dma_start3A_136] : memref<64x80xi32, #tpu.memory_space<vmem>> -> memref<64x80xi32, #tpu.memory_space<vmem>>
      %dma_start3A_138 = arith.constant 0 : i32
      %dma_start3A_139 = arith.constant 0 : i32
      %dma_start3A_140 = tpu.memref_slice %arg3[%add3A, %dma_start3A_138, %dma_start3A_139] : memref<32x125x80xi32, #tpu.memory_space<hbm>> -> memref<1x64x80xi32, #tpu.memory_space<hbm>>
      %dma_start3A_141 = tpu.memref_squeeze %dma_start3A_140 : memref<1x64x80xi32, #tpu.memory_space<hbm>> -> memref<64x80xi32, #tpu.memory_space<hbm>>
      %dma_start3A_142 = arith.constant 0 : i32
      %dma_start3A_143 = arith.constant 0 : i32
      %dma_start3A_144 = tpu.memref_slice %arg7[%dma_start3A_142, %dma_start3A_143] : memref<64x80xi32, #tpu.memory_space<vmem>> -> memref<64x80xi32, #tpu.memory_space<vmem>>
      %dma_start3A_145 = arith.constant 0 : i32
      %dma_start3A_146 = arith.constant 0 : i32
      %dma_start3A_147 = tpu.memref_slice %arg3[%add3A, %dma_start3A_145, %dma_start3A_146] : memref<32x125x80xi32, #tpu.memory_space<hbm>> -> memref<1x64x80xi32, #tpu.memory_space<hbm>>
      %dma_start3A_148 = tpu.memref_squeeze %dma_start3A_147 : memref<1x64x80xi32, #tpu.memory_space<hbm>> -> memref<64x80xi32, #tpu.memory_space<hbm>>
      tpu.enqueue_dma source(%dma_start3A_148 : memref<64x80xi32, #tpu.memory_space<hbm>>) target(%dma_start3A_144 : memref<64x80xi32, #tpu.memory_space<vmem>>) target_semaphore(%run_scoped3A_134 : memref<!tpu.dma_semaphore, #tpu.memory_space<semaphore_mem>>)
      %dma_wait3A_149 = arith.constant 0 : i32
      %dma_wait3A_150 = arith.constant 0 : i32
      %dma_wait3A_151 = tpu.memref_slice %arg7[%dma_wait3A_149, %dma_wait3A_150] : memref<64x80xi32, #tpu.memory_space<vmem>> -> memref<64x80xi32, #tpu.memory_space<vmem>>
      %dma_wait3A_152 = arith.constant 0 : i32
      %dma_wait3A_153 = arith.constant 0 : i32
      %dma_wait3A_154 = tpu.memref_slice %arg3[%add3A, %dma_wait3A_152, %dma_wait3A_153] : memref<32x125x80xi32, #tpu.memory_space<hbm>> -> memref<1x64x80xi32, #tpu.memory_space<hbm>>
      %dma_wait3A_155 = tpu.memref_squeeze %dma_wait3A_154 : memref<1x64x80xi32, #tpu.memory_space<hbm>> -> memref<64x80xi32, #tpu.memory_space<hbm>>
      %dma_wait3A_156 = arith.constant 0 : i32
      %dma_wait3A_157 = arith.constant 0 : i32
      %dma_wait3A_158 = tpu.memref_slice %arg7[%dma_wait3A_156, %dma_wait3A_157] : memref<64x80xi32, #tpu.memory_space<vmem>> -> memref<64x80xi32, #tpu.memory_space<vmem>>
      %dma_wait3A_159 = arith.constant 0 : i32
      %dma_wait3A_160 = arith.constant 0 : i32
      %dma_wait3A_161 = tpu.memref_slice %arg3[%add3A, %dma_wait3A_159, %dma_wait3A_160] : memref<32x125x80xi32, #tpu.memory_space<hbm>> -> memref<1x64x80xi32, #tpu.memory_space<hbm>>
      %dma_wait3A_162 = tpu.memref_squeeze %dma_wait3A_161 : memref<1x64x80xi32, #tpu.memory_space<hbm>> -> memref<64x80xi32, #tpu.memory_space<hbm>>
      tpu.wait_dma2 semaphore(%run_scoped3A_134 : memref<!tpu.dma_semaphore, #tpu.memory_space<semaphore_mem>>) src(%dma_wait3A_162 : memref<64x80xi32, #tpu.memory_space<hbm>>) dst(%dma_wait3A_158 : memref<64x80xi32, #tpu.memory_space<vmem>>)
      tpu.yield
    }) : () -> ()
    "tpu.region"() ({
      %run_scoped3A_134 = tpu.sem_alloc : memref<!tpu.dma_semaphore, #tpu.memory_space<semaphore_mem>>
      %dma_start3A_135 = arith.constant 0 : i32
      %dma_start3A_136 = arith.constant 0 : i32
      %dma_start3A_137 = tpu.memref_slice %arg8[%dma_start3A_135, %dma_start3A_136] : memref<64x80xi32, #tpu.memory_space<vmem>> -> memref<64x80xi32, #tpu.memory_space<vmem>>
      %dma_start3A_138 = arith.constant 0 : i32
      %dma_start3A_139 = arith.constant 0 : i32
      %dma_start3A_140 = tpu.memref_slice %arg4[%add3A, %dma_start3A_138, %dma_start3A_139] : memref<32x125x80xi32, #tpu.memory_space<hbm>> -> memref<1x64x80xi32, #tpu.memory_space<hbm>>
      %dma_start3A_141 = tpu.memref_squeeze %dma_start3A_140 : memref<1x64x80xi32, #tpu.memory_space<hbm>> -> memref<64x80xi32, #tpu.memory_space<hbm>>
      %dma_start3A_142 = arith.constant 0 : i32
      %dma_start3A_143 = arith.constant 0 : i32
      %dma_start3A_144 = tpu.memref_slice %arg8[%dma_start3A_142, %dma_start3A_143] : memref<64x80xi32, #tpu.memory_space<vmem>> -> memref<64x80xi32, #tpu.memory_space<vmem>>
      %dma_start3A_145 = arith.constant 0 : i32
      %dma_start3A_146 = arith.constant 0 : i32
      %dma_start3A_147 = tpu.memref_slice %arg4[%add3A, %dma_start3A_145, %dma_start3A_146] : memref<32x125x80xi32, #tpu.memory_space<hbm>> -> memref<1x64x80xi32, #tpu.memory_space<hbm>>
      %dma_start3A_148 = tpu.memref_squeeze %dma_start3A_147 : memref<1x64x80xi32, #tpu.memory_space<hbm>> -> memref<64x80xi32, #tpu.memory_space<hbm>>
      tpu.enqueue_dma source(%dma_start3A_148 : memref<64x80xi32, #tpu.memory_space<hbm>>) target(%dma_start3A_144 : memref<64x80xi32, #tpu.memory_space<vmem>>) target_semaphore(%run_scoped3A_134 : memref<!tpu.dma_semaphore, #tpu.memory_space<semaphore_mem>>)
      %dma_wait3A_149 = arith.constant 0 : i32
      %dma_wait3A_150 = arith.constant 0 : i32
      %dma_wait3A_151 = tpu.memref_slice %arg8[%dma_wait3A_149, %dma_wait3A_150] : memref<64x80xi32, #tpu.memory_space<vmem>> -> memref<64x80xi32, #tpu.memory_space<vmem>>
      %dma_wait3A_152 = arith.constant 0 : i32
      %dma_wait3A_153 = arith.constant 0 : i32
      %dma_wait3A_154 = tpu.memref_slice %arg4[%add3A, %dma_wait3A_152, %dma_wait3A_153] : memref<32x125x80xi32, #tpu.memory_space<hbm>> -> memref<1x64x80xi32, #tpu.memory_space<hbm>>
      %dma_wait3A_155 = tpu.memref_squeeze %dma_wait3A_154 : memref<1x64x80xi32, #tpu.memory_space<hbm>> -> memref<64x80xi32, #tpu.memory_space<hbm>>
      %dma_wait3A_156 = arith.constant 0 : i32
      %dma_wait3A_157 = arith.constant 0 : i32
      %dma_wait3A_158 = tpu.memref_slice %arg8[%dma_wait3A_156, %dma_wait3A_157] : memref<64x80xi32, #tpu.memory_space<vmem>> -> memref<64x80xi32, #tpu.memory_space<vmem>>
      %dma_wait3A_159 = arith.constant 0 : i32
      %dma_wait3A_160 = arith.constant 0 : i32
      %dma_wait3A_161 = tpu.memref_slice %arg4[%add3A, %dma_wait3A_159, %dma_wait3A_160] : memref<32x125x80xi32, #tpu.memory_space<hbm>> -> memref<1x64x80xi32, #tpu.memory_space<hbm>>
      %dma_wait3A_162 = tpu.memref_squeeze %dma_wait3A_161 : memref<1x64x80xi32, #tpu.memory_space<hbm>> -> memref<64x80xi32, #tpu.memory_space<hbm>>
      tpu.wait_dma2 semaphore(%run_scoped3A_134 : memref<!tpu.dma_semaphore, #tpu.memory_space<semaphore_mem>>) src(%dma_wait3A_162 : memref<64x80xi32, #tpu.memory_space<hbm>>) dst(%dma_wait3A_158 : memref<64x80xi32, #tpu.memory_space<vmem>>)
      tpu.yield
    }) : () -> ()
    %dma_start3A = arith.constant 0 : i32
    %dma_start3A_3 = arith.constant 0 : i32
    %dma_start3A_4 = tpu.memref_slice %arg7[%dma_start3A, %dma_start3A_3] : memref<64x80xi32, #tpu.memory_space<vmem>> -> memref<1x80xi32, #tpu.memory_space<vmem>>
    %dma_start3A_5 = tpu.memref_squeeze %dma_start3A_4 : memref<1x80xi32, #tpu.memory_space<vmem>> -> memref<80xi32, #tpu.memory_space<vmem>>
    %dma_start3A_6 = arith.constant 0 : i32
    %dma_start3A_7 = arith.constant 0 : i32
    %dma_start3A_8 = tpu.memref_slice %arg2[%dma_start3A_6, %dma_start3A_7] : memref<10000x128xf32, #tpu.memory_space<hbm>> -> memref<10000x128xf32, #tpu.memory_space<hbm>>
    tpu.enqueue_indirect_dma source(%dma_start3A_8 : memref<10000x128xf32, #tpu.memory_space<hbm>>) target(%arg9 : memref<80x128xf32, #tpu.memory_space<vmem>>) offsets(%dma_start3A_5 : memref<80xi32, #tpu.memory_space<vmem>>) semaphore(%arg13 : memref<!tpu.dma_semaphore, #tpu.memory_space<semaphore_mem>>)
    %dma_start3A_9 = arith.constant 1 : i32
    %dma_start3A_10 = arith.constant 0 : i32
    %dma_start3A_11 = tpu.memref_slice %arg7[%dma_start3A_9, %dma_start3A_10] : memref<64x80xi32, #tpu.memory_space<vmem>> -> memref<1x80xi32, #tpu.memory_space<vmem>>
    %dma_start3A_12 = tpu.memref_squeeze %dma_start3A_11 : memref<1x80xi32, #tpu.memory_space<vmem>> -> memref<80xi32, #tpu.memory_space<vmem>>
    %dma_start3A_13 = arith.constant 0 : i32
    %dma_start3A_14 = arith.constant 0 : i32
    %dma_start3A_15 = tpu.memref_slice %arg2[%dma_start3A_13, %dma_start3A_14] : memref<10000x128xf32, #tpu.memory_space<hbm>> -> memref<10000x128xf32, #tpu.memory_space<hbm>>
    tpu.enqueue_indirect_dma source(%dma_start3A_15 : memref<10000x128xf32, #tpu.memory_space<hbm>>) target(%arg10 : memref<80x128xf32, #tpu.memory_space<vmem>>) offsets(%dma_start3A_12 : memref<80xi32, #tpu.memory_space<vmem>>) semaphore(%arg14 : memref<!tpu.dma_semaphore, #tpu.memory_space<semaphore_mem>>)
    %dma_start3A_16 = arith.constant 2 : i32
    %dma_start3A_17 = arith.constant 0 : i32
    %dma_start3A_18 = tpu.memref_slice %arg7[%dma_start3A_16, %dma_start3A_17] : memref<64x80xi32, #tpu.memory_space<vmem>> -> memref<1x80xi32, #tpu.memory_space<vmem>>
    %dma_start3A_19 = tpu.memref_squeeze %dma_start3A_18 : memref<1x80xi32, #tpu.memory_space<vmem>> -> memref<80xi32, #tpu.memory_space<vmem>>
    %dma_start3A_20 = arith.constant 0 : i32
    %dma_start3A_21 = arith.constant 0 : i32
    %dma_start3A_22 = tpu.memref_slice %arg2[%dma_start3A_20, %dma_start3A_21] : memref<10000x128xf32, #tpu.memory_space<hbm>> -> memref<10000x128xf32, #tpu.memory_space<hbm>>
    tpu.enqueue_indirect_dma source(%dma_start3A_22 : memref<10000x128xf32, #tpu.memory_space<hbm>>) target(%arg11 : memref<80x128xf32, #tpu.memory_space<vmem>>) offsets(%dma_start3A_19 : memref<80xi32, #tpu.memory_space<vmem>>) semaphore(%arg15 : memref<!tpu.dma_semaphore, #tpu.memory_space<semaphore_mem>>)
    %scan3A = arith.constant 0 : i32
    %scan3A_23 = arith.constant 0 : i32
    %scan3A_24 = arith.constant 20 : i32
    %scan3A_25 = arith.addi %scan3A_23, %scan3A_24 : i32
    %scan3A_26 = arith.constant 1 : i32
    scf.for %scan3A_134 = %scan3A_23 to %scan3A_25 step %scan3A_26  : i32 {
      %mul3A_135 = arith.constant 3 : i32
      %mul3A_136 = arith.muli %mul3A_135, %scan3A_134 : i32
      %add3A_137 = arith.constant 0 : i32
      %add3A_138 = arith.addi %mul3A_136, %add3A_137 : i32
      %dma_wait3A_139 = arith.constant 0 : i32
      %dma_wait3A_140 = tpu.memref_slice %arg7[%add3A_138, %dma_wait3A_139] : memref<64x80xi32, #tpu.memory_space<vmem>> -> memref<1x80xi32, #tpu.memory_space<vmem>>
      %dma_wait3A_141 = tpu.memref_squeeze %dma_wait3A_140 : memref<1x80xi32, #tpu.memory_space<vmem>> -> memref<80xi32, #tpu.memory_space<vmem>>
      %dma_wait3A_142 = arith.constant 0 : i32
      %dma_wait3A_143 = arith.constant 0 : i32
      %dma_wait3A_144 = tpu.memref_slice %arg2[%dma_wait3A_142, %dma_wait3A_143] : memref<10000x128xf32, #tpu.memory_space<hbm>> -> memref<10000x128xf32, #tpu.memory_space<hbm>>
      tpu.wait_indirect_dma semaphore(%arg13 : memref<!tpu.dma_semaphore, #tpu.memory_space<semaphore_mem>>) src(%dma_wait3A_144 : memref<10000x128xf32, #tpu.memory_space<hbm>>) dst(%arg9 : memref<80x128xf32, #tpu.memory_space<vmem>>)
      "tpu.region"() ({
        %run_scoped3A_191 = tpu.sem_alloc : memref<!tpu.dma_semaphore, #tpu.memory_space<semaphore_mem>>
        %dma_start3A_192 = arith.constant 0 : i32
        %dma_start3A_193 = tpu.memref_slice %arg8[%add3A_138, %dma_start3A_192] : memref<64x80xi32, #tpu.memory_space<vmem>> -> memref<1x80xi32, #tpu.memory_space<vmem>>
        %dma_start3A_194 = tpu.memref_squeeze %dma_start3A_193 : memref<1x80xi32, #tpu.memory_space<vmem>> -> memref<80xi32, #tpu.memory_space<vmem>>
        %dma_start3A_195 = arith.constant 0 : i32
        %dma_start3A_196 = arith.constant 0 : i32
        %dma_start3A_197 = tpu.memref_slice %arg12[%dma_start3A_195, %dma_start3A_196] : memref<10240x128xf32, #tpu.memory_space<vmem_shared>> -> memref<10240x128xf32, #tpu.memory_space<vmem_shared>>
        tpu.enqueue_indirect_dma source(%arg9 : memref<80x128xf32, #tpu.memory_space<vmem>>) target(%dma_start3A_197 : memref<10240x128xf32, #tpu.memory_space<vmem_shared>>) offsets(%dma_start3A_194 : memref<80xi32, #tpu.memory_space<vmem>>) semaphore(%run_scoped3A_191 : memref<!tpu.dma_semaphore, #tpu.memory_space<semaphore_mem>>) {add = true}
        %dma_wait3A_198 = arith.constant 0 : i32
        %dma_wait3A_199 = tpu.memref_slice %arg8[%add3A_138, %dma_wait3A_198] : memref<64x80xi32, #tpu.memory_space<vmem>> -> memref<1x80xi32, #tpu.memory_space<vmem>>
        %dma_wait3A_200 = tpu.memref_squeeze %dma_wait3A_199 : memref<1x80xi32, #tpu.memory_space<vmem>> -> memref<80xi32, #tpu.memory_space<vmem>>
        %dma_wait3A_201 = arith.constant 0 : i32
        %dma_wait3A_202 = arith.constant 0 : i32
        %dma_wait3A_203 = tpu.memref_slice %arg12[%dma_wait3A_201, %dma_wait3A_202] : memref<10240x128xf32, #tpu.memory_space<vmem_shared>> -> memref<10240x128xf32, #tpu.memory_space<vmem_shared>>
        tpu.wait_indirect_dma semaphore(%run_scoped3A_191 : memref<!tpu.dma_semaphore, #tpu.memory_space<semaphore_mem>>) src(%arg9 : memref<80x128xf32, #tpu.memory_space<vmem>>) dst(%dma_wait3A_203 : memref<10240x128xf32, #tpu.memory_space<vmem_shared>>)
        tpu.yield
      }) : () -> ()
      %add3A_145 = arith.constant 0 : i32
      %add3A_146 = arith.addi %mul3A_136, %add3A_145 : i32
      %add3A_147 = arith.constant 3 : i32
      %add3A_148 = arith.addi %add3A_146, %add3A_147 : i32
      %dma_start3A_149 = arith.constant 0 : i32
      %dma_start3A_150 = tpu.memref_slice %arg7[%add3A_148, %dma_start3A_149] : memref<64x80xi32, #tpu.memory_space<vmem>> -> memref<1x80xi32, #tpu.memory_space<vmem>>
      %dma_start3A_151 = tpu.memref_squeeze %dma_start3A_150 : memref<1x80xi32, #tpu.memory_space<vmem>> -> memref<80xi32, #tpu.memory_space<vmem>>
      %dma_start3A_152 = arith.constant 0 : i32
      %dma_start3A_153 = arith.constant 0 : i32
      %dma_start3A_154 = tpu.memref_slice %arg2[%dma_start3A_152, %dma_start3A_153] : memref<10000x128xf32, #tpu.memory_space<hbm>> -> memref<10000x128xf32, #tpu.memory_space<hbm>>
      tpu.enqueue_indirect_dma source(%dma_start3A_154 : memref<10000x128xf32, #tpu.memory_space<hbm>>) target(%arg9 : memref<80x128xf32, #tpu.memory_space<vmem>>) offsets(%dma_start3A_151 : memref<80xi32, #tpu.memory_space<vmem>>) semaphore(%arg13 : memref<!tpu.dma_semaphore, #tpu.memory_space<semaphore_mem>>)
      %add3A_155 = arith.constant 1 : i32
      %add3A_156 = arith.addi %mul3A_136, %add3A_155 : i32
      %dma_wait3A_157 = arith.constant 0 : i32
      %dma_wait3A_158 = tpu.memref_slice %arg7[%add3A_156, %dma_wait3A_157] : memref<64x80xi32, #tpu.memory_space<vmem>> -> memref<1x80xi32, #tpu.memory_space<vmem>>
      %dma_wait3A_159 = tpu.memref_squeeze %dma_wait3A_158 : memref<1x80xi32, #tpu.memory_space<vmem>> -> memref<80xi32, #tpu.memory_space<vmem>>
      %dma_wait3A_160 = arith.constant 0 : i32
      %dma_wait3A_161 = arith.constant 0 : i32
      %dma_wait3A_162 = tpu.memref_slice %arg2[%dma_wait3A_160, %dma_wait3A_161] : memref<10000x128xf32, #tpu.memory_space<hbm>> -> memref<10000x128xf32, #tpu.memory_space<hbm>>
      tpu.wait_indirect_dma semaphore(%arg14 : memref<!tpu.dma_semaphore, #tpu.memory_space<semaphore_mem>>) src(%dma_wait3A_162 : memref<10000x128xf32, #tpu.memory_space<hbm>>) dst(%arg10 : memref<80x128xf32, #tpu.memory_space<vmem>>)
      "tpu.region"() ({
        %run_scoped3A_191 = tpu.sem_alloc : memref<!tpu.dma_semaphore, #tpu.memory_space<semaphore_mem>>
        %dma_start3A_192 = arith.constant 0 : i32
        %dma_start3A_193 = tpu.memref_slice %arg8[%add3A_156, %dma_start3A_192] : memref<64x80xi32, #tpu.memory_space<vmem>> -> memref<1x80xi32, #tpu.memory_space<vmem>>
        %dma_start3A_194 = tpu.memref_squeeze %dma_start3A_193 : memref<1x80xi32, #tpu.memory_space<vmem>> -> memref<80xi32, #tpu.memory_space<vmem>>
        %dma_start3A_195 = arith.constant 0 : i32
        %dma_start3A_196 = arith.constant 0 : i32
        %dma_start3A_197 = tpu.memref_slice %arg12[%dma_start3A_195, %dma_start3A_196] : memref<10240x128xf32, #tpu.memory_space<vmem_shared>> -> memref<10240x128xf32, #tpu.memory_space<vmem_shared>>
        tpu.enqueue_indirect_dma source(%arg10 : memref<80x128xf32, #tpu.memory_space<vmem>>) target(%dma_start3A_197 : memref<10240x128xf32, #tpu.memory_space<vmem_shared>>) offsets(%dma_start3A_194 : memref<80xi32, #tpu.memory_space<vmem>>) semaphore(%run_scoped3A_191 : memref<!tpu.dma_semaphore, #tpu.memory_space<semaphore_mem>>) {add = true}
        %dma_wait3A_198 = arith.constant 0 : i32
        %dma_wait3A_199 = tpu.memref_slice %arg8[%add3A_156, %dma_wait3A_198] : memref<64x80xi32, #tpu.memory_space<vmem>> -> memref<1x80xi32, #tpu.memory_space<vmem>>
        %dma_wait3A_200 = tpu.memref_squeeze %dma_wait3A_199 : memref<1x80xi32, #tpu.memory_space<vmem>> -> memref<80xi32, #tpu.memory_space<vmem>>
        %dma_wait3A_201 = arith.constant 0 : i32
        %dma_wait3A_202 = arith.constant 0 : i32
        %dma_wait3A_203 = tpu.memref_slice %arg12[%dma_wait3A_201, %dma_wait3A_202] : memref<10240x128xf32, #tpu.memory_space<vmem_shared>> -> memref<10240x128xf32, #tpu.memory_space<vmem_shared>>
        tpu.wait_indirect_dma semaphore(%run_scoped3A_191 : memref<!tpu.dma_semaphore, #tpu.memory_space<semaphore_mem>>) src(%arg10 : memref<80x128xf32, #tpu.memory_space<vmem>>) dst(%dma_wait3A_203 : memref<10240x128xf32, #tpu.memory_space<vmem_shared>>)
        tpu.yield
      }) : () -> ()
      %add3A_163 = arith.constant 1 : i32
      %add3A_164 = arith.addi %mul3A_136, %add3A_163 : i32
      %add3A_165 = arith.constant 3 : i32
      %add3A_166 = arith.addi %add3A_164, %add3A_165 : i32
      %dma_start3A_167 = arith.constant 0 : i32
      %dma_start3A_168 = tpu.memref_slice %arg7[%add3A_166, %dma_start3A_167] : memref<64x80xi32, #tpu.memory_space<vmem>> -> memref<1x80xi32, #tpu.memory_space<vmem>>
      %dma_start3A_169 = tpu.memref_squeeze %dma_start3A_168 : memref<1x80xi32, #tpu.memory_space<vmem>> -> memref<80xi32, #tpu.memory_space<vmem>>
      %dma_start3A_170 = arith.constant 0 : i32
      %dma_start3A_171 = arith.constant 0 : i32
      %dma_start3A_172 = tpu.memref_slice %arg2[%dma_start3A_170, %dma_start3A_171] : memref<10000x128xf32, #tpu.memory_space<hbm>> -> memref<10000x128xf32, #tpu.memory_space<hbm>>
      tpu.enqueue_indirect_dma source(%dma_start3A_172 : memref<10000x128xf32, #tpu.memory_space<hbm>>) target(%arg10 : memref<80x128xf32, #tpu.memory_space<vmem>>) offsets(%dma_start3A_169 : memref<80xi32, #tpu.memory_space<vmem>>) semaphore(%arg14 : memref<!tpu.dma_semaphore, #tpu.memory_space<semaphore_mem>>)
      %add3A_173 = arith.constant 2 : i32
      %add3A_174 = arith.addi %mul3A_136, %add3A_173 : i32
      %dma_wait3A_175 = arith.constant 0 : i32
      %dma_wait3A_176 = tpu.memref_slice %arg7[%add3A_174, %dma_wait3A_175] : memref<64x80xi32, #tpu.memory_space<vmem>> -> memref<1x80xi32, #tpu.memory_space<vmem>>
      %dma_wait3A_177 = tpu.memref_squeeze %dma_wait3A_176 : memref<1x80xi32, #tpu.memory_space<vmem>> -> memref<80xi32, #tpu.memory_space<vmem>>
      %dma_wait3A_178 = arith.constant 0 : i32
      %dma_wait3A_179 = arith.constant 0 : i32
      %dma_wait3A_180 = tpu.memref_slice %arg2[%dma_wait3A_178, %dma_wait3A_179] : memref<10000x128xf32, #tpu.memory_space<hbm>> -> memref<10000x128xf32, #tpu.memory_space<hbm>>
      tpu.wait_indirect_dma semaphore(%arg15 : memref<!tpu.dma_semaphore, #tpu.memory_space<semaphore_mem>>) src(%dma_wait3A_180 : memref<10000x128xf32, #tpu.memory_space<hbm>>) dst(%arg11 : memref<80x128xf32, #tpu.memory_space<vmem>>)
      "tpu.region"() ({
        %run_scoped3A_191 = tpu.sem_alloc : memref<!tpu.dma_semaphore, #tpu.memory_space<semaphore_mem>>
        %dma_start3A_192 = arith.constant 0 : i32
        %dma_start3A_193 = tpu.memref_slice %arg8[%add3A_174, %dma_start3A_192] : memref<64x80xi32, #tpu.memory_space<vmem>> -> memref<1x80xi32, #tpu.memory_space<vmem>>
        %dma_start3A_194 = tpu.memref_squeeze %dma_start3A_193 : memref<1x80xi32, #tpu.memory_space<vmem>> -> memref<80xi32, #tpu.memory_space<vmem>>
        %dma_start3A_195 = arith.constant 0 : i32
        %dma_start3A_196 = arith.constant 0 : i32
        %dma_start3A_197 = tpu.memref_slice %arg12[%dma_start3A_195, %dma_start3A_196] : memref<10240x128xf32, #tpu.memory_space<vmem_shared>> -> memref<10240x128xf32, #tpu.memory_space<vmem_shared>>
        tpu.enqueue_indirect_dma source(%arg11 : memref<80x128xf32, #tpu.memory_space<vmem>>) target(%dma_start3A_197 : memref<10240x128xf32, #tpu.memory_space<vmem_shared>>) offsets(%dma_start3A_194 : memref<80xi32, #tpu.memory_space<vmem>>) semaphore(%run_scoped3A_191 : memref<!tpu.dma_semaphore, #tpu.memory_space<semaphore_mem>>) {add = true}
        %dma_wait3A_198 = arith.constant 0 : i32
        %dma_wait3A_199 = tpu.memref_slice %arg8[%add3A_174, %dma_wait3A_198] : memref<64x80xi32, #tpu.memory_space<vmem>> -> memref<1x80xi32, #tpu.memory_space<vmem>>
        %dma_wait3A_200 = tpu.memref_squeeze %dma_wait3A_199 : memref<1x80xi32, #tpu.memory_space<vmem>> -> memref<80xi32, #tpu.memory_space<vmem>>
        %dma_wait3A_201 = arith.constant 0 : i32
        %dma_wait3A_202 = arith.constant 0 : i32
        %dma_wait3A_203 = tpu.memref_slice %arg12[%dma_wait3A_201, %dma_wait3A_202] : memref<10240x128xf32, #tpu.memory_space<vmem_shared>> -> memref<10240x128xf32, #tpu.memory_space<vmem_shared>>
        tpu.wait_indirect_dma semaphore(%run_scoped3A_191 : memref<!tpu.dma_semaphore, #tpu.memory_space<semaphore_mem>>) src(%arg11 : memref<80x128xf32, #tpu.memory_space<vmem>>) dst(%dma_wait3A_203 : memref<10240x128xf32, #tpu.memory_space<vmem_shared>>)
        tpu.yield
      }) : () -> ()
      %add3A_181 = arith.constant 2 : i32
      %add3A_182 = arith.addi %mul3A_136, %add3A_181 : i32
      %add3A_183 = arith.constant 3 : i32
      %add3A_184 = arith.addi %add3A_182, %add3A_183 : i32
      %dma_start3A_185 = arith.constant 0 : i32
      %dma_start3A_186 = tpu.memref_slice %arg7[%add3A_184, %dma_start3A_185] : memref<64x80xi32, #tpu.memory_space<vmem>> -> memref<1x80xi32, #tpu.memory_space<vmem>>
      %dma_start3A_187 = tpu.memref_squeeze %dma_start3A_186 : memref<1x80xi32, #tpu.memory_space<vmem>> -> memref<80xi32, #tpu.memory_space<vmem>>
      %dma_start3A_188 = arith.constant 0 : i32
      %dma_start3A_189 = arith.constant 0 : i32
      %dma_start3A_190 = tpu.memref_slice %arg2[%dma_start3A_188, %dma_start3A_189] : memref<10000x128xf32, #tpu.memory_space<hbm>> -> memref<10000x128xf32, #tpu.memory_space<hbm>>
      tpu.enqueue_indirect_dma source(%dma_start3A_190 : memref<10000x128xf32, #tpu.memory_space<hbm>>) target(%arg11 : memref<80x128xf32, #tpu.memory_space<vmem>>) offsets(%dma_start3A_187 : memref<80xi32, #tpu.memory_space<vmem>>) semaphore(%arg15 : memref<!tpu.dma_semaphore, #tpu.memory_space<semaphore_mem>>)
    }
    %scan3A_27 = arith.constant 20 : i32
    %dma_wait3A = arith.constant 60 : i32
    %dma_wait3A_28 = arith.constant 0 : i32
    %dma_wait3A_29 = tpu.memref_slice %arg7[%dma_wait3A, %dma_wait3A_28] : memref<64x80xi32, #tpu.memory_space<vmem>> -> memref<1x80xi32, #tpu.memory_space<vmem>>
    %dma_wait3A_30 = tpu.memref_squeeze %dma_wait3A_29 : memref<1x80xi32, #tpu.memory_space<vmem>> -> memref<80xi32, #tpu.memory_space<vmem>>
    %dma_wait3A_31 = arith.constant 0 : i32
    %dma_wait3A_32 = arith.constant 0 : i32
    %dma_wait3A_33 = tpu.memref_slice %arg2[%dma_wait3A_31, %dma_wait3A_32] : memref<10000x128xf32, #tpu.memory_space<hbm>> -> memref<10000x128xf32, #tpu.memory_space<hbm>>
    tpu.wait_indirect_dma semaphore(%arg13 : memref<!tpu.dma_semaphore, #tpu.memory_space<semaphore_mem>>) src(%dma_wait3A_33 : memref<10000x128xf32, #tpu.memory_space<hbm>>) dst(%arg9 : memref<80x128xf32, #tpu.memory_space<vmem>>)
    %run_scoped3A = arith.constant 60 : i32
    "tpu.region"() ({
      %run_scoped3A_134 = tpu.sem_alloc : memref<!tpu.dma_semaphore, #tpu.memory_space<semaphore_mem>>
      %dma_start3A_135 = arith.constant 0 : i32
      %dma_start3A_136 = tpu.memref_slice %arg8[%run_scoped3A, %dma_start3A_135] : memref<64x80xi32, #tpu.memory_space<vmem>> -> memref<1x80xi32, #tpu.memory_space<vmem>>
      %dma_start3A_137 = tpu.memref_squeeze %dma_start3A_136 : memref<1x80xi32, #tpu.memory_space<vmem>> -> memref<80xi32, #tpu.memory_space<vmem>>
      %dma_start3A_138 = arith.constant 0 : i32
      %dma_start3A_139 = arith.constant 0 : i32
      %dma_start3A_140 = tpu.memref_slice %arg12[%dma_start3A_138, %dma_start3A_139] : memref<10240x128xf32, #tpu.memory_space<vmem_shared>> -> memref<10240x128xf32, #tpu.memory_space<vmem_shared>>
      tpu.enqueue_indirect_dma source(%arg9 : memref<80x128xf32, #tpu.memory_space<vmem>>) target(%dma_start3A_140 : memref<10240x128xf32, #tpu.memory_space<vmem_shared>>) offsets(%dma_start3A_137 : memref<80xi32, #tpu.memory_space<vmem>>) semaphore(%run_scoped3A_134 : memref<!tpu.dma_semaphore, #tpu.memory_space<semaphore_mem>>) {add = true}
      %dma_wait3A_141 = arith.constant 0 : i32
      %dma_wait3A_142 = tpu.memref_slice %arg8[%run_scoped3A, %dma_wait3A_141] : memref<64x80xi32, #tpu.memory_space<vmem>> -> memref<1x80xi32, #tpu.memory_space<vmem>>
      %dma_wait3A_143 = tpu.memref_squeeze %dma_wait3A_142 : memref<1x80xi32, #tpu.memory_space<vmem>> -> memref<80xi32, #tpu.memory_space<vmem>>
      %dma_wait3A_144 = arith.constant 0 : i32
      %dma_wait3A_145 = arith.constant 0 : i32
      %dma_wait3A_146 = tpu.memref_slice %arg12[%dma_wait3A_144, %dma_wait3A_145] : memref<10240x128xf32, #tpu.memory_space<vmem_shared>> -> memref<10240x128xf32, #tpu.memory_space<vmem_shared>>
      tpu.wait_indirect_dma semaphore(%run_scoped3A_134 : memref<!tpu.dma_semaphore, #tpu.memory_space<semaphore_mem>>) src(%arg9 : memref<80x128xf32, #tpu.memory_space<vmem>>) dst(%dma_wait3A_146 : memref<10240x128xf32, #tpu.memory_space<vmem_shared>>)
      tpu.yield
    }) : () -> ()
    %dma_start3A_34 = arith.constant 63 : i32
    %dma_start3A_35 = arith.constant 0 : i32
    %dma_start3A_36 = tpu.memref_slice %arg7[%dma_start3A_34, %dma_start3A_35] : memref<64x80xi32, #tpu.memory_space<vmem>> -> memref<1x80xi32, #tpu.memory_space<vmem>>
    %dma_start3A_37 = tpu.memref_squeeze %dma_start3A_36 : memref<1x80xi32, #tpu.memory_space<vmem>> -> memref<80xi32, #tpu.memory_space<vmem>>
    %dma_start3A_38 = arith.constant 0 : i32
    %dma_start3A_39 = arith.constant 0 : i32
    %dma_start3A_40 = tpu.memref_slice %arg2[%dma_start3A_38, %dma_start3A_39] : memref<10000x128xf32, #tpu.memory_space<hbm>> -> memref<10000x128xf32, #tpu.memory_space<hbm>>
    tpu.enqueue_indirect_dma source(%dma_start3A_40 : memref<10000x128xf32, #tpu.memory_space<hbm>>) target(%arg9 : memref<80x128xf32, #tpu.memory_space<vmem>>) offsets(%dma_start3A_37 : memref<80xi32, #tpu.memory_space<vmem>>) semaphore(%arg13 : memref<!tpu.dma_semaphore, #tpu.memory_space<semaphore_mem>>)
    %dma_wait3A_41 = arith.constant 61 : i32
    %dma_wait3A_42 = arith.constant 0 : i32
    %dma_wait3A_43 = tpu.memref_slice %arg7[%dma_wait3A_41, %dma_wait3A_42] : memref<64x80xi32, #tpu.memory_space<vmem>> -> memref<1x80xi32, #tpu.memory_space<vmem>>
    %dma_wait3A_44 = tpu.memref_squeeze %dma_wait3A_43 : memref<1x80xi32, #tpu.memory_space<vmem>> -> memref<80xi32, #tpu.memory_space<vmem>>
    %dma_wait3A_45 = arith.constant 0 : i32
    %dma_wait3A_46 = arith.constant 0 : i32
    %dma_wait3A_47 = tpu.memref_slice %arg2[%dma_wait3A_45, %dma_wait3A_46] : memref<10000x128xf32, #tpu.memory_space<hbm>> -> memref<10000x128xf32, #tpu.memory_space<hbm>>
    tpu.wait_indirect_dma semaphore(%arg14 : memref<!tpu.dma_semaphore, #tpu.memory_space<semaphore_mem>>) src(%dma_wait3A_47 : memref<10000x128xf32, #tpu.memory_space<hbm>>) dst(%arg10 : memref<80x128xf32, #tpu.memory_space<vmem>>)
    %run_scoped3A_48 = arith.constant 61 : i32
    "tpu.region"() ({
      %run_scoped3A_134 = tpu.sem_alloc : memref<!tpu.dma_semaphore, #tpu.memory_space<semaphore_mem>>
      %dma_start3A_135 = arith.constant 0 : i32
      %dma_start3A_136 = tpu.memref_slice %arg8[%run_scoped3A_48, %dma_start3A_135] : memref<64x80xi32, #tpu.memory_space<vmem>> -> memref<1x80xi32, #tpu.memory_space<vmem>>
      %dma_start3A_137 = tpu.memref_squeeze %dma_start3A_136 : memref<1x80xi32, #tpu.memory_space<vmem>> -> memref<80xi32, #tpu.memory_space<vmem>>
      %dma_start3A_138 = arith.constant 0 : i32
      %dma_start3A_139 = arith.constant 0 : i32
      %dma_start3A_140 = tpu.memref_slice %arg12[%dma_start3A_138, %dma_start3A_139] : memref<10240x128xf32, #tpu.memory_space<vmem_shared>> -> memref<10240x128xf32, #tpu.memory_space<vmem_shared>>
      tpu.enqueue_indirect_dma source(%arg10 : memref<80x128xf32, #tpu.memory_space<vmem>>) target(%dma_start3A_140 : memref<10240x128xf32, #tpu.memory_space<vmem_shared>>) offsets(%dma_start3A_137 : memref<80xi32, #tpu.memory_space<vmem>>) semaphore(%run_scoped3A_134 : memref<!tpu.dma_semaphore, #tpu.memory_space<semaphore_mem>>) {add = true}
      %dma_wait3A_141 = arith.constant 0 : i32
      %dma_wait3A_142 = tpu.memref_slice %arg8[%run_scoped3A_48, %dma_wait3A_141] : memref<64x80xi32, #tpu.memory_space<vmem>> -> memref<1x80xi32, #tpu.memory_space<vmem>>
      %dma_wait3A_143 = tpu.memref_squeeze %dma_wait3A_142 : memref<1x80xi32, #tpu.memory_space<vmem>> -> memref<80xi32, #tpu.memory_space<vmem>>
      %dma_wait3A_144 = arith.constant 0 : i32
      %dma_wait3A_145 = arith.constant 0 : i32
      %dma_wait3A_146 = tpu.memref_slice %arg12[%dma_wait3A_144, %dma_wait3A_145] : memref<10240x128xf32, #tpu.memory_space<vmem_shared>> -> memref<10240x128xf32, #tpu.memory_space<vmem_shared>>
      tpu.wait_indirect_dma semaphore(%run_scoped3A_134 : memref<!tpu.dma_semaphore, #tpu.memory_space<semaphore_mem>>) src(%arg10 : memref<80x128xf32, #tpu.memory_space<vmem>>) dst(%dma_wait3A_146 : memref<10240x128xf32, #tpu.memory_space<vmem_shared>>)
      tpu.yield
    }) : () -> ()
    %dma_wait3A_49 = arith.constant 62 : i32
    %dma_wait3A_50 = arith.constant 0 : i32
    %dma_wait3A_51 = tpu.memref_slice %arg7[%dma_wait3A_49, %dma_wait3A_50] : memref<64x80xi32, #tpu.memory_space<vmem>> -> memref<1x80xi32, #tpu.memory_space<vmem>>
    %dma_wait3A_52 = tpu.memref_squeeze %dma_wait3A_51 : memref<1x80xi32, #tpu.memory_space<vmem>> -> memref<80xi32, #tpu.memory_space<vmem>>
    %dma_wait3A_53 = arith.constant 0 : i32
    %dma_wait3A_54 = arith.constant 0 : i32
    %dma_wait3A_55 = tpu.memref_slice %arg2[%dma_wait3A_53, %dma_wait3A_54] : memref<10000x128xf32, #tpu.memory_space<hbm>> -> memref<10000x128xf32, #tpu.memory_space<hbm>>
    tpu.wait_indirect_dma semaphore(%arg15 : memref<!tpu.dma_semaphore, #tpu.memory_space<semaphore_mem>>) src(%dma_wait3A_55 : memref<10000x128xf32, #tpu.memory_space<hbm>>) dst(%arg11 : memref<80x128xf32, #tpu.memory_space<vmem>>)
    %run_scoped3A_56 = arith.constant 62 : i32
    "tpu.region"() ({
      %run_scoped3A_134 = tpu.sem_alloc : memref<!tpu.dma_semaphore, #tpu.memory_space<semaphore_mem>>
      %dma_start3A_135 = arith.constant 0 : i32
      %dma_start3A_136 = tpu.memref_slice %arg8[%run_scoped3A_56, %dma_start3A_135] : memref<64x80xi32, #tpu.memory_space<vmem>> -> memref<1x80xi32, #tpu.memory_space<vmem>>
      %dma_start3A_137 = tpu.memref_squeeze %dma_start3A_136 : memref<1x80xi32, #tpu.memory_space<vmem>> -> memref<80xi32, #tpu.memory_space<vmem>>
      %dma_start3A_138 = arith.constant 0 : i32
      %dma_start3A_139 = arith.constant 0 : i32
      %dma_start3A_140 = tpu.memref_slice %arg12[%dma_start3A_138, %dma_start3A_139] : memref<10240x128xf32, #tpu.memory_space<vmem_shared>> -> memref<10240x128xf32, #tpu.memory_space<vmem_shared>>
      tpu.enqueue_indirect_dma source(%arg11 : memref<80x128xf32, #tpu.memory_space<vmem>>) target(%dma_start3A_140 : memref<10240x128xf32, #tpu.memory_space<vmem_shared>>) offsets(%dma_start3A_137 : memref<80xi32, #tpu.memory_space<vmem>>) semaphore(%run_scoped3A_134 : memref<!tpu.dma_semaphore, #tpu.memory_space<semaphore_mem>>) {add = true}
      %dma_wait3A_141 = arith.constant 0 : i32
      %dma_wait3A_142 = tpu.memref_slice %arg8[%run_scoped3A_56, %dma_wait3A_141] : memref<64x80xi32, #tpu.memory_space<vmem>> -> memref<1x80xi32, #tpu.memory_space<vmem>>
      %dma_wait3A_143 = tpu.memref_squeeze %dma_wait3A_142 : memref<1x80xi32, #tpu.memory_space<vmem>> -> memref<80xi32, #tpu.memory_space<vmem>>
      %dma_wait3A_144 = arith.constant 0 : i32
      %dma_wait3A_145 = arith.constant 0 : i32
      %dma_wait3A_146 = tpu.memref_slice %arg12[%dma_wait3A_144, %dma_wait3A_145] : memref<10240x128xf32, #tpu.memory_space<vmem_shared>> -> memref<10240x128xf32, #tpu.memory_space<vmem_shared>>
      tpu.wait_indirect_dma semaphore(%run_scoped3A_134 : memref<!tpu.dma_semaphore, #tpu.memory_space<semaphore_mem>>) src(%arg11 : memref<80x128xf32, #tpu.memory_space<vmem>>) dst(%dma_wait3A_146 : memref<10240x128xf32, #tpu.memory_space<vmem_shared>>)
      tpu.yield
    }) : () -> ()
    %dma_wait3A_57 = arith.constant 63 : i32
    %dma_wait3A_58 = arith.constant 0 : i32
    %dma_wait3A_59 = tpu.memref_slice %arg7[%dma_wait3A_57, %dma_wait3A_58] : memref<64x80xi32, #tpu.memory_space<vmem>> -> memref<1x80xi32, #tpu.memory_space<vmem>>
    %dma_wait3A_60 = tpu.memref_squeeze %dma_wait3A_59 : memref<1x80xi32, #tpu.memory_space<vmem>> -> memref<80xi32, #tpu.memory_space<vmem>>
    %dma_wait3A_61 = arith.constant 0 : i32
    %dma_wait3A_62 = arith.constant 0 : i32
    %dma_wait3A_63 = tpu.memref_slice %arg2[%dma_wait3A_61, %dma_wait3A_62] : memref<10000x128xf32, #tpu.memory_space<hbm>> -> memref<10000x128xf32, #tpu.memory_space<hbm>>
    tpu.wait_indirect_dma semaphore(%arg13 : memref<!tpu.dma_semaphore, #tpu.memory_space<semaphore_mem>>) src(%dma_wait3A_63 : memref<10000x128xf32, #tpu.memory_space<hbm>>) dst(%arg9 : memref<80x128xf32, #tpu.memory_space<vmem>>)
    %run_scoped3A_64 = arith.constant 63 : i32
    "tpu.region"() ({
      %run_scoped3A_134 = tpu.sem_alloc : memref<!tpu.dma_semaphore, #tpu.memory_space<semaphore_mem>>
      %dma_start3A_135 = arith.constant 0 : i32
      %dma_start3A_136 = tpu.memref_slice %arg8[%run_scoped3A_64, %dma_start3A_135] : memref<64x80xi32, #tpu.memory_space<vmem>> -> memref<1x80xi32, #tpu.memory_space<vmem>>
      %dma_start3A_137 = tpu.memref_squeeze %dma_start3A_136 : memref<1x80xi32, #tpu.memory_space<vmem>> -> memref<80xi32, #tpu.memory_space<vmem>>
      %dma_start3A_138 = arith.constant 0 : i32
      %dma_start3A_139 = arith.constant 0 : i32
      %dma_start3A_140 = tpu.memref_slice %arg12[%dma_start3A_138, %dma_start3A_139] : memref<10240x128xf32, #tpu.memory_space<vmem_shared>> -> memref<10240x128xf32, #tpu.memory_space<vmem_shared>>
      tpu.enqueue_indirect_dma source(%arg9 : memref<80x128xf32, #tpu.memory_space<vmem>>) target(%dma_start3A_140 : memref<10240x128xf32, #tpu.memory_space<vmem_shared>>) offsets(%dma_start3A_137 : memref<80xi32, #tpu.memory_space<vmem>>) semaphore(%run_scoped3A_134 : memref<!tpu.dma_semaphore, #tpu.memory_space<semaphore_mem>>) {add = true}
      %dma_wait3A_141 = arith.constant 0 : i32
      %dma_wait3A_142 = tpu.memref_slice %arg8[%run_scoped3A_64, %dma_wait3A_141] : memref<64x80xi32, #tpu.memory_space<vmem>> -> memref<1x80xi32, #tpu.memory_space<vmem>>
      %dma_wait3A_143 = tpu.memref_squeeze %dma_wait3A_142 : memref<1x80xi32, #tpu.memory_space<vmem>> -> memref<80xi32, #tpu.memory_space<vmem>>
      %dma_wait3A_144 = arith.constant 0 : i32
      %dma_wait3A_145 = arith.constant 0 : i32
      %dma_wait3A_146 = tpu.memref_slice %arg12[%dma_wait3A_144, %dma_wait3A_145] : memref<10240x128xf32, #tpu.memory_space<vmem_shared>> -> memref<10240x128xf32, #tpu.memory_space<vmem_shared>>
      tpu.wait_indirect_dma semaphore(%run_scoped3A_134 : memref<!tpu.dma_semaphore, #tpu.memory_space<semaphore_mem>>) src(%arg9 : memref<80x128xf32, #tpu.memory_space<vmem>>) dst(%dma_wait3A_146 : memref<10240x128xf32, #tpu.memory_space<vmem_shared>>)
      tpu.yield
    }) : () -> ()
    "tpu.region"() ({
      %run_scoped3A_134 = tpu.sem_alloc : memref<!tpu.dma_semaphore, #tpu.memory_space<semaphore_mem>>
      %dma_start3A_135 = arith.constant 0 : i32
      %dma_start3A_136 = arith.constant 0 : i32
      %dma_start3A_137 = tpu.memref_slice %arg7[%dma_start3A_135, %dma_start3A_136] : memref<64x80xi32, #tpu.memory_space<vmem>> -> memref<61x80xi32, #tpu.memory_space<vmem>>
      %dma_start3A_138 = arith.constant 64 : i32
      %dma_start3A_139 = arith.constant 0 : i32
      %dma_start3A_140 = tpu.memref_slice %arg3[%add3A, %dma_start3A_138, %dma_start3A_139] : memref<32x125x80xi32, #tpu.memory_space<hbm>> -> memref<1x61x80xi32, #tpu.memory_space<hbm>>
      %dma_start3A_141 = tpu.memref_squeeze %dma_start3A_140 : memref<1x61x80xi32, #tpu.memory_space<hbm>> -> memref<61x80xi32, #tpu.memory_space<hbm>>
      %dma_start3A_142 = arith.constant 0 : i32
      %dma_start3A_143 = arith.constant 0 : i32
      %dma_start3A_144 = tpu.memref_slice %arg7[%dma_start3A_142, %dma_start3A_143] : memref<64x80xi32, #tpu.memory_space<vmem>> -> memref<61x80xi32, #tpu.memory_space<vmem>>
      %dma_start3A_145 = arith.constant 64 : i32
      %dma_start3A_146 = arith.constant 0 : i32
      %dma_start3A_147 = tpu.memref_slice %arg3[%add3A, %dma_start3A_145, %dma_start3A_146] : memref<32x125x80xi32, #tpu.memory_space<hbm>> -> memref<1x61x80xi32, #tpu.memory_space<hbm>>
      %dma_start3A_148 = tpu.memref_squeeze %dma_start3A_147 : memref<1x61x80xi32, #tpu.memory_space<hbm>> -> memref<61x80xi32, #tpu.memory_space<hbm>>
      tpu.enqueue_dma source(%dma_start3A_148 : memref<61x80xi32, #tpu.memory_space<hbm>>) target(%dma_start3A_144 : memref<61x80xi32, #tpu.memory_space<vmem>>) target_semaphore(%run_scoped3A_134 : memref<!tpu.dma_semaphore, #tpu.memory_space<semaphore_mem>>)
      %dma_wait3A_149 = arith.constant 0 : i32
      %dma_wait3A_150 = arith.constant 0 : i32
      %dma_wait3A_151 = tpu.memref_slice %arg7[%dma_wait3A_149, %dma_wait3A_150] : memref<64x80xi32, #tpu.memory_space<vmem>> -> memref<61x80xi32, #tpu.memory_space<vmem>>
      %dma_wait3A_152 = arith.constant 64 : i32
      %dma_wait3A_153 = arith.constant 0 : i32
      %dma_wait3A_154 = tpu.memref_slice %arg3[%add3A, %dma_wait3A_152, %dma_wait3A_153] : memref<32x125x80xi32, #tpu.memory_space<hbm>> -> memref<1x61x80xi32, #tpu.memory_space<hbm>>
      %dma_wait3A_155 = tpu.memref_squeeze %dma_wait3A_154 : memref<1x61x80xi32, #tpu.memory_space<hbm>> -> memref<61x80xi32, #tpu.memory_space<hbm>>
      %dma_wait3A_156 = arith.constant 0 : i32
      %dma_wait3A_157 = arith.constant 0 : i32
      %dma_wait3A_158 = tpu.memref_slice %arg7[%dma_wait3A_156, %dma_wait3A_157] : memref<64x80xi32, #tpu.memory_space<vmem>> -> memref<61x80xi32, #tpu.memory_space<vmem>>
      %dma_wait3A_159 = arith.constant 64 : i32
      %dma_wait3A_160 = arith.constant 0 : i32
      %dma_wait3A_161 = tpu.memref_slice %arg3[%add3A, %dma_wait3A_159, %dma_wait3A_160] : memref<32x125x80xi32, #tpu.memory_space<hbm>> -> memref<1x61x80xi32, #tpu.memory_space<hbm>>
      %dma_wait3A_162 = tpu.memref_squeeze %dma_wait3A_161 : memref<1x61x80xi32, #tpu.memory_space<hbm>> -> memref<61x80xi32, #tpu.memory_space<hbm>>
      tpu.wait_dma2 semaphore(%run_scoped3A_134 : memref<!tpu.dma_semaphore, #tpu.memory_space<semaphore_mem>>) src(%dma_wait3A_162 : memref<61x80xi32, #tpu.memory_space<hbm>>) dst(%dma_wait3A_158 : memref<61x80xi32, #tpu.memory_space<vmem>>)
      tpu.yield
    }) : () -> ()
    "tpu.region"() ({
      %run_scoped3A_134 = tpu.sem_alloc : memref<!tpu.dma_semaphore, #tpu.memory_space<semaphore_mem>>
      %dma_start3A_135 = arith.constant 0 : i32
      %dma_start3A_136 = arith.constant 0 : i32
      %dma_start3A_137 = tpu.memref_slice %arg8[%dma_start3A_135, %dma_start3A_136] : memref<64x80xi32, #tpu.memory_space<vmem>> -> memref<61x80xi32, #tpu.memory_space<vmem>>
      %dma_start3A_138 = arith.constant 64 : i32
      %dma_start3A_139 = arith.constant 0 : i32
      %dma_start3A_140 = tpu.memref_slice %arg4[%add3A, %dma_start3A_138, %dma_start3A_139] : memref<32x125x80xi32, #tpu.memory_space<hbm>> -> memref<1x61x80xi32, #tpu.memory_space<hbm>>
      %dma_start3A_141 = tpu.memref_squeeze %dma_start3A_140 : memref<1x61x80xi32, #tpu.memory_space<hbm>> -> memref<61x80xi32, #tpu.memory_space<hbm>>
      %dma_start3A_142 = arith.constant 0 : i32
      %dma_start3A_143 = arith.constant 0 : i32
      %dma_start3A_144 = tpu.memref_slice %arg8[%dma_start3A_142, %dma_start3A_143] : memref<64x80xi32, #tpu.memory_space<vmem>> -> memref<61x80xi32, #tpu.memory_space<vmem>>
      %dma_start3A_145 = arith.constant 64 : i32
      %dma_start3A_146 = arith.constant 0 : i32
      %dma_start3A_147 = tpu.memref_slice %arg4[%add3A, %dma_start3A_145, %dma_start3A_146] : memref<32x125x80xi32, #tpu.memory_space<hbm>> -> memref<1x61x80xi32, #tpu.memory_space<hbm>>
      %dma_start3A_148 = tpu.memref_squeeze %dma_start3A_147 : memref<1x61x80xi32, #tpu.memory_space<hbm>> -> memref<61x80xi32, #tpu.memory_space<hbm>>
      tpu.enqueue_dma source(%dma_start3A_148 : memref<61x80xi32, #tpu.memory_space<hbm>>) target(%dma_start3A_144 : memref<61x80xi32, #tpu.memory_space<vmem>>) target_semaphore(%run_scoped3A_134 : memref<!tpu.dma_semaphore, #tpu.memory_space<semaphore_mem>>)
      %dma_wait3A_149 = arith.constant 0 : i32
      %dma_wait3A_150 = arith.constant 0 : i32
      %dma_wait3A_151 = tpu.memref_slice %arg8[%dma_wait3A_149, %dma_wait3A_150] : memref<64x80xi32, #tpu.memory_space<vmem>> -> memref<61x80xi32, #tpu.memory_space<vmem>>
      %dma_wait3A_152 = arith.constant 64 : i32
      %dma_wait3A_153 = arith.constant 0 : i32
      %dma_wait3A_154 = tpu.memref_slice %arg4[%add3A, %dma_wait3A_152, %dma_wait3A_153] : memref<32x125x80xi32, #tpu.memory_space<hbm>> -> memref<1x61x80xi32, #tpu.memory_space<hbm>>
      %dma_wait3A_155 = tpu.memref_squeeze %dma_wait3A_154 : memref<1x61x80xi32, #tpu.memory_space<hbm>> -> memref<61x80xi32, #tpu.memory_space<hbm>>
      %dma_wait3A_156 = arith.constant 0 : i32
      %dma_wait3A_157 = arith.constant 0 : i32
      %dma_wait3A_158 = tpu.memref_slice %arg8[%dma_wait3A_156, %dma_wait3A_157] : memref<64x80xi32, #tpu.memory_space<vmem>> -> memref<61x80xi32, #tpu.memory_space<vmem>>
      %dma_wait3A_159 = arith.constant 64 : i32
      %dma_wait3A_160 = arith.constant 0 : i32
      %dma_wait3A_161 = tpu.memref_slice %arg4[%add3A, %dma_wait3A_159, %dma_wait3A_160] : memref<32x125x80xi32, #tpu.memory_space<hbm>> -> memref<1x61x80xi32, #tpu.memory_space<hbm>>
      %dma_wait3A_162 = tpu.memref_squeeze %dma_wait3A_161 : memref<1x61x80xi32, #tpu.memory_space<hbm>> -> memref<61x80xi32, #tpu.memory_space<hbm>>
      tpu.wait_dma2 semaphore(%run_scoped3A_134 : memref<!tpu.dma_semaphore, #tpu.memory_space<semaphore_mem>>) src(%dma_wait3A_162 : memref<61x80xi32, #tpu.memory_space<hbm>>) dst(%dma_wait3A_158 : memref<61x80xi32, #tpu.memory_space<vmem>>)
      tpu.yield
    }) : () -> ()
    %dma_start3A_65 = arith.constant 0 : i32
    %dma_start3A_66 = arith.constant 0 : i32
    %dma_start3A_67 = tpu.memref_slice %arg7[%dma_start3A_65, %dma_start3A_66] : memref<64x80xi32, #tpu.memory_space<vmem>> -> memref<1x80xi32, #tpu.memory_space<vmem>>
    %dma_start3A_68 = tpu.memref_squeeze %dma_start3A_67 : memref<1x80xi32, #tpu.memory_space<vmem>> -> memref<80xi32, #tpu.memory_space<vmem>>
    %dma_start3A_69 = arith.constant 0 : i32
    %dma_start3A_70 = arith.constant 0 : i32
    %dma_start3A_71 = tpu.memref_slice %arg2[%dma_start3A_69, %dma_start3A_70] : memref<10000x128xf32, #tpu.memory_space<hbm>> -> memref<10000x128xf32, #tpu.memory_space<hbm>>
    tpu.enqueue_indirect_dma source(%dma_start3A_71 : memref<10000x128xf32, #tpu.memory_space<hbm>>) target(%arg9 : memref<80x128xf32, #tpu.memory_space<vmem>>) offsets(%dma_start3A_68 : memref<80xi32, #tpu.memory_space<vmem>>) semaphore(%arg13 : memref<!tpu.dma_semaphore, #tpu.memory_space<semaphore_mem>>)
    %dma_start3A_72 = arith.constant 1 : i32
    %dma_start3A_73 = arith.constant 0 : i32
    %dma_start3A_74 = tpu.memref_slice %arg7[%dma_start3A_72, %dma_start3A_73] : memref<64x80xi32, #tpu.memory_space<vmem>> -> memref<1x80xi32, #tpu.memory_space<vmem>>
    %dma_start3A_75 = tpu.memref_squeeze %dma_start3A_74 : memref<1x80xi32, #tpu.memory_space<vmem>> -> memref<80xi32, #tpu.memory_space<vmem>>
    %dma_start3A_76 = arith.constant 0 : i32
    %dma_start3A_77 = arith.constant 0 : i32
    %dma_start3A_78 = tpu.memref_slice %arg2[%dma_start3A_76, %dma_start3A_77] : memref<10000x128xf32, #tpu.memory_space<hbm>> -> memref<10000x128xf32, #tpu.memory_space<hbm>>
    tpu.enqueue_indirect_dma source(%dma_start3A_78 : memref<10000x128xf32, #tpu.memory_space<hbm>>) target(%arg10 : memref<80x128xf32, #tpu.memory_space<vmem>>) offsets(%dma_start3A_75 : memref<80xi32, #tpu.memory_space<vmem>>) semaphore(%arg14 : memref<!tpu.dma_semaphore, #tpu.memory_space<semaphore_mem>>)
    %dma_start3A_79 = arith.constant 2 : i32
    %dma_start3A_80 = arith.constant 0 : i32
    %dma_start3A_81 = tpu.memref_slice %arg7[%dma_start3A_79, %dma_start3A_80] : memref<64x80xi32, #tpu.memory_space<vmem>> -> memref<1x80xi32, #tpu.memory_space<vmem>>
    %dma_start3A_82 = tpu.memref_squeeze %dma_start3A_81 : memref<1x80xi32, #tpu.memory_space<vmem>> -> memref<80xi32, #tpu.memory_space<vmem>>
    %dma_start3A_83 = arith.constant 0 : i32
    %dma_start3A_84 = arith.constant 0 : i32
    %dma_start3A_85 = tpu.memref_slice %arg2[%dma_start3A_83, %dma_start3A_84] : memref<10000x128xf32, #tpu.memory_space<hbm>> -> memref<10000x128xf32, #tpu.memory_space<hbm>>
    tpu.enqueue_indirect_dma source(%dma_start3A_85 : memref<10000x128xf32, #tpu.memory_space<hbm>>) target(%arg11 : memref<80x128xf32, #tpu.memory_space<vmem>>) offsets(%dma_start3A_82 : memref<80xi32, #tpu.memory_space<vmem>>) semaphore(%arg15 : memref<!tpu.dma_semaphore, #tpu.memory_space<semaphore_mem>>)
    %scan3A_86 = arith.constant 0 : i32
    %scan3A_87 = arith.constant 0 : i32
    %scan3A_88 = arith.constant 19 : i32
    %scan3A_89 = arith.addi %scan3A_87, %scan3A_88 : i32
    %scan3A_90 = arith.constant 1 : i32
    scf.for %scan3A_134 = %scan3A_87 to %scan3A_89 step %scan3A_90  : i32 {
      %mul3A_135 = arith.constant 3 : i32
      %mul3A_136 = arith.muli %mul3A_135, %scan3A_134 : i32
      %add3A_137 = arith.constant 0 : i32
      %add3A_138 = arith.addi %mul3A_136, %add3A_137 : i32
      %dma_wait3A_139 = arith.constant 0 : i32
      %dma_wait3A_140 = tpu.memref_slice %arg7[%add3A_138, %dma_wait3A_139] : memref<64x80xi32, #tpu.memory_space<vmem>> -> memref<1x80xi32, #tpu.memory_space<vmem>>
      %dma_wait3A_141 = tpu.memref_squeeze %dma_wait3A_140 : memref<1x80xi32, #tpu.memory_space<vmem>> -> memref<80xi32, #tpu.memory_space<vmem>>
      %dma_wait3A_142 = arith.constant 0 : i32
      %dma_wait3A_143 = arith.constant 0 : i32
      %dma_wait3A_144 = tpu.memref_slice %arg2[%dma_wait3A_142, %dma_wait3A_143] : memref<10000x128xf32, #tpu.memory_space<hbm>> -> memref<10000x128xf32, #tpu.memory_space<hbm>>
      tpu.wait_indirect_dma semaphore(%arg13 : memref<!tpu.dma_semaphore, #tpu.memory_space<semaphore_mem>>) src(%dma_wait3A_144 : memref<10000x128xf32, #tpu.memory_space<hbm>>) dst(%arg9 : memref<80x128xf32, #tpu.memory_space<vmem>>)
      "tpu.region"() ({
        %run_scoped3A_191 = tpu.sem_alloc : memref<!tpu.dma_semaphore, #tpu.memory_space<semaphore_mem>>
        %dma_start3A_192 = arith.constant 0 : i32
        %dma_start3A_193 = tpu.memref_slice %arg8[%add3A_138, %dma_start3A_192] : memref<64x80xi32, #tpu.memory_space<vmem>> -> memref<1x80xi32, #tpu.memory_space<vmem>>
        %dma_start3A_194 = tpu.memref_squeeze %dma_start3A_193 : memref<1x80xi32, #tpu.memory_space<vmem>> -> memref<80xi32, #tpu.memory_space<vmem>>
        %dma_start3A_195 = arith.constant 0 : i32
        %dma_start3A_196 = arith.constant 0 : i32
        %dma_start3A_197 = tpu.memref_slice %arg12[%dma_start3A_195, %dma_start3A_196] : memref<10240x128xf32, #tpu.memory_space<vmem_shared>> -> memref<10240x128xf32, #tpu.memory_space<vmem_shared>>
        tpu.enqueue_indirect_dma source(%arg9 : memref<80x128xf32, #tpu.memory_space<vmem>>) target(%dma_start3A_197 : memref<10240x128xf32, #tpu.memory_space<vmem_shared>>) offsets(%dma_start3A_194 : memref<80xi32, #tpu.memory_space<vmem>>) semaphore(%run_scoped3A_191 : memref<!tpu.dma_semaphore, #tpu.memory_space<semaphore_mem>>) {add = true}
        %dma_wait3A_198 = arith.constant 0 : i32
        %dma_wait3A_199 = tpu.memref_slice %arg8[%add3A_138, %dma_wait3A_198] : memref<64x80xi32, #tpu.memory_space<vmem>> -> memref<1x80xi32, #tpu.memory_space<vmem>>
        %dma_wait3A_200 = tpu.memref_squeeze %dma_wait3A_199 : memref<1x80xi32, #tpu.memory_space<vmem>> -> memref<80xi32, #tpu.memory_space<vmem>>
        %dma_wait3A_201 = arith.constant 0 : i32
        %dma_wait3A_202 = arith.constant 0 : i32
        %dma_wait3A_203 = tpu.memref_slice %arg12[%dma_wait3A_201, %dma_wait3A_202] : memref<10240x128xf32, #tpu.memory_space<vmem_shared>> -> memref<10240x128xf32, #tpu.memory_space<vmem_shared>>
        tpu.wait_indirect_dma semaphore(%run_scoped3A_191 : memref<!tpu.dma_semaphore, #tpu.memory_space<semaphore_mem>>) src(%arg9 : memref<80x128xf32, #tpu.memory_space<vmem>>) dst(%dma_wait3A_203 : memref<10240x128xf32, #tpu.memory_space<vmem_shared>>)
        tpu.yield
      }) : () -> ()
      %add3A_145 = arith.constant 0 : i32
      %add3A_146 = arith.addi %mul3A_136, %add3A_145 : i32
      %add3A_147 = arith.constant 3 : i32
      %add3A_148 = arith.addi %add3A_146, %add3A_147 : i32
      %dma_start3A_149 = arith.constant 0 : i32
      %dma_start3A_150 = tpu.memref_slice %arg7[%add3A_148, %dma_start3A_149] : memref<64x80xi32, #tpu.memory_space<vmem>> -> memref<1x80xi32, #tpu.memory_space<vmem>>
      %dma_start3A_151 = tpu.memref_squeeze %dma_start3A_150 : memref<1x80xi32, #tpu.memory_space<vmem>> -> memref<80xi32, #tpu.memory_space<vmem>>
      %dma_start3A_152 = arith.constant 0 : i32
      %dma_start3A_153 = arith.constant 0 : i32
      %dma_start3A_154 = tpu.memref_slice %arg2[%dma_start3A_152, %dma_start3A_153] : memref<10000x128xf32, #tpu.memory_space<hbm>> -> memref<10000x128xf32, #tpu.memory_space<hbm>>
      tpu.enqueue_indirect_dma source(%dma_start3A_154 : memref<10000x128xf32, #tpu.memory_space<hbm>>) target(%arg9 : memref<80x128xf32, #tpu.memory_space<vmem>>) offsets(%dma_start3A_151 : memref<80xi32, #tpu.memory_space<vmem>>) semaphore(%arg13 : memref<!tpu.dma_semaphore, #tpu.memory_space<semaphore_mem>>)
      %add3A_155 = arith.constant 1 : i32
      %add3A_156 = arith.addi %mul3A_136, %add3A_155 : i32
      %dma_wait3A_157 = arith.constant 0 : i32
      %dma_wait3A_158 = tpu.memref_slice %arg7[%add3A_156, %dma_wait3A_157] : memref<64x80xi32, #tpu.memory_space<vmem>> -> memref<1x80xi32, #tpu.memory_space<vmem>>
      %dma_wait3A_159 = tpu.memref_squeeze %dma_wait3A_158 : memref<1x80xi32, #tpu.memory_space<vmem>> -> memref<80xi32, #tpu.memory_space<vmem>>
      %dma_wait3A_160 = arith.constant 0 : i32
      %dma_wait3A_161 = arith.constant 0 : i32
      %dma_wait3A_162 = tpu.memref_slice %arg2[%dma_wait3A_160, %dma_wait3A_161] : memref<10000x128xf32, #tpu.memory_space<hbm>> -> memref<10000x128xf32, #tpu.memory_space<hbm>>
      tpu.wait_indirect_dma semaphore(%arg14 : memref<!tpu.dma_semaphore, #tpu.memory_space<semaphore_mem>>) src(%dma_wait3A_162 : memref<10000x128xf32, #tpu.memory_space<hbm>>) dst(%arg10 : memref<80x128xf32, #tpu.memory_space<vmem>>)
      "tpu.region"() ({
        %run_scoped3A_191 = tpu.sem_alloc : memref<!tpu.dma_semaphore, #tpu.memory_space<semaphore_mem>>
        %dma_start3A_192 = arith.constant 0 : i32
        %dma_start3A_193 = tpu.memref_slice %arg8[%add3A_156, %dma_start3A_192] : memref<64x80xi32, #tpu.memory_space<vmem>> -> memref<1x80xi32, #tpu.memory_space<vmem>>
        %dma_start3A_194 = tpu.memref_squeeze %dma_start3A_193 : memref<1x80xi32, #tpu.memory_space<vmem>> -> memref<80xi32, #tpu.memory_space<vmem>>
        %dma_start3A_195 = arith.constant 0 : i32
        %dma_start3A_196 = arith.constant 0 : i32
        %dma_start3A_197 = tpu.memref_slice %arg12[%dma_start3A_195, %dma_start3A_196] : memref<10240x128xf32, #tpu.memory_space<vmem_shared>> -> memref<10240x128xf32, #tpu.memory_space<vmem_shared>>
        tpu.enqueue_indirect_dma source(%arg10 : memref<80x128xf32, #tpu.memory_space<vmem>>) target(%dma_start3A_197 : memref<10240x128xf32, #tpu.memory_space<vmem_shared>>) offsets(%dma_start3A_194 : memref<80xi32, #tpu.memory_space<vmem>>) semaphore(%run_scoped3A_191 : memref<!tpu.dma_semaphore, #tpu.memory_space<semaphore_mem>>) {add = true}
        %dma_wait3A_198 = arith.constant 0 : i32
        %dma_wait3A_199 = tpu.memref_slice %arg8[%add3A_156, %dma_wait3A_198] : memref<64x80xi32, #tpu.memory_space<vmem>> -> memref<1x80xi32, #tpu.memory_space<vmem>>
        %dma_wait3A_200 = tpu.memref_squeeze %dma_wait3A_199 : memref<1x80xi32, #tpu.memory_space<vmem>> -> memref<80xi32, #tpu.memory_space<vmem>>
        %dma_wait3A_201 = arith.constant 0 : i32
        %dma_wait3A_202 = arith.constant 0 : i32
        %dma_wait3A_203 = tpu.memref_slice %arg12[%dma_wait3A_201, %dma_wait3A_202] : memref<10240x128xf32, #tpu.memory_space<vmem_shared>> -> memref<10240x128xf32, #tpu.memory_space<vmem_shared>>
        tpu.wait_indirect_dma semaphore(%run_scoped3A_191 : memref<!tpu.dma_semaphore, #tpu.memory_space<semaphore_mem>>) src(%arg10 : memref<80x128xf32, #tpu.memory_space<vmem>>) dst(%dma_wait3A_203 : memref<10240x128xf32, #tpu.memory_space<vmem_shared>>)
        tpu.yield
      }) : () -> ()
      %add3A_163 = arith.constant 1 : i32
      %add3A_164 = arith.addi %mul3A_136, %add3A_163 : i32
      %add3A_165 = arith.constant 3 : i32
      %add3A_166 = arith.addi %add3A_164, %add3A_165 : i32
      %dma_start3A_167 = arith.constant 0 : i32
      %dma_start3A_168 = tpu.memref_slice %arg7[%add3A_166, %dma_start3A_167] : memref<64x80xi32, #tpu.memory_space<vmem>> -> memref<1x80xi32, #tpu.memory_space<vmem>>
      %dma_start3A_169 = tpu.memref_squeeze %dma_start3A_168 : memref<1x80xi32, #tpu.memory_space<vmem>> -> memref<80xi32, #tpu.memory_space<vmem>>
      %dma_start3A_170 = arith.constant 0 : i32
      %dma_start3A_171 = arith.constant 0 : i32
      %dma_start3A_172 = tpu.memref_slice %arg2[%dma_start3A_170, %dma_start3A_171] : memref<10000x128xf32, #tpu.memory_space<hbm>> -> memref<10000x128xf32, #tpu.memory_space<hbm>>
      tpu.enqueue_indirect_dma source(%dma_start3A_172 : memref<10000x128xf32, #tpu.memory_space<hbm>>) target(%arg10 : memref<80x128xf32, #tpu.memory_space<vmem>>) offsets(%dma_start3A_169 : memref<80xi32, #tpu.memory_space<vmem>>) semaphore(%arg14 : memref<!tpu.dma_semaphore, #tpu.memory_space<semaphore_mem>>)
      %add3A_173 = arith.constant 2 : i32
      %add3A_174 = arith.addi %mul3A_136, %add3A_173 : i32
      %dma_wait3A_175 = arith.constant 0 : i32
      %dma_wait3A_176 = tpu.memref_slice %arg7[%add3A_174, %dma_wait3A_175] : memref<64x80xi32, #tpu.memory_space<vmem>> -> memref<1x80xi32, #tpu.memory_space<vmem>>
      %dma_wait3A_177 = tpu.memref_squeeze %dma_wait3A_176 : memref<1x80xi32, #tpu.memory_space<vmem>> -> memref<80xi32, #tpu.memory_space<vmem>>
      %dma_wait3A_178 = arith.constant 0 : i32
      %dma_wait3A_179 = arith.constant 0 : i32
      %dma_wait3A_180 = tpu.memref_slice %arg2[%dma_wait3A_178, %dma_wait3A_179] : memref<10000x128xf32, #tpu.memory_space<hbm>> -> memref<10000x128xf32, #tpu.memory_space<hbm>>
      tpu.wait_indirect_dma semaphore(%arg15 : memref<!tpu.dma_semaphore, #tpu.memory_space<semaphore_mem>>) src(%dma_wait3A_180 : memref<10000x128xf32, #tpu.memory_space<hbm>>) dst(%arg11 : memref<80x128xf32, #tpu.memory_space<vmem>>)
      "tpu.region"() ({
        %run_scoped3A_191 = tpu.sem_alloc : memref<!tpu.dma_semaphore, #tpu.memory_space<semaphore_mem>>
        %dma_start3A_192 = arith.constant 0 : i32
        %dma_start3A_193 = tpu.memref_slice %arg8[%add3A_174, %dma_start3A_192] : memref<64x80xi32, #tpu.memory_space<vmem>> -> memref<1x80xi32, #tpu.memory_space<vmem>>
        %dma_start3A_194 = tpu.memref_squeeze %dma_start3A_193 : memref<1x80xi32, #tpu.memory_space<vmem>> -> memref<80xi32, #tpu.memory_space<vmem>>
        %dma_start3A_195 = arith.constant 0 : i32
        %dma_start3A_196 = arith.constant 0 : i32
        %dma_start3A_197 = tpu.memref_slice %arg12[%dma_start3A_195, %dma_start3A_196] : memref<10240x128xf32, #tpu.memory_space<vmem_shared>> -> memref<10240x128xf32, #tpu.memory_space<vmem_shared>>
        tpu.enqueue_indirect_dma source(%arg11 : memref<80x128xf32, #tpu.memory_space<vmem>>) target(%dma_start3A_197 : memref<10240x128xf32, #tpu.memory_space<vmem_shared>>) offsets(%dma_start3A_194 : memref<80xi32, #tpu.memory_space<vmem>>) semaphore(%run_scoped3A_191 : memref<!tpu.dma_semaphore, #tpu.memory_space<semaphore_mem>>) {add = true}
        %dma_wait3A_198 = arith.constant 0 : i32
        %dma_wait3A_199 = tpu.memref_slice %arg8[%add3A_174, %dma_wait3A_198] : memref<64x80xi32, #tpu.memory_space<vmem>> -> memref<1x80xi32, #tpu.memory_space<vmem>>
        %dma_wait3A_200 = tpu.memref_squeeze %dma_wait3A_199 : memref<1x80xi32, #tpu.memory_space<vmem>> -> memref<80xi32, #tpu.memory_space<vmem>>
        %dma_wait3A_201 = arith.constant 0 : i32
        %dma_wait3A_202 = arith.constant 0 : i32
        %dma_wait3A_203 = tpu.memref_slice %arg12[%dma_wait3A_201, %dma_wait3A_202] : memref<10240x128xf32, #tpu.memory_space<vmem_shared>> -> memref<10240x128xf32, #tpu.memory_space<vmem_shared>>
        tpu.wait_indirect_dma semaphore(%run_scoped3A_191 : memref<!tpu.dma_semaphore, #tpu.memory_space<semaphore_mem>>) src(%arg11 : memref<80x128xf32, #tpu.memory_space<vmem>>) dst(%dma_wait3A_203 : memref<10240x128xf32, #tpu.memory_space<vmem_shared>>)
        tpu.yield
      }) : () -> ()
      %add3A_181 = arith.constant 2 : i32
      %add3A_182 = arith.addi %mul3A_136, %add3A_181 : i32
      %add3A_183 = arith.constant 3 : i32
      %add3A_184 = arith.addi %add3A_182, %add3A_183 : i32
      %dma_start3A_185 = arith.constant 0 : i32
      %dma_start3A_186 = tpu.memref_slice %arg7[%add3A_184, %dma_start3A_185] : memref<64x80xi32, #tpu.memory_space<vmem>> -> memref<1x80xi32, #tpu.memory_space<vmem>>
      %dma_start3A_187 = tpu.memref_squeeze %dma_start3A_186 : memref<1x80xi32, #tpu.memory_space<vmem>> -> memref<80xi32, #tpu.memory_space<vmem>>
      %dma_start3A_188 = arith.constant 0 : i32
      %dma_start3A_189 = arith.constant 0 : i32
      %dma_start3A_190 = tpu.memref_slice %arg2[%dma_start3A_188, %dma_start3A_189] : memref<10000x128xf32, #tpu.memory_space<hbm>> -> memref<10000x128xf32, #tpu.memory_space<hbm>>
      tpu.enqueue_indirect_dma source(%dma_start3A_190 : memref<10000x128xf32, #tpu.memory_space<hbm>>) target(%arg11 : memref<80x128xf32, #tpu.memory_space<vmem>>) offsets(%dma_start3A_187 : memref<80xi32, #tpu.memory_space<vmem>>) semaphore(%arg15 : memref<!tpu.dma_semaphore, #tpu.memory_space<semaphore_mem>>)
    }
    %scan3A_91 = arith.constant 19 : i32
    %dma_wait3A_92 = arith.constant 57 : i32
    %dma_wait3A_93 = arith.constant 0 : i32
    %dma_wait3A_94 = tpu.memref_slice %arg7[%dma_wait3A_92, %dma_wait3A_93] : memref<64x80xi32, #tpu.memory_space<vmem>> -> memref<1x80xi32, #tpu.memory_space<vmem>>
    %dma_wait3A_95 = tpu.memref_squeeze %dma_wait3A_94 : memref<1x80xi32, #tpu.memory_space<vmem>> -> memref<80xi32, #tpu.memory_space<vmem>>
    %dma_wait3A_96 = arith.constant 0 : i32
    %dma_wait3A_97 = arith.constant 0 : i32
    %dma_wait3A_98 = tpu.memref_slice %arg2[%dma_wait3A_96, %dma_wait3A_97] : memref<10000x128xf32, #tpu.memory_space<hbm>> -> memref<10000x128xf32, #tpu.memory_space<hbm>>
    tpu.wait_indirect_dma semaphore(%arg13 : memref<!tpu.dma_semaphore, #tpu.memory_space<semaphore_mem>>) src(%dma_wait3A_98 : memref<10000x128xf32, #tpu.memory_space<hbm>>) dst(%arg9 : memref<80x128xf32, #tpu.memory_space<vmem>>)
    %run_scoped3A_99 = arith.constant 57 : i32
    "tpu.region"() ({
      %run_scoped3A_134 = tpu.sem_alloc : memref<!tpu.dma_semaphore, #tpu.memory_space<semaphore_mem>>
      %dma_start3A_135 = arith.constant 0 : i32
      %dma_start3A_136 = tpu.memref_slice %arg8[%run_scoped3A_99, %dma_start3A_135] : memref<64x80xi32, #tpu.memory_space<vmem>> -> memref<1x80xi32, #tpu.memory_space<vmem>>
      %dma_start3A_137 = tpu.memref_squeeze %dma_start3A_136 : memref<1x80xi32, #tpu.memory_space<vmem>> -> memref<80xi32, #tpu.memory_space<vmem>>
      %dma_start3A_138 = arith.constant 0 : i32
      %dma_start3A_139 = arith.constant 0 : i32
      %dma_start3A_140 = tpu.memref_slice %arg12[%dma_start3A_138, %dma_start3A_139] : memref<10240x128xf32, #tpu.memory_space<vmem_shared>> -> memref<10240x128xf32, #tpu.memory_space<vmem_shared>>
      tpu.enqueue_indirect_dma source(%arg9 : memref<80x128xf32, #tpu.memory_space<vmem>>) target(%dma_start3A_140 : memref<10240x128xf32, #tpu.memory_space<vmem_shared>>) offsets(%dma_start3A_137 : memref<80xi32, #tpu.memory_space<vmem>>) semaphore(%run_scoped3A_134 : memref<!tpu.dma_semaphore, #tpu.memory_space<semaphore_mem>>) {add = true}
      %dma_wait3A_141 = arith.constant 0 : i32
      %dma_wait3A_142 = tpu.memref_slice %arg8[%run_scoped3A_99, %dma_wait3A_141] : memref<64x80xi32, #tpu.memory_space<vmem>> -> memref<1x80xi32, #tpu.memory_space<vmem>>
      %dma_wait3A_143 = tpu.memref_squeeze %dma_wait3A_142 : memref<1x80xi32, #tpu.memory_space<vmem>> -> memref<80xi32, #tpu.memory_space<vmem>>
      %dma_wait3A_144 = arith.constant 0 : i32
      %dma_wait3A_145 = arith.constant 0 : i32
      %dma_wait3A_146 = tpu.memref_slice %arg12[%dma_wait3A_144, %dma_wait3A_145] : memref<10240x128xf32, #tpu.memory_space<vmem_shared>> -> memref<10240x128xf32, #tpu.memory_space<vmem_shared>>
      tpu.wait_indirect_dma semaphore(%run_scoped3A_134 : memref<!tpu.dma_semaphore, #tpu.memory_space<semaphore_mem>>) src(%arg9 : memref<80x128xf32, #tpu.memory_space<vmem>>) dst(%dma_wait3A_146 : memref<10240x128xf32, #tpu.memory_space<vmem_shared>>)
      tpu.yield
    }) : () -> ()
    %dma_start3A_100 = arith.constant 60 : i32
    %dma_start3A_101 = arith.constant 0 : i32
    %dma_start3A_102 = tpu.memref_slice %arg7[%dma_start3A_100, %dma_start3A_101] : memref<64x80xi32, #tpu.memory_space<vmem>> -> memref<1x80xi32, #tpu.memory_space<vmem>>
    %dma_start3A_103 = tpu.memref_squeeze %dma_start3A_102 : memref<1x80xi32, #tpu.memory_space<vmem>> -> memref<80xi32, #tpu.memory_space<vmem>>
    %dma_start3A_104 = arith.constant 0 : i32
    %dma_start3A_105 = arith.constant 0 : i32
    %dma_start3A_106 = tpu.memref_slice %arg2[%dma_start3A_104, %dma_start3A_105] : memref<10000x128xf32, #tpu.memory_space<hbm>> -> memref<10000x128xf32, #tpu.memory_space<hbm>>
    tpu.enqueue_indirect_dma source(%dma_start3A_106 : memref<10000x128xf32, #tpu.memory_space<hbm>>) target(%arg9 : memref<80x128xf32, #tpu.memory_space<vmem>>) offsets(%dma_start3A_103 : memref<80xi32, #tpu.memory_space<vmem>>) semaphore(%arg13 : memref<!tpu.dma_semaphore, #tpu.memory_space<semaphore_mem>>)
    %dma_wait3A_107 = arith.constant 58 : i32
    %dma_wait3A_108 = arith.constant 0 : i32
    %dma_wait3A_109 = tpu.memref_slice %arg7[%dma_wait3A_107, %dma_wait3A_108] : memref<64x80xi32, #tpu.memory_space<vmem>> -> memref<1x80xi32, #tpu.memory_space<vmem>>
    %dma_wait3A_110 = tpu.memref_squeeze %dma_wait3A_109 : memref<1x80xi32, #tpu.memory_space<vmem>> -> memref<80xi32, #tpu.memory_space<vmem>>
    %dma_wait3A_111 = arith.constant 0 : i32
    %dma_wait3A_112 = arith.constant 0 : i32
    %dma_wait3A_113 = tpu.memref_slice %arg2[%dma_wait3A_111, %dma_wait3A_112] : memref<10000x128xf32, #tpu.memory_space<hbm>> -> memref<10000x128xf32, #tpu.memory_space<hbm>>
    tpu.wait_indirect_dma semaphore(%arg14 : memref<!tpu.dma_semaphore, #tpu.memory_space<semaphore_mem>>) src(%dma_wait3A_113 : memref<10000x128xf32, #tpu.memory_space<hbm>>) dst(%arg10 : memref<80x128xf32, #tpu.memory_space<vmem>>)
    %run_scoped3A_114 = arith.constant 58 : i32
    "tpu.region"() ({
      %run_scoped3A_134 = tpu.sem_alloc : memref<!tpu.dma_semaphore, #tpu.memory_space<semaphore_mem>>
      %dma_start3A_135 = arith.constant 0 : i32
      %dma_start3A_136 = tpu.memref_slice %arg8[%run_scoped3A_114, %dma_start3A_135] : memref<64x80xi32, #tpu.memory_space<vmem>> -> memref<1x80xi32, #tpu.memory_space<vmem>>
      %dma_start3A_137 = tpu.memref_squeeze %dma_start3A_136 : memref<1x80xi32, #tpu.memory_space<vmem>> -> memref<80xi32, #tpu.memory_space<vmem>>
      %dma_start3A_138 = arith.constant 0 : i32
      %dma_start3A_139 = arith.constant 0 : i32
      %dma_start3A_140 = tpu.memref_slice %arg12[%dma_start3A_138, %dma_start3A_139] : memref<10240x128xf32, #tpu.memory_space<vmem_shared>> -> memref<10240x128xf32, #tpu.memory_space<vmem_shared>>
      tpu.enqueue_indirect_dma source(%arg10 : memref<80x128xf32, #tpu.memory_space<vmem>>) target(%dma_start3A_140 : memref<10240x128xf32, #tpu.memory_space<vmem_shared>>) offsets(%dma_start3A_137 : memref<80xi32, #tpu.memory_space<vmem>>) semaphore(%run_scoped3A_134 : memref<!tpu.dma_semaphore, #tpu.memory_space<semaphore_mem>>) {add = true}
      %dma_wait3A_141 = arith.constant 0 : i32
      %dma_wait3A_142 = tpu.memref_slice %arg8[%run_scoped3A_114, %dma_wait3A_141] : memref<64x80xi32, #tpu.memory_space<vmem>> -> memref<1x80xi32, #tpu.memory_space<vmem>>
      %dma_wait3A_143 = tpu.memref_squeeze %dma_wait3A_142 : memref<1x80xi32, #tpu.memory_space<vmem>> -> memref<80xi32, #tpu.memory_space<vmem>>
      %dma_wait3A_144 = arith.constant 0 : i32
      %dma_wait3A_145 = arith.constant 0 : i32
      %dma_wait3A_146 = tpu.memref_slice %arg12[%dma_wait3A_144, %dma_wait3A_145] : memref<10240x128xf32, #tpu.memory_space<vmem_shared>> -> memref<10240x128xf32, #tpu.memory_space<vmem_shared>>
      tpu.wait_indirect_dma semaphore(%run_scoped3A_134 : memref<!tpu.dma_semaphore, #tpu.memory_space<semaphore_mem>>) src(%arg10 : memref<80x128xf32, #tpu.memory_space<vmem>>) dst(%dma_wait3A_146 : memref<10240x128xf32, #tpu.memory_space<vmem_shared>>)
      tpu.yield
    }) : () -> ()
    %dma_wait3A_115 = arith.constant 59 : i32
    %dma_wait3A_116 = arith.constant 0 : i32
    %dma_wait3A_117 = tpu.memref_slice %arg7[%dma_wait3A_115, %dma_wait3A_116] : memref<64x80xi32, #tpu.memory_space<vmem>> -> memref<1x80xi32, #tpu.memory_space<vmem>>
    %dma_wait3A_118 = tpu.memref_squeeze %dma_wait3A_117 : memref<1x80xi32, #tpu.memory_space<vmem>> -> memref<80xi32, #tpu.memory_space<vmem>>
    %dma_wait3A_119 = arith.constant 0 : i32
    %dma_wait3A_120 = arith.constant 0 : i32
    %dma_wait3A_121 = tpu.memref_slice %arg2[%dma_wait3A_119, %dma_wait3A_120] : memref<10000x128xf32, #tpu.memory_space<hbm>> -> memref<10000x128xf32, #tpu.memory_space<hbm>>
    tpu.wait_indirect_dma semaphore(%arg15 : memref<!tpu.dma_semaphore, #tpu.memory_space<semaphore_mem>>) src(%dma_wait3A_121 : memref<10000x128xf32, #tpu.memory_space<hbm>>) dst(%arg11 : memref<80x128xf32, #tpu.memory_space<vmem>>)
    %run_scoped3A_122 = arith.constant 59 : i32
    "tpu.region"() ({
      %run_scoped3A_134 = tpu.sem_alloc : memref<!tpu.dma_semaphore, #tpu.memory_space<semaphore_mem>>
      %dma_start3A_135 = arith.constant 0 : i32
      %dma_start3A_136 = tpu.memref_slice %arg8[%run_scoped3A_122, %dma_start3A_135] : memref<64x80xi32, #tpu.memory_space<vmem>> -> memref<1x80xi32, #tpu.memory_space<vmem>>
      %dma_start3A_137 = tpu.memref_squeeze %dma_start3A_136 : memref<1x80xi32, #tpu.memory_space<vmem>> -> memref<80xi32, #tpu.memory_space<vmem>>
      %dma_start3A_138 = arith.constant 0 : i32
      %dma_start3A_139 = arith.constant 0 : i32
      %dma_start3A_140 = tpu.memref_slice %arg12[%dma_start3A_138, %dma_start3A_139] : memref<10240x128xf32, #tpu.memory_space<vmem_shared>> -> memref<10240x128xf32, #tpu.memory_space<vmem_shared>>
      tpu.enqueue_indirect_dma source(%arg11 : memref<80x128xf32, #tpu.memory_space<vmem>>) target(%dma_start3A_140 : memref<10240x128xf32, #tpu.memory_space<vmem_shared>>) offsets(%dma_start3A_137 : memref<80xi32, #tpu.memory_space<vmem>>) semaphore(%run_scoped3A_134 : memref<!tpu.dma_semaphore, #tpu.memory_space<semaphore_mem>>) {add = true}
      %dma_wait3A_141 = arith.constant 0 : i32
      %dma_wait3A_142 = tpu.memref_slice %arg8[%run_scoped3A_122, %dma_wait3A_141] : memref<64x80xi32, #tpu.memory_space<vmem>> -> memref<1x80xi32, #tpu.memory_space<vmem>>
      %dma_wait3A_143 = tpu.memref_squeeze %dma_wait3A_142 : memref<1x80xi32, #tpu.memory_space<vmem>> -> memref<80xi32, #tpu.memory_space<vmem>>
      %dma_wait3A_144 = arith.constant 0 : i32
      %dma_wait3A_145 = arith.constant 0 : i32
      %dma_wait3A_146 = tpu.memref_slice %arg12[%dma_wait3A_144, %dma_wait3A_145] : memref<10240x128xf32, #tpu.memory_space<vmem_shared>> -> memref<10240x128xf32, #tpu.memory_space<vmem_shared>>
      tpu.wait_indirect_dma semaphore(%run_scoped3A_134 : memref<!tpu.dma_semaphore, #tpu.memory_space<semaphore_mem>>) src(%arg11 : memref<80x128xf32, #tpu.memory_space<vmem>>) dst(%dma_wait3A_146 : memref<10240x128xf32, #tpu.memory_space<vmem_shared>>)
      tpu.yield
    }) : () -> ()
    %dma_wait3A_123 = arith.constant 60 : i32
    %dma_wait3A_124 = arith.constant 0 : i32
    %dma_wait3A_125 = tpu.memref_slice %arg7[%dma_wait3A_123, %dma_wait3A_124] : memref<64x80xi32, #tpu.memory_space<vmem>> -> memref<1x80xi32, #tpu.memory_space<vmem>>
    %dma_wait3A_126 = tpu.memref_squeeze %dma_wait3A_125 : memref<1x80xi32, #tpu.memory_space<vmem>> -> memref<80xi32, #tpu.memory_space<vmem>>
    %dma_wait3A_127 = arith.constant 0 : i32
    %dma_wait3A_128 = arith.constant 0 : i32
    %dma_wait3A_129 = tpu.memref_slice %arg2[%dma_wait3A_127, %dma_wait3A_128] : memref<10000x128xf32, #tpu.memory_space<hbm>> -> memref<10000x128xf32, #tpu.memory_space<hbm>>
    tpu.wait_indirect_dma semaphore(%arg13 : memref<!tpu.dma_semaphore, #tpu.memory_space<semaphore_mem>>) src(%dma_wait3A_129 : memref<10000x128xf32, #tpu.memory_space<hbm>>) dst(%arg9 : memref<80x128xf32, #tpu.memory_space<vmem>>)
    %run_scoped3A_130 = arith.constant 60 : i32
    "tpu.region"() ({
      %run_scoped3A_134 = tpu.sem_alloc : memref<!tpu.dma_semaphore, #tpu.memory_space<semaphore_mem>>
      %dma_start3A_135 = arith.constant 0 : i32
      %dma_start3A_136 = tpu.memref_slice %arg8[%run_scoped3A_130, %dma_start3A_135] : memref<64x80xi32, #tpu.memory_space<vmem>> -> memref<1x80xi32, #tpu.memory_space<vmem>>
      %dma_start3A_137 = tpu.memref_squeeze %dma_start3A_136 : memref<1x80xi32, #tpu.memory_space<vmem>> -> memref<80xi32, #tpu.memory_space<vmem>>
      %dma_start3A_138 = arith.constant 0 : i32
      %dma_start3A_139 = arith.constant 0 : i32
      %dma_start3A_140 = tpu.memref_slice %arg12[%dma_start3A_138, %dma_start3A_139] : memref<10240x128xf32, #tpu.memory_space<vmem_shared>> -> memref<10240x128xf32, #tpu.memory_space<vmem_shared>>
      tpu.enqueue_indirect_dma source(%arg9 : memref<80x128xf32, #tpu.memory_space<vmem>>) target(%dma_start3A_140 : memref<10240x128xf32, #tpu.memory_space<vmem_shared>>) offsets(%dma_start3A_137 : memref<80xi32, #tpu.memory_space<vmem>>) semaphore(%run_scoped3A_134 : memref<!tpu.dma_semaphore, #tpu.memory_space<semaphore_mem>>) {add = true}
      %dma_wait3A_141 = arith.constant 0 : i32
      %dma_wait3A_142 = tpu.memref_slice %arg8[%run_scoped3A_130, %dma_wait3A_141] : memref<64x80xi32, #tpu.memory_space<vmem>> -> memref<1x80xi32, #tpu.memory_space<vmem>>
      %dma_wait3A_143 = tpu.memref_squeeze %dma_wait3A_142 : memref<1x80xi32, #tpu.memory_space<vmem>> -> memref<80xi32, #tpu.memory_space<vmem>>
      %dma_wait3A_144 = arith.constant 0 : i32
      %dma_wait3A_145 = arith.constant 0 : i32
      %dma_wait3A_146 = tpu.memref_slice %arg12[%dma_wait3A_144, %dma_wait3A_145] : memref<10240x128xf32, #tpu.memory_space<vmem_shared>> -> memref<10240x128xf32, #tpu.memory_space<vmem_shared>>
      tpu.wait_indirect_dma semaphore(%run_scoped3A_134 : memref<!tpu.dma_semaphore, #tpu.memory_space<semaphore_mem>>) src(%arg9 : memref<80x128xf32, #tpu.memory_space<vmem>>) dst(%dma_wait3A_146 : memref<10240x128xf32, #tpu.memory_space<vmem_shared>>)
      tpu.yield
    }) : () -> ()
    %barrier3A_131 = arith.constant 0 : index
    tpu.barrier barrier_id(%barrier3A_131)
    %mul3A_132 = arith.constant 640 : i32
    %mul3A_133 = arith.muli %arg1, %mul3A_132 : i32
    "tpu.region"() ({
      %run_scoped3A_134 = tpu.sem_alloc : memref<!tpu.dma_semaphore, #tpu.memory_space<semaphore_mem>>
      %dma_start3A_135 = arith.constant 0 : i32
      %dma_start3A_136 = tpu.memref_slice %arg6[%arg0, %mul3A_133, %dma_start3A_135] : memref<2x10240x128xf32, #tpu.memory_space<hbm>> -> memref<1x640x128xf32, #tpu.memory_space<hbm>>
      %dma_start3A_137 = tpu.memref_squeeze %dma_start3A_136 : memref<1x640x128xf32, #tpu.memory_space<hbm>> -> memref<640x128xf32, #tpu.memory_space<hbm>>
      %dma_start3A_138 = arith.constant 0 : i32
      %dma_start3A_139 = tpu.memref_slice %arg12[%mul3A_133, %dma_start3A_138] : memref<10240x128xf32, #tpu.memory_space<vmem_shared>> -> memref<640x128xf32, #tpu.memory_space<vmem_shared>>
      tpu.enqueue_dma source(%dma_start3A_139 : memref<640x128xf32, #tpu.memory_space<vmem_shared>>) target(%dma_start3A_137 : memref<640x128xf32, #tpu.memory_space<hbm>>) target_semaphore(%run_scoped3A_134 : memref<!tpu.dma_semaphore, #tpu.memory_space<semaphore_mem>>)
      %dma_wait3A_140 = arith.constant 0 : i32
      %dma_wait3A_141 = tpu.memref_slice %arg6[%arg0, %mul3A_133, %dma_wait3A_140] : memref<2x10240x128xf32, #tpu.memory_space<hbm>> -> memref<1x640x128xf32, #tpu.memory_space<hbm>>
      %dma_wait3A_142 = tpu.memref_squeeze %dma_wait3A_141 : memref<1x640x128xf32, #tpu.memory_space<hbm>> -> memref<640x128xf32, #tpu.memory_space<hbm>>
      %dma_wait3A_143 = arith.constant 0 : i32
      %dma_wait3A_144 = tpu.memref_slice %arg12[%mul3A_133, %dma_wait3A_143] : memref<10240x128xf32, #tpu.memory_space<vmem_shared>> -> memref<640x128xf32, #tpu.memory_space<vmem_shared>>
      tpu.wait_dma2 semaphore(%run_scoped3A_134 : memref<!tpu.dma_semaphore, #tpu.memory_space<semaphore_mem>>) src(%dma_wait3A_144 : memref<640x128xf32, #tpu.memory_space<vmem_shared>>) dst(%dma_wait3A_142 : memref<640x128xf32, #tpu.memory_space<hbm>>)
      tpu.yield
    }) : () -> ()
    return
  }
}

#map = affine_map<(d0, d1) -> (0, 0)>
#map1 = affine_map<(d0, d1) -> (0, 0, 0)>
module attributes {stable_mosaic.version = 14 : i64} {
  func.func @sc_agg(%arg0: i32, %arg1: i32, %arg2: memref<10000x128xf32, #tpu.memory_space<hbm>>, %arg3: memref<32x125x80xi32, #tpu.memory_space<hbm>>, %arg4: memref<32x125x80xi32, #tpu.memory_space<hbm>>, %arg5: memref<640x128xf32, #tpu.memory_space<hbm>>, %arg6: memref<2x10240x128xf32, #tpu.memory_space<hbm>>, %arg7: memref<64x80xi32, #tpu.memory_space<vmem>>, %arg8: memref<64x80xi32, #tpu.memory_space<vmem>>, %arg9: memref<80x128xf32, #tpu.memory_space<vmem>>, %arg10: memref<80x128xf32, #tpu.memory_space<vmem>>, %arg11: memref<80x128xf32, #tpu.memory_space<vmem>>, %arg12: memref<10240x128xf32, #tpu.memory_space<vmem_shared>>, %arg13: memref<!tpu.dma_semaphore, #tpu.memory_space<semaphore_mem>>, %arg14: memref<!tpu.dma_semaphore, #tpu.memory_space<semaphore_mem>>, %arg15: memref<!tpu.dma_semaphore, #tpu.memory_space<semaphore_mem>>) attributes {dimension_semantics = [#tpu.dimension_semantics<core_parallel>, #tpu.dimension_semantics<subcore_parallel>], iteration_bounds = array<i64: 2, 16>, scalar_prefetch = 0 : i64, scratch_operands = 9 : i64, tpu.core_type = #tpu.core_type<sc_vector_subcore>, window_params = [{transform_indices = #map}, {transform_indices = #map1}, {transform_indices = #map1}, {transform_indices = #map}, {transform_indices = #map1}]} {
    %mul3A = arith.constant 16 : i32
    %mul3A_0 = arith.muli %arg0, %mul3A : i32
    %add3A = arith.addi %mul3A_0, %arg1 : i32
    %mul3A_1 = arith.constant 640 : i32
    %mul3A_2 = arith.muli %arg1, %mul3A_1 : i32
    "tpu.region"() ({
      %run_scoped3A_134 = tpu.sem_alloc : memref<!tpu.dma_semaphore, #tpu.memory_space<semaphore_mem>>
      %dma_start3A_135 = arith.constant 0 : i32
      %dma_start3A_136 = tpu.memref_slice %arg12[%mul3A_2, %dma_start3A_135] : memref<10240x128xf32, #tpu.memory_space<vmem_shared>> -> memref<640x128xf32, #tpu.memory_space<vmem_shared>>
      tpu.enqueue_dma source(%arg5 : memref<640x128xf32, #tpu.memory_space<hbm>>) target(%dma_start3A_136 : memref<640x128xf32, #tpu.memory_space<vmem_shared>>) target_semaphore(%run_scoped3A_134 : memref<!tpu.dma_semaphore, #tpu.memory_space<semaphore_mem>>)
      %dma_wait3A_137 = arith.constant 0 : i32
      %dma_wait3A_138 = tpu.memref_slice %arg12[%mul3A_2, %dma_wait3A_137] : memref<10240x128xf32, #tpu.memory_space<vmem_shared>> -> memref<640x128xf32, #tpu.memory_space<vmem_shared>>
      tpu.wait_dma2 semaphore(%run_scoped3A_134 : memref<!tpu.dma_semaphore, #tpu.memory_space<semaphore_mem>>) src(%arg5 : memref<640x128xf32, #tpu.memory_space<hbm>>) dst(%dma_wait3A_138 : memref<640x128xf32, #tpu.memory_space<vmem_shared>>)
      tpu.yield
    }) : () -> ()
    %barrier3A = arith.constant 0 : index
    tpu.barrier barrier_id(%barrier3A)
    "tpu.region"() ({
      %run_scoped3A_134 = tpu.sem_alloc : memref<!tpu.dma_semaphore, #tpu.memory_space<semaphore_mem>>
      %dma_start3A_135 = arith.constant 0 : i32
      %dma_start3A_136 = arith.constant 0 : i32
      %dma_start3A_137 = tpu.memref_slice %arg7[%dma_start3A_135, %dma_start3A_136] : memref<64x80xi32, #tpu.memory_space<vmem>> -> memref<64x80xi32, #tpu.memory_space<vmem>>
      %dma_start3A_138 = arith.constant 0 : i32
      %dma_start3A_139 = arith.constant 0 : i32
      %dma_start3A_140 = tpu.memref_slice %arg3[%add3A, %dma_start3A_138, %dma_start3A_139] : memref<32x125x80xi32, #tpu.memory_space<hbm>> -> memref<1x64x80xi32, #tpu.memory_space<hbm>>
      %dma_start3A_141 = tpu.memref_squeeze %dma_start3A_140 : memref<1x64x80xi32, #tpu.memory_space<hbm>> -> memref<64x80xi32, #tpu.memory_space<hbm>>
      %dma_start3A_142 = arith.constant 0 : i32
      %dma_start3A_143 = arith.constant 0 : i32
      %dma_start3A_144 = tpu.memref_slice %arg7[%dma_start3A_142, %dma_start3A_143] : memref<64x80xi32, #tpu.memory_space<vmem>> -> memref<64x80xi32, #tpu.memory_space<vmem>>
      %dma_start3A_145 = arith.constant 0 : i32
      %dma_start3A_146 = arith.constant 0 : i32
      %dma_start3A_147 = tpu.memref_slice %arg3[%add3A, %dma_start3A_145, %dma_start3A_146] : memref<32x125x80xi32, #tpu.memory_space<hbm>> -> memref<1x64x80xi32, #tpu.memory_space<hbm>>
      %dma_start3A_148 = tpu.memref_squeeze %dma_start3A_147 : memref<1x64x80xi32, #tpu.memory_space<hbm>> -> memref<64x80xi32, #tpu.memory_space<hbm>>
      tpu.enqueue_dma source(%dma_start3A_148 : memref<64x80xi32, #tpu.memory_space<hbm>>) target(%dma_start3A_144 : memref<64x80xi32, #tpu.memory_space<vmem>>) target_semaphore(%run_scoped3A_134 : memref<!tpu.dma_semaphore, #tpu.memory_space<semaphore_mem>>)
      %dma_wait3A_149 = arith.constant 0 : i32
      %dma_wait3A_150 = arith.constant 0 : i32
      %dma_wait3A_151 = tpu.memref_slice %arg7[%dma_wait3A_149, %dma_wait3A_150] : memref<64x80xi32, #tpu.memory_space<vmem>> -> memref<64x80xi32, #tpu.memory_space<vmem>>
      %dma_wait3A_152 = arith.constant 0 : i32
      %dma_wait3A_153 = arith.constant 0 : i32
      %dma_wait3A_154 = tpu.memref_slice %arg3[%add3A, %dma_wait3A_152, %dma_wait3A_153] : memref<32x125x80xi32, #tpu.memory_space<hbm>> -> memref<1x64x80xi32, #tpu.memory_space<hbm>>
      %dma_wait3A_155 = tpu.memref_squeeze %dma_wait3A_154 : memref<1x64x80xi32, #tpu.memory_space<hbm>> -> memref<64x80xi32, #tpu.memory_space<hbm>>
      %dma_wait3A_156 = arith.constant 0 : i32
      %dma_wait3A_157 = arith.constant 0 : i32
      %dma_wait3A_158 = tpu.memref_slice %arg7[%dma_wait3A_156, %dma_wait3A_157] : memref<64x80xi32, #tpu.memory_space<vmem>> -> memref<64x80xi32, #tpu.memory_space<vmem>>
      %dma_wait3A_159 = arith.constant 0 : i32
      %dma_wait3A_160 = arith.constant 0 : i32
      %dma_wait3A_161 = tpu.memref_slice %arg3[%add3A, %dma_wait3A_159, %dma_wait3A_160] : memref<32x125x80xi32, #tpu.memory_space<hbm>> -> memref<1x64x80xi32, #tpu.memory_space<hbm>>
      %dma_wait3A_162 = tpu.memref_squeeze %dma_wait3A_161 : memref<1x64x80xi32, #tpu.memory_space<hbm>> -> memref<64x80xi32, #tpu.memory_space<hbm>>
      tpu.wait_dma2 semaphore(%run_scoped3A_134 : memref<!tpu.dma_semaphore, #tpu.memory_space<semaphore_mem>>) src(%dma_wait3A_162 : memref<64x80xi32, #tpu.memory_space<hbm>>) dst(%dma_wait3A_158 : memref<64x80xi32, #tpu.memory_space<vmem>>)
      tpu.yield
    }) : () -> ()
    "tpu.region"() ({
      %run_scoped3A_134 = tpu.sem_alloc : memref<!tpu.dma_semaphore, #tpu.memory_space<semaphore_mem>>
      %dma_start3A_135 = arith.constant 0 : i32
      %dma_start3A_136 = arith.constant 0 : i32
      %dma_start3A_137 = tpu.memref_slice %arg8[%dma_start3A_135, %dma_start3A_136] : memref<64x80xi32, #tpu.memory_space<vmem>> -> memref<64x80xi32, #tpu.memory_space<vmem>>
      %dma_start3A_138 = arith.constant 0 : i32
      %dma_start3A_139 = arith.constant 0 : i32
      %dma_start3A_140 = tpu.memref_slice %arg4[%add3A, %dma_start3A_138, %dma_start3A_139] : memref<32x125x80xi32, #tpu.memory_space<hbm>> -> memref<1x64x80xi32, #tpu.memory_space<hbm>>
      %dma_start3A_141 = tpu.memref_squeeze %dma_start3A_140 : memref<1x64x80xi32, #tpu.memory_space<hbm>> -> memref<64x80xi32, #tpu.memory_space<hbm>>
      %dma_start3A_142 = arith.constant 0 : i32
      %dma_start3A_143 = arith.constant 0 : i32
      %dma_start3A_144 = tpu.memref_slice %arg8[%dma_start3A_142, %dma_start3A_143] : memref<64x80xi32, #tpu.memory_space<vmem>> -> memref<64x80xi32, #tpu.memory_space<vmem>>
      %dma_start3A_145 = arith.constant 0 : i32
      %dma_start3A_146 = arith.constant 0 : i32
      %dma_start3A_147 = tpu.memref_slice %arg4[%add3A, %dma_start3A_145, %dma_start3A_146] : memref<32x125x80xi32, #tpu.memory_space<hbm>> -> memref<1x64x80xi32, #tpu.memory_space<hbm>>
      %dma_start3A_148 = tpu.memref_squeeze %dma_start3A_147 : memref<1x64x80xi32, #tpu.memory_space<hbm>> -> memref<64x80xi32, #tpu.memory_space<hbm>>
      tpu.enqueue_dma source(%dma_start3A_148 : memref<64x80xi32, #tpu.memory_space<hbm>>) target(%dma_start3A_144 : memref<64x80xi32, #tpu.memory_space<vmem>>) target_semaphore(%run_scoped3A_134 : memref<!tpu.dma_semaphore, #tpu.memory_space<semaphore_mem>>)
      %dma_wait3A_149 = arith.constant 0 : i32
      %dma_wait3A_150 = arith.constant 0 : i32
      %dma_wait3A_151 = tpu.memref_slice %arg8[%dma_wait3A_149, %dma_wait3A_150] : memref<64x80xi32, #tpu.memory_space<vmem>> -> memref<64x80xi32, #tpu.memory_space<vmem>>
      %dma_wait3A_152 = arith.constant 0 : i32
      %dma_wait3A_153 = arith.constant 0 : i32
      %dma_wait3A_154 = tpu.memref_slice %arg4[%add3A, %dma_wait3A_152, %dma_wait3A_153] : memref<32x125x80xi32, #tpu.memory_space<hbm>> -> memref<1x64x80xi32, #tpu.memory_space<hbm>>
      %dma_wait3A_155 = tpu.memref_squeeze %dma_wait3A_154 : memref<1x64x80xi32, #tpu.memory_space<hbm>> -> memref<64x80xi32, #tpu.memory_space<hbm>>
      %dma_wait3A_156 = arith.constant 0 : i32
      %dma_wait3A_157 = arith.constant 0 : i32
      %dma_wait3A_158 = tpu.memref_slice %arg8[%dma_wait3A_156, %dma_wait3A_157] : memref<64x80xi32, #tpu.memory_space<vmem>> -> memref<64x80xi32, #tpu.memory_space<vmem>>
      %dma_wait3A_159 = arith.constant 0 : i32
      %dma_wait3A_160 = arith.constant 0 : i32
      %dma_wait3A_161 = tpu.memref_slice %arg4[%add3A, %dma_wait3A_159, %dma_wait3A_160] : memref<32x125x80xi32, #tpu.memory_space<hbm>> -> memref<1x64x80xi32, #tpu.memory_space<hbm>>
      %dma_wait3A_162 = tpu.memref_squeeze %dma_wait3A_161 : memref<1x64x80xi32, #tpu.memory_space<hbm>> -> memref<64x80xi32, #tpu.memory_space<hbm>>
      tpu.wait_dma2 semaphore(%run_scoped3A_134 : memref<!tpu.dma_semaphore, #tpu.memory_space<semaphore_mem>>) src(%dma_wait3A_162 : memref<64x80xi32, #tpu.memory_space<hbm>>) dst(%dma_wait3A_158 : memref<64x80xi32, #tpu.memory_space<vmem>>)
      tpu.yield
    }) : () -> ()
    %dma_start3A = arith.constant 0 : i32
    %dma_start3A_3 = arith.constant 0 : i32
    %dma_start3A_4 = tpu.memref_slice %arg7[%dma_start3A, %dma_start3A_3] : memref<64x80xi32, #tpu.memory_space<vmem>> -> memref<1x80xi32, #tpu.memory_space<vmem>>
    %dma_start3A_5 = tpu.memref_squeeze %dma_start3A_4 : memref<1x80xi32, #tpu.memory_space<vmem>> -> memref<80xi32, #tpu.memory_space<vmem>>
    %dma_start3A_6 = arith.constant 0 : i32
    %dma_start3A_7 = arith.constant 0 : i32
    %dma_start3A_8 = tpu.memref_slice %arg2[%dma_start3A_6, %dma_start3A_7] : memref<10000x128xf32, #tpu.memory_space<hbm>> -> memref<10000x128xf32, #tpu.memory_space<hbm>>
    tpu.enqueue_indirect_dma source(%dma_start3A_8 : memref<10000x128xf32, #tpu.memory_space<hbm>>) target(%arg9 : memref<80x128xf32, #tpu.memory_space<vmem>>) offsets(%dma_start3A_5 : memref<80xi32, #tpu.memory_space<vmem>>) semaphore(%arg13 : memref<!tpu.dma_semaphore, #tpu.memory_space<semaphore_mem>>)
    %dma_start3A_9 = arith.constant 1 : i32
    %dma_start3A_10 = arith.constant 0 : i32
    %dma_start3A_11 = tpu.memref_slice %arg7[%dma_start3A_9, %dma_start3A_10] : memref<64x80xi32, #tpu.memory_space<vmem>> -> memref<1x80xi32, #tpu.memory_space<vmem>>
    %dma_start3A_12 = tpu.memref_squeeze %dma_start3A_11 : memref<1x80xi32, #tpu.memory_space<vmem>> -> memref<80xi32, #tpu.memory_space<vmem>>
    %dma_start3A_13 = arith.constant 0 : i32
    %dma_start3A_14 = arith.constant 0 : i32
    %dma_start3A_15 = tpu.memref_slice %arg2[%dma_start3A_13, %dma_start3A_14] : memref<10000x128xf32, #tpu.memory_space<hbm>> -> memref<10000x128xf32, #tpu.memory_space<hbm>>
    tpu.enqueue_indirect_dma source(%dma_start3A_15 : memref<10000x128xf32, #tpu.memory_space<hbm>>) target(%arg10 : memref<80x128xf32, #tpu.memory_space<vmem>>) offsets(%dma_start3A_12 : memref<80xi32, #tpu.memory_space<vmem>>) semaphore(%arg14 : memref<!tpu.dma_semaphore, #tpu.memory_space<semaphore_mem>>)
    %dma_start3A_16 = arith.constant 2 : i32
    %dma_start3A_17 = arith.constant 0 : i32
    %dma_start3A_18 = tpu.memref_slice %arg7[%dma_start3A_16, %dma_start3A_17] : memref<64x80xi32, #tpu.memory_space<vmem>> -> memref<1x80xi32, #tpu.memory_space<vmem>>
    %dma_start3A_19 = tpu.memref_squeeze %dma_start3A_18 : memref<1x80xi32, #tpu.memory_space<vmem>> -> memref<80xi32, #tpu.memory_space<vmem>>
    %dma_start3A_20 = arith.constant 0 : i32
    %dma_start3A_21 = arith.constant 0 : i32
    %dma_start3A_22 = tpu.memref_slice %arg2[%dma_start3A_20, %dma_start3A_21] : memref<10000x128xf32, #tpu.memory_space<hbm>> -> memref<10000x128xf32, #tpu.memory_space<hbm>>
    tpu.enqueue_indirect_dma source(%dma_start3A_22 : memref<10000x128xf32, #tpu.memory_space<hbm>>) target(%arg11 : memref<80x128xf32, #tpu.memory_space<vmem>>) offsets(%dma_start3A_19 : memref<80xi32, #tpu.memory_space<vmem>>) semaphore(%arg15 : memref<!tpu.dma_semaphore, #tpu.memory_space<semaphore_mem>>)
    %scan3A = arith.constant 0 : i32
    %scan3A_23 = arith.constant 0 : i32
    %scan3A_24 = arith.constant 20 : i32
    %scan3A_25 = arith.addi %scan3A_23, %scan3A_24 : i32
    %scan3A_26 = arith.constant 1 : i32
    scf.for %scan3A_134 = %scan3A_23 to %scan3A_25 step %scan3A_26  : i32 {
      %mul3A_135 = arith.constant 3 : i32
      %mul3A_136 = arith.muli %mul3A_135, %scan3A_134 : i32
      %add3A_137 = arith.constant 0 : i32
      %add3A_138 = arith.addi %mul3A_136, %add3A_137 : i32
      %dma_wait3A_139 = arith.constant 0 : i32
      %dma_wait3A_140 = tpu.memref_slice %arg7[%add3A_138, %dma_wait3A_139] : memref<64x80xi32, #tpu.memory_space<vmem>> -> memref<1x80xi32, #tpu.memory_space<vmem>>
      %dma_wait3A_141 = tpu.memref_squeeze %dma_wait3A_140 : memref<1x80xi32, #tpu.memory_space<vmem>> -> memref<80xi32, #tpu.memory_space<vmem>>
      %dma_wait3A_142 = arith.constant 0 : i32
      %dma_wait3A_143 = arith.constant 0 : i32
      %dma_wait3A_144 = tpu.memref_slice %arg2[%dma_wait3A_142, %dma_wait3A_143] : memref<10000x128xf32, #tpu.memory_space<hbm>> -> memref<10000x128xf32, #tpu.memory_space<hbm>>
      tpu.wait_indirect_dma semaphore(%arg13 : memref<!tpu.dma_semaphore, #tpu.memory_space<semaphore_mem>>) src(%dma_wait3A_144 : memref<10000x128xf32, #tpu.memory_space<hbm>>) dst(%arg9 : memref<80x128xf32, #tpu.memory_space<vmem>>)
      "tpu.region"() ({
        %run_scoped3A_191 = tpu.sem_alloc : memref<!tpu.dma_semaphore, #tpu.memory_space<semaphore_mem>>
        %dma_start3A_192 = arith.constant 0 : i32
        %dma_start3A_193 = tpu.memref_slice %arg8[%add3A_138, %dma_start3A_192] : memref<64x80xi32, #tpu.memory_space<vmem>> -> memref<1x80xi32, #tpu.memory_space<vmem>>
        %dma_start3A_194 = tpu.memref_squeeze %dma_start3A_193 : memref<1x80xi32, #tpu.memory_space<vmem>> -> memref<80xi32, #tpu.memory_space<vmem>>
        %dma_start3A_195 = arith.constant 0 : i32
        %dma_start3A_196 = arith.constant 0 : i32
        %dma_start3A_197 = tpu.memref_slice %arg12[%dma_start3A_195, %dma_start3A_196] : memref<10240x128xf32, #tpu.memory_space<vmem_shared>> -> memref<10240x128xf32, #tpu.memory_space<vmem_shared>>
        tpu.enqueue_indirect_dma source(%arg9 : memref<80x128xf32, #tpu.memory_space<vmem>>) target(%dma_start3A_197 : memref<10240x128xf32, #tpu.memory_space<vmem_shared>>) offsets(%dma_start3A_194 : memref<80xi32, #tpu.memory_space<vmem>>) semaphore(%run_scoped3A_191 : memref<!tpu.dma_semaphore, #tpu.memory_space<semaphore_mem>>) {add = true}
        %dma_wait3A_198 = arith.constant 0 : i32
        %dma_wait3A_199 = tpu.memref_slice %arg8[%add3A_138, %dma_wait3A_198] : memref<64x80xi32, #tpu.memory_space<vmem>> -> memref<1x80xi32, #tpu.memory_space<vmem>>
        %dma_wait3A_200 = tpu.memref_squeeze %dma_wait3A_199 : memref<1x80xi32, #tpu.memory_space<vmem>> -> memref<80xi32, #tpu.memory_space<vmem>>
        %dma_wait3A_201 = arith.constant 0 : i32
        %dma_wait3A_202 = arith.constant 0 : i32
        %dma_wait3A_203 = tpu.memref_slice %arg12[%dma_wait3A_201, %dma_wait3A_202] : memref<10240x128xf32, #tpu.memory_space<vmem_shared>> -> memref<10240x128xf32, #tpu.memory_space<vmem_shared>>
        tpu.wait_indirect_dma semaphore(%run_scoped3A_191 : memref<!tpu.dma_semaphore, #tpu.memory_space<semaphore_mem>>) src(%arg9 : memref<80x128xf32, #tpu.memory_space<vmem>>) dst(%dma_wait3A_203 : memref<10240x128xf32, #tpu.memory_space<vmem_shared>>)
        tpu.yield
      }) : () -> ()
      %add3A_145 = arith.constant 0 : i32
      %add3A_146 = arith.addi %mul3A_136, %add3A_145 : i32
      %add3A_147 = arith.constant 3 : i32
      %add3A_148 = arith.addi %add3A_146, %add3A_147 : i32
      %dma_start3A_149 = arith.constant 0 : i32
      %dma_start3A_150 = tpu.memref_slice %arg7[%add3A_148, %dma_start3A_149] : memref<64x80xi32, #tpu.memory_space<vmem>> -> memref<1x80xi32, #tpu.memory_space<vmem>>
      %dma_start3A_151 = tpu.memref_squeeze %dma_start3A_150 : memref<1x80xi32, #tpu.memory_space<vmem>> -> memref<80xi32, #tpu.memory_space<vmem>>
      %dma_start3A_152 = arith.constant 0 : i32
      %dma_start3A_153 = arith.constant 0 : i32
      %dma_start3A_154 = tpu.memref_slice %arg2[%dma_start3A_152, %dma_start3A_153] : memref<10000x128xf32, #tpu.memory_space<hbm>> -> memref<10000x128xf32, #tpu.memory_space<hbm>>
      tpu.enqueue_indirect_dma source(%dma_start3A_154 : memref<10000x128xf32, #tpu.memory_space<hbm>>) target(%arg9 : memref<80x128xf32, #tpu.memory_space<vmem>>) offsets(%dma_start3A_151 : memref<80xi32, #tpu.memory_space<vmem>>) semaphore(%arg13 : memref<!tpu.dma_semaphore, #tpu.memory_space<semaphore_mem>>)
      %add3A_155 = arith.constant 1 : i32
      %add3A_156 = arith.addi %mul3A_136, %add3A_155 : i32
      %dma_wait3A_157 = arith.constant 0 : i32
      %dma_wait3A_158 = tpu.memref_slice %arg7[%add3A_156, %dma_wait3A_157] : memref<64x80xi32, #tpu.memory_space<vmem>> -> memref<1x80xi32, #tpu.memory_space<vmem>>
      %dma_wait3A_159 = tpu.memref_squeeze %dma_wait3A_158 : memref<1x80xi32, #tpu.memory_space<vmem>> -> memref<80xi32, #tpu.memory_space<vmem>>
      %dma_wait3A_160 = arith.constant 0 : i32
      %dma_wait3A_161 = arith.constant 0 : i32
      %dma_wait3A_162 = tpu.memref_slice %arg2[%dma_wait3A_160, %dma_wait3A_161] : memref<10000x128xf32, #tpu.memory_space<hbm>> -> memref<10000x128xf32, #tpu.memory_space<hbm>>
      tpu.wait_indirect_dma semaphore(%arg14 : memref<!tpu.dma_semaphore, #tpu.memory_space<semaphore_mem>>) src(%dma_wait3A_162 : memref<10000x128xf32, #tpu.memory_space<hbm>>) dst(%arg10 : memref<80x128xf32, #tpu.memory_space<vmem>>)
      "tpu.region"() ({
        %run_scoped3A_191 = tpu.sem_alloc : memref<!tpu.dma_semaphore, #tpu.memory_space<semaphore_mem>>
        %dma_start3A_192 = arith.constant 0 : i32
        %dma_start3A_193 = tpu.memref_slice %arg8[%add3A_156, %dma_start3A_192] : memref<64x80xi32, #tpu.memory_space<vmem>> -> memref<1x80xi32, #tpu.memory_space<vmem>>
        %dma_start3A_194 = tpu.memref_squeeze %dma_start3A_193 : memref<1x80xi32, #tpu.memory_space<vmem>> -> memref<80xi32, #tpu.memory_space<vmem>>
        %dma_start3A_195 = arith.constant 0 : i32
        %dma_start3A_196 = arith.constant 0 : i32
        %dma_start3A_197 = tpu.memref_slice %arg12[%dma_start3A_195, %dma_start3A_196] : memref<10240x128xf32, #tpu.memory_space<vmem_shared>> -> memref<10240x128xf32, #tpu.memory_space<vmem_shared>>
        tpu.enqueue_indirect_dma source(%arg10 : memref<80x128xf32, #tpu.memory_space<vmem>>) target(%dma_start3A_197 : memref<10240x128xf32, #tpu.memory_space<vmem_shared>>) offsets(%dma_start3A_194 : memref<80xi32, #tpu.memory_space<vmem>>) semaphore(%run_scoped3A_191 : memref<!tpu.dma_semaphore, #tpu.memory_space<semaphore_mem>>) {add = true}
        %dma_wait3A_198 = arith.constant 0 : i32
        %dma_wait3A_199 = tpu.memref_slice %arg8[%add3A_156, %dma_wait3A_198] : memref<64x80xi32, #tpu.memory_space<vmem>> -> memref<1x80xi32, #tpu.memory_space<vmem>>
        %dma_wait3A_200 = tpu.memref_squeeze %dma_wait3A_199 : memref<1x80xi32, #tpu.memory_space<vmem>> -> memref<80xi32, #tpu.memory_space<vmem>>
        %dma_wait3A_201 = arith.constant 0 : i32
        %dma_wait3A_202 = arith.constant 0 : i32
        %dma_wait3A_203 = tpu.memref_slice %arg12[%dma_wait3A_201, %dma_wait3A_202] : memref<10240x128xf32, #tpu.memory_space<vmem_shared>> -> memref<10240x128xf32, #tpu.memory_space<vmem_shared>>
        tpu.wait_indirect_dma semaphore(%run_scoped3A_191 : memref<!tpu.dma_semaphore, #tpu.memory_space<semaphore_mem>>) src(%arg10 : memref<80x128xf32, #tpu.memory_space<vmem>>) dst(%dma_wait3A_203 : memref<10240x128xf32, #tpu.memory_space<vmem_shared>>)
        tpu.yield
      }) : () -> ()
      %add3A_163 = arith.constant 1 : i32
      %add3A_164 = arith.addi %mul3A_136, %add3A_163 : i32
      %add3A_165 = arith.constant 3 : i32
      %add3A_166 = arith.addi %add3A_164, %add3A_165 : i32
      %dma_start3A_167 = arith.constant 0 : i32
      %dma_start3A_168 = tpu.memref_slice %arg7[%add3A_166, %dma_start3A_167] : memref<64x80xi32, #tpu.memory_space<vmem>> -> memref<1x80xi32, #tpu.memory_space<vmem>>
      %dma_start3A_169 = tpu.memref_squeeze %dma_start3A_168 : memref<1x80xi32, #tpu.memory_space<vmem>> -> memref<80xi32, #tpu.memory_space<vmem>>
      %dma_start3A_170 = arith.constant 0 : i32
      %dma_start3A_171 = arith.constant 0 : i32
      %dma_start3A_172 = tpu.memref_slice %arg2[%dma_start3A_170, %dma_start3A_171] : memref<10000x128xf32, #tpu.memory_space<hbm>> -> memref<10000x128xf32, #tpu.memory_space<hbm>>
      tpu.enqueue_indirect_dma source(%dma_start3A_172 : memref<10000x128xf32, #tpu.memory_space<hbm>>) target(%arg10 : memref<80x128xf32, #tpu.memory_space<vmem>>) offsets(%dma_start3A_169 : memref<80xi32, #tpu.memory_space<vmem>>) semaphore(%arg14 : memref<!tpu.dma_semaphore, #tpu.memory_space<semaphore_mem>>)
      %add3A_173 = arith.constant 2 : i32
      %add3A_174 = arith.addi %mul3A_136, %add3A_173 : i32
      %dma_wait3A_175 = arith.constant 0 : i32
      %dma_wait3A_176 = tpu.memref_slice %arg7[%add3A_174, %dma_wait3A_175] : memref<64x80xi32, #tpu.memory_space<vmem>> -> memref<1x80xi32, #tpu.memory_space<vmem>>
      %dma_wait3A_177 = tpu.memref_squeeze %dma_wait3A_176 : memref<1x80xi32, #tpu.memory_space<vmem>> -> memref<80xi32, #tpu.memory_space<vmem>>
      %dma_wait3A_178 = arith.constant 0 : i32
      %dma_wait3A_179 = arith.constant 0 : i32
      %dma_wait3A_180 = tpu.memref_slice %arg2[%dma_wait3A_178, %dma_wait3A_179] : memref<10000x128xf32, #tpu.memory_space<hbm>> -> memref<10000x128xf32, #tpu.memory_space<hbm>>
      tpu.wait_indirect_dma semaphore(%arg15 : memref<!tpu.dma_semaphore, #tpu.memory_space<semaphore_mem>>) src(%dma_wait3A_180 : memref<10000x128xf32, #tpu.memory_space<hbm>>) dst(%arg11 : memref<80x128xf32, #tpu.memory_space<vmem>>)
      "tpu.region"() ({
        %run_scoped3A_191 = tpu.sem_alloc : memref<!tpu.dma_semaphore, #tpu.memory_space<semaphore_mem>>
        %dma_start3A_192 = arith.constant 0 : i32
        %dma_start3A_193 = tpu.memref_slice %arg8[%add3A_174, %dma_start3A_192] : memref<64x80xi32, #tpu.memory_space<vmem>> -> memref<1x80xi32, #tpu.memory_space<vmem>>
        %dma_start3A_194 = tpu.memref_squeeze %dma_start3A_193 : memref<1x80xi32, #tpu.memory_space<vmem>> -> memref<80xi32, #tpu.memory_space<vmem>>
        %dma_start3A_195 = arith.constant 0 : i32
        %dma_start3A_196 = arith.constant 0 : i32
        %dma_start3A_197 = tpu.memref_slice %arg12[%dma_start3A_195, %dma_start3A_196] : memref<10240x128xf32, #tpu.memory_space<vmem_shared>> -> memref<10240x128xf32, #tpu.memory_space<vmem_shared>>
        tpu.enqueue_indirect_dma source(%arg11 : memref<80x128xf32, #tpu.memory_space<vmem>>) target(%dma_start3A_197 : memref<10240x128xf32, #tpu.memory_space<vmem_shared>>) offsets(%dma_start3A_194 : memref<80xi32, #tpu.memory_space<vmem>>) semaphore(%run_scoped3A_191 : memref<!tpu.dma_semaphore, #tpu.memory_space<semaphore_mem>>) {add = true}
        %dma_wait3A_198 = arith.constant 0 : i32
        %dma_wait3A_199 = tpu.memref_slice %arg8[%add3A_174, %dma_wait3A_198] : memref<64x80xi32, #tpu.memory_space<vmem>> -> memref<1x80xi32, #tpu.memory_space<vmem>>
        %dma_wait3A_200 = tpu.memref_squeeze %dma_wait3A_199 : memref<1x80xi32, #tpu.memory_space<vmem>> -> memref<80xi32, #tpu.memory_space<vmem>>
        %dma_wait3A_201 = arith.constant 0 : i32
        %dma_wait3A_202 = arith.constant 0 : i32
        %dma_wait3A_203 = tpu.memref_slice %arg12[%dma_wait3A_201, %dma_wait3A_202] : memref<10240x128xf32, #tpu.memory_space<vmem_shared>> -> memref<10240x128xf32, #tpu.memory_space<vmem_shared>>
        tpu.wait_indirect_dma semaphore(%run_scoped3A_191 : memref<!tpu.dma_semaphore, #tpu.memory_space<semaphore_mem>>) src(%arg11 : memref<80x128xf32, #tpu.memory_space<vmem>>) dst(%dma_wait3A_203 : memref<10240x128xf32, #tpu.memory_space<vmem_shared>>)
        tpu.yield
      }) : () -> ()
      %add3A_181 = arith.constant 2 : i32
      %add3A_182 = arith.addi %mul3A_136, %add3A_181 : i32
      %add3A_183 = arith.constant 3 : i32
      %add3A_184 = arith.addi %add3A_182, %add3A_183 : i32
      %dma_start3A_185 = arith.constant 0 : i32
      %dma_start3A_186 = tpu.memref_slice %arg7[%add3A_184, %dma_start3A_185] : memref<64x80xi32, #tpu.memory_space<vmem>> -> memref<1x80xi32, #tpu.memory_space<vmem>>
      %dma_start3A_187 = tpu.memref_squeeze %dma_start3A_186 : memref<1x80xi32, #tpu.memory_space<vmem>> -> memref<80xi32, #tpu.memory_space<vmem>>
      %dma_start3A_188 = arith.constant 0 : i32
      %dma_start3A_189 = arith.constant 0 : i32
      %dma_start3A_190 = tpu.memref_slice %arg2[%dma_start3A_188, %dma_start3A_189] : memref<10000x128xf32, #tpu.memory_space<hbm>> -> memref<10000x128xf32, #tpu.memory_space<hbm>>
      tpu.enqueue_indirect_dma source(%dma_start3A_190 : memref<10000x128xf32, #tpu.memory_space<hbm>>) target(%arg11 : memref<80x128xf32, #tpu.memory_space<vmem>>) offsets(%dma_start3A_187 : memref<80xi32, #tpu.memory_space<vmem>>) semaphore(%arg15 : memref<!tpu.dma_semaphore, #tpu.memory_space<semaphore_mem>>)
    }
    %scan3A_27 = arith.constant 20 : i32
    %dma_wait3A = arith.constant 60 : i32
    %dma_wait3A_28 = arith.constant 0 : i32
    %dma_wait3A_29 = tpu.memref_slice %arg7[%dma_wait3A, %dma_wait3A_28] : memref<64x80xi32, #tpu.memory_space<vmem>> -> memref<1x80xi32, #tpu.memory_space<vmem>>
    %dma_wait3A_30 = tpu.memref_squeeze %dma_wait3A_29 : memref<1x80xi32, #tpu.memory_space<vmem>> -> memref<80xi32, #tpu.memory_space<vmem>>
    %dma_wait3A_31 = arith.constant 0 : i32
    %dma_wait3A_32 = arith.constant 0 : i32
    %dma_wait3A_33 = tpu.memref_slice %arg2[%dma_wait3A_31, %dma_wait3A_32] : memref<10000x128xf32, #tpu.memory_space<hbm>> -> memref<10000x128xf32, #tpu.memory_space<hbm>>
    tpu.wait_indirect_dma semaphore(%arg13 : memref<!tpu.dma_semaphore, #tpu.memory_space<semaphore_mem>>) src(%dma_wait3A_33 : memref<10000x128xf32, #tpu.memory_space<hbm>>) dst(%arg9 : memref<80x128xf32, #tpu.memory_space<vmem>>)
    %run_scoped3A = arith.constant 60 : i32
    "tpu.region"() ({
      %run_scoped3A_134 = tpu.sem_alloc : memref<!tpu.dma_semaphore, #tpu.memory_space<semaphore_mem>>
      %dma_start3A_135 = arith.constant 0 : i32
      %dma_start3A_136 = tpu.memref_slice %arg8[%run_scoped3A, %dma_start3A_135] : memref<64x80xi32, #tpu.memory_space<vmem>> -> memref<1x80xi32, #tpu.memory_space<vmem>>
      %dma_start3A_137 = tpu.memref_squeeze %dma_start3A_136 : memref<1x80xi32, #tpu.memory_space<vmem>> -> memref<80xi32, #tpu.memory_space<vmem>>
      %dma_start3A_138 = arith.constant 0 : i32
      %dma_start3A_139 = arith.constant 0 : i32
      %dma_start3A_140 = tpu.memref_slice %arg12[%dma_start3A_138, %dma_start3A_139] : memref<10240x128xf32, #tpu.memory_space<vmem_shared>> -> memref<10240x128xf32, #tpu.memory_space<vmem_shared>>
      tpu.enqueue_indirect_dma source(%arg9 : memref<80x128xf32, #tpu.memory_space<vmem>>) target(%dma_start3A_140 : memref<10240x128xf32, #tpu.memory_space<vmem_shared>>) offsets(%dma_start3A_137 : memref<80xi32, #tpu.memory_space<vmem>>) semaphore(%run_scoped3A_134 : memref<!tpu.dma_semaphore, #tpu.memory_space<semaphore_mem>>) {add = true}
      %dma_wait3A_141 = arith.constant 0 : i32
      %dma_wait3A_142 = tpu.memref_slice %arg8[%run_scoped3A, %dma_wait3A_141] : memref<64x80xi32, #tpu.memory_space<vmem>> -> memref<1x80xi32, #tpu.memory_space<vmem>>
      %dma_wait3A_143 = tpu.memref_squeeze %dma_wait3A_142 : memref<1x80xi32, #tpu.memory_space<vmem>> -> memref<80xi32, #tpu.memory_space<vmem>>
      %dma_wait3A_144 = arith.constant 0 : i32
      %dma_wait3A_145 = arith.constant 0 : i32
      %dma_wait3A_146 = tpu.memref_slice %arg12[%dma_wait3A_144, %dma_wait3A_145] : memref<10240x128xf32, #tpu.memory_space<vmem_shared>> -> memref<10240x128xf32, #tpu.memory_space<vmem_shared>>
      tpu.wait_indirect_dma semaphore(%run_scoped3A_134 : memref<!tpu.dma_semaphore, #tpu.memory_space<semaphore_mem>>) src(%arg9 : memref<80x128xf32, #tpu.memory_space<vmem>>) dst(%dma_wait3A_146 : memref<10240x128xf32, #tpu.memory_space<vmem_shared>>)
      tpu.yield
    }) : () -> ()
    %dma_start3A_34 = arith.constant 63 : i32
    %dma_start3A_35 = arith.constant 0 : i32
    %dma_start3A_36 = tpu.memref_slice %arg7[%dma_start3A_34, %dma_start3A_35] : memref<64x80xi32, #tpu.memory_space<vmem>> -> memref<1x80xi32, #tpu.memory_space<vmem>>
    %dma_start3A_37 = tpu.memref_squeeze %dma_start3A_36 : memref<1x80xi32, #tpu.memory_space<vmem>> -> memref<80xi32, #tpu.memory_space<vmem>>
    %dma_start3A_38 = arith.constant 0 : i32
    %dma_start3A_39 = arith.constant 0 : i32
    %dma_start3A_40 = tpu.memref_slice %arg2[%dma_start3A_38, %dma_start3A_39] : memref<10000x128xf32, #tpu.memory_space<hbm>> -> memref<10000x128xf32, #tpu.memory_space<hbm>>
    tpu.enqueue_indirect_dma source(%dma_start3A_40 : memref<10000x128xf32, #tpu.memory_space<hbm>>) target(%arg9 : memref<80x128xf32, #tpu.memory_space<vmem>>) offsets(%dma_start3A_37 : memref<80xi32, #tpu.memory_space<vmem>>) semaphore(%arg13 : memref<!tpu.dma_semaphore, #tpu.memory_space<semaphore_mem>>)
    %dma_wait3A_41 = arith.constant 61 : i32
    %dma_wait3A_42 = arith.constant 0 : i32
    %dma_wait3A_43 = tpu.memref_slice %arg7[%dma_wait3A_41, %dma_wait3A_42] : memref<64x80xi32, #tpu.memory_space<vmem>> -> memref<1x80xi32, #tpu.memory_space<vmem>>
    %dma_wait3A_44 = tpu.memref_squeeze %dma_wait3A_43 : memref<1x80xi32, #tpu.memory_space<vmem>> -> memref<80xi32, #tpu.memory_space<vmem>>
    %dma_wait3A_45 = arith.constant 0 : i32
    %dma_wait3A_46 = arith.constant 0 : i32
    %dma_wait3A_47 = tpu.memref_slice %arg2[%dma_wait3A_45, %dma_wait3A_46] : memref<10000x128xf32, #tpu.memory_space<hbm>> -> memref<10000x128xf32, #tpu.memory_space<hbm>>
    tpu.wait_indirect_dma semaphore(%arg14 : memref<!tpu.dma_semaphore, #tpu.memory_space<semaphore_mem>>) src(%dma_wait3A_47 : memref<10000x128xf32, #tpu.memory_space<hbm>>) dst(%arg10 : memref<80x128xf32, #tpu.memory_space<vmem>>)
    %run_scoped3A_48 = arith.constant 61 : i32
    "tpu.region"() ({
      %run_scoped3A_134 = tpu.sem_alloc : memref<!tpu.dma_semaphore, #tpu.memory_space<semaphore_mem>>
      %dma_start3A_135 = arith.constant 0 : i32
      %dma_start3A_136 = tpu.memref_slice %arg8[%run_scoped3A_48, %dma_start3A_135] : memref<64x80xi32, #tpu.memory_space<vmem>> -> memref<1x80xi32, #tpu.memory_space<vmem>>
      %dma_start3A_137 = tpu.memref_squeeze %dma_start3A_136 : memref<1x80xi32, #tpu.memory_space<vmem>> -> memref<80xi32, #tpu.memory_space<vmem>>
      %dma_start3A_138 = arith.constant 0 : i32
      %dma_start3A_139 = arith.constant 0 : i32
      %dma_start3A_140 = tpu.memref_slice %arg12[%dma_start3A_138, %dma_start3A_139] : memref<10240x128xf32, #tpu.memory_space<vmem_shared>> -> memref<10240x128xf32, #tpu.memory_space<vmem_shared>>
      tpu.enqueue_indirect_dma source(%arg10 : memref<80x128xf32, #tpu.memory_space<vmem>>) target(%dma_start3A_140 : memref<10240x128xf32, #tpu.memory_space<vmem_shared>>) offsets(%dma_start3A_137 : memref<80xi32, #tpu.memory_space<vmem>>) semaphore(%run_scoped3A_134 : memref<!tpu.dma_semaphore, #tpu.memory_space<semaphore_mem>>) {add = true}
      %dma_wait3A_141 = arith.constant 0 : i32
      %dma_wait3A_142 = tpu.memref_slice %arg8[%run_scoped3A_48, %dma_wait3A_141] : memref<64x80xi32, #tpu.memory_space<vmem>> -> memref<1x80xi32, #tpu.memory_space<vmem>>
      %dma_wait3A_143 = tpu.memref_squeeze %dma_wait3A_142 : memref<1x80xi32, #tpu.memory_space<vmem>> -> memref<80xi32, #tpu.memory_space<vmem>>
      %dma_wait3A_144 = arith.constant 0 : i32
      %dma_wait3A_145 = arith.constant 0 : i32
      %dma_wait3A_146 = tpu.memref_slice %arg12[%dma_wait3A_144, %dma_wait3A_145] : memref<10240x128xf32, #tpu.memory_space<vmem_shared>> -> memref<10240x128xf32, #tpu.memory_space<vmem_shared>>
      tpu.wait_indirect_dma semaphore(%run_scoped3A_134 : memref<!tpu.dma_semaphore, #tpu.memory_space<semaphore_mem>>) src(%arg10 : memref<80x128xf32, #tpu.memory_space<vmem>>) dst(%dma_wait3A_146 : memref<10240x128xf32, #tpu.memory_space<vmem_shared>>)
      tpu.yield
    }) : () -> ()
    %dma_wait3A_49 = arith.constant 62 : i32
    %dma_wait3A_50 = arith.constant 0 : i32
    %dma_wait3A_51 = tpu.memref_slice %arg7[%dma_wait3A_49, %dma_wait3A_50] : memref<64x80xi32, #tpu.memory_space<vmem>> -> memref<1x80xi32, #tpu.memory_space<vmem>>
    %dma_wait3A_52 = tpu.memref_squeeze %dma_wait3A_51 : memref<1x80xi32, #tpu.memory_space<vmem>> -> memref<80xi32, #tpu.memory_space<vmem>>
    %dma_wait3A_53 = arith.constant 0 : i32
    %dma_wait3A_54 = arith.constant 0 : i32
    %dma_wait3A_55 = tpu.memref_slice %arg2[%dma_wait3A_53, %dma_wait3A_54] : memref<10000x128xf32, #tpu.memory_space<hbm>> -> memref<10000x128xf32, #tpu.memory_space<hbm>>
    tpu.wait_indirect_dma semaphore(%arg15 : memref<!tpu.dma_semaphore, #tpu.memory_space<semaphore_mem>>) src(%dma_wait3A_55 : memref<10000x128xf32, #tpu.memory_space<hbm>>) dst(%arg11 : memref<80x128xf32, #tpu.memory_space<vmem>>)
    %run_scoped3A_56 = arith.constant 62 : i32
    "tpu.region"() ({
      %run_scoped3A_134 = tpu.sem_alloc : memref<!tpu.dma_semaphore, #tpu.memory_space<semaphore_mem>>
      %dma_start3A_135 = arith.constant 0 : i32
      %dma_start3A_136 = tpu.memref_slice %arg8[%run_scoped3A_56, %dma_start3A_135] : memref<64x80xi32, #tpu.memory_space<vmem>> -> memref<1x80xi32, #tpu.memory_space<vmem>>
      %dma_start3A_137 = tpu.memref_squeeze %dma_start3A_136 : memref<1x80xi32, #tpu.memory_space<vmem>> -> memref<80xi32, #tpu.memory_space<vmem>>
      %dma_start3A_138 = arith.constant 0 : i32
      %dma_start3A_139 = arith.constant 0 : i32
      %dma_start3A_140 = tpu.memref_slice %arg12[%dma_start3A_138, %dma_start3A_139] : memref<10240x128xf32, #tpu.memory_space<vmem_shared>> -> memref<10240x128xf32, #tpu.memory_space<vmem_shared>>
      tpu.enqueue_indirect_dma source(%arg11 : memref<80x128xf32, #tpu.memory_space<vmem>>) target(%dma_start3A_140 : memref<10240x128xf32, #tpu.memory_space<vmem_shared>>) offsets(%dma_start3A_137 : memref<80xi32, #tpu.memory_space<vmem>>) semaphore(%run_scoped3A_134 : memref<!tpu.dma_semaphore, #tpu.memory_space<semaphore_mem>>) {add = true}
      %dma_wait3A_141 = arith.constant 0 : i32
      %dma_wait3A_142 = tpu.memref_slice %arg8[%run_scoped3A_56, %dma_wait3A_141] : memref<64x80xi32, #tpu.memory_space<vmem>> -> memref<1x80xi32, #tpu.memory_space<vmem>>
      %dma_wait3A_143 = tpu.memref_squeeze %dma_wait3A_142 : memref<1x80xi32, #tpu.memory_space<vmem>> -> memref<80xi32, #tpu.memory_space<vmem>>
      %dma_wait3A_144 = arith.constant 0 : i32
      %dma_wait3A_145 = arith.constant 0 : i32
      %dma_wait3A_146 = tpu.memref_slice %arg12[%dma_wait3A_144, %dma_wait3A_145] : memref<10240x128xf32, #tpu.memory_space<vmem_shared>> -> memref<10240x128xf32, #tpu.memory_space<vmem_shared>>
      tpu.wait_indirect_dma semaphore(%run_scoped3A_134 : memref<!tpu.dma_semaphore, #tpu.memory_space<semaphore_mem>>) src(%arg11 : memref<80x128xf32, #tpu.memory_space<vmem>>) dst(%dma_wait3A_146 : memref<10240x128xf32, #tpu.memory_space<vmem_shared>>)
      tpu.yield
    }) : () -> ()
    %dma_wait3A_57 = arith.constant 63 : i32
    %dma_wait3A_58 = arith.constant 0 : i32
    %dma_wait3A_59 = tpu.memref_slice %arg7[%dma_wait3A_57, %dma_wait3A_58] : memref<64x80xi32, #tpu.memory_space<vmem>> -> memref<1x80xi32, #tpu.memory_space<vmem>>
    %dma_wait3A_60 = tpu.memref_squeeze %dma_wait3A_59 : memref<1x80xi32, #tpu.memory_space<vmem>> -> memref<80xi32, #tpu.memory_space<vmem>>
    %dma_wait3A_61 = arith.constant 0 : i32
    %dma_wait3A_62 = arith.constant 0 : i32
    %dma_wait3A_63 = tpu.memref_slice %arg2[%dma_wait3A_61, %dma_wait3A_62] : memref<10000x128xf32, #tpu.memory_space<hbm>> -> memref<10000x128xf32, #tpu.memory_space<hbm>>
    tpu.wait_indirect_dma semaphore(%arg13 : memref<!tpu.dma_semaphore, #tpu.memory_space<semaphore_mem>>) src(%dma_wait3A_63 : memref<10000x128xf32, #tpu.memory_space<hbm>>) dst(%arg9 : memref<80x128xf32, #tpu.memory_space<vmem>>)
    %run_scoped3A_64 = arith.constant 63 : i32
    "tpu.region"() ({
      %run_scoped3A_134 = tpu.sem_alloc : memref<!tpu.dma_semaphore, #tpu.memory_space<semaphore_mem>>
      %dma_start3A_135 = arith.constant 0 : i32
      %dma_start3A_136 = tpu.memref_slice %arg8[%run_scoped3A_64, %dma_start3A_135] : memref<64x80xi32, #tpu.memory_space<vmem>> -> memref<1x80xi32, #tpu.memory_space<vmem>>
      %dma_start3A_137 = tpu.memref_squeeze %dma_start3A_136 : memref<1x80xi32, #tpu.memory_space<vmem>> -> memref<80xi32, #tpu.memory_space<vmem>>
      %dma_start3A_138 = arith.constant 0 : i32
      %dma_start3A_139 = arith.constant 0 : i32
      %dma_start3A_140 = tpu.memref_slice %arg12[%dma_start3A_138, %dma_start3A_139] : memref<10240x128xf32, #tpu.memory_space<vmem_shared>> -> memref<10240x128xf32, #tpu.memory_space<vmem_shared>>
      tpu.enqueue_indirect_dma source(%arg9 : memref<80x128xf32, #tpu.memory_space<vmem>>) target(%dma_start3A_140 : memref<10240x128xf32, #tpu.memory_space<vmem_shared>>) offsets(%dma_start3A_137 : memref<80xi32, #tpu.memory_space<vmem>>) semaphore(%run_scoped3A_134 : memref<!tpu.dma_semaphore, #tpu.memory_space<semaphore_mem>>) {add = true}
      %dma_wait3A_141 = arith.constant 0 : i32
      %dma_wait3A_142 = tpu.memref_slice %arg8[%run_scoped3A_64, %dma_wait3A_141] : memref<64x80xi32, #tpu.memory_space<vmem>> -> memref<1x80xi32, #tpu.memory_space<vmem>>
      %dma_wait3A_143 = tpu.memref_squeeze %dma_wait3A_142 : memref<1x80xi32, #tpu.memory_space<vmem>> -> memref<80xi32, #tpu.memory_space<vmem>>
      %dma_wait3A_144 = arith.constant 0 : i32
      %dma_wait3A_145 = arith.constant 0 : i32
      %dma_wait3A_146 = tpu.memref_slice %arg12[%dma_wait3A_144, %dma_wait3A_145] : memref<10240x128xf32, #tpu.memory_space<vmem_shared>> -> memref<10240x128xf32, #tpu.memory_space<vmem_shared>>
      tpu.wait_indirect_dma semaphore(%run_scoped3A_134 : memref<!tpu.dma_semaphore, #tpu.memory_space<semaphore_mem>>) src(%arg9 : memref<80x128xf32, #tpu.memory_space<vmem>>) dst(%dma_wait3A_146 : memref<10240x128xf32, #tpu.memory_space<vmem_shared>>)
      tpu.yield
    }) : () -> ()
    "tpu.region"() ({
      %run_scoped3A_134 = tpu.sem_alloc : memref<!tpu.dma_semaphore, #tpu.memory_space<semaphore_mem>>
      %dma_start3A_135 = arith.constant 0 : i32
      %dma_start3A_136 = arith.constant 0 : i32
      %dma_start3A_137 = tpu.memref_slice %arg7[%dma_start3A_135, %dma_start3A_136] : memref<64x80xi32, #tpu.memory_space<vmem>> -> memref<61x80xi32, #tpu.memory_space<vmem>>
      %dma_start3A_138 = arith.constant 64 : i32
      %dma_start3A_139 = arith.constant 0 : i32
      %dma_start3A_140 = tpu.memref_slice %arg3[%add3A, %dma_start3A_138, %dma_start3A_139] : memref<32x125x80xi32, #tpu.memory_space<hbm>> -> memref<1x61x80xi32, #tpu.memory_space<hbm>>
      %dma_start3A_141 = tpu.memref_squeeze %dma_start3A_140 : memref<1x61x80xi32, #tpu.memory_space<hbm>> -> memref<61x80xi32, #tpu.memory_space<hbm>>
      %dma_start3A_142 = arith.constant 0 : i32
      %dma_start3A_143 = arith.constant 0 : i32
      %dma_start3A_144 = tpu.memref_slice %arg7[%dma_start3A_142, %dma_start3A_143] : memref<64x80xi32, #tpu.memory_space<vmem>> -> memref<61x80xi32, #tpu.memory_space<vmem>>
      %dma_start3A_145 = arith.constant 64 : i32
      %dma_start3A_146 = arith.constant 0 : i32
      %dma_start3A_147 = tpu.memref_slice %arg3[%add3A, %dma_start3A_145, %dma_start3A_146] : memref<32x125x80xi32, #tpu.memory_space<hbm>> -> memref<1x61x80xi32, #tpu.memory_space<hbm>>
      %dma_start3A_148 = tpu.memref_squeeze %dma_start3A_147 : memref<1x61x80xi32, #tpu.memory_space<hbm>> -> memref<61x80xi32, #tpu.memory_space<hbm>>
      tpu.enqueue_dma source(%dma_start3A_148 : memref<61x80xi32, #tpu.memory_space<hbm>>) target(%dma_start3A_144 : memref<61x80xi32, #tpu.memory_space<vmem>>) target_semaphore(%run_scoped3A_134 : memref<!tpu.dma_semaphore, #tpu.memory_space<semaphore_mem>>)
      %dma_wait3A_149 = arith.constant 0 : i32
      %dma_wait3A_150 = arith.constant 0 : i32
      %dma_wait3A_151 = tpu.memref_slice %arg7[%dma_wait3A_149, %dma_wait3A_150] : memref<64x80xi32, #tpu.memory_space<vmem>> -> memref<61x80xi32, #tpu.memory_space<vmem>>
      %dma_wait3A_152 = arith.constant 64 : i32
      %dma_wait3A_153 = arith.constant 0 : i32
      %dma_wait3A_154 = tpu.memref_slice %arg3[%add3A, %dma_wait3A_152, %dma_wait3A_153] : memref<32x125x80xi32, #tpu.memory_space<hbm>> -> memref<1x61x80xi32, #tpu.memory_space<hbm>>
      %dma_wait3A_155 = tpu.memref_squeeze %dma_wait3A_154 : memref<1x61x80xi32, #tpu.memory_space<hbm>> -> memref<61x80xi32, #tpu.memory_space<hbm>>
      %dma_wait3A_156 = arith.constant 0 : i32
      %dma_wait3A_157 = arith.constant 0 : i32
      %dma_wait3A_158 = tpu.memref_slice %arg7[%dma_wait3A_156, %dma_wait3A_157] : memref<64x80xi32, #tpu.memory_space<vmem>> -> memref<61x80xi32, #tpu.memory_space<vmem>>
      %dma_wait3A_159 = arith.constant 64 : i32
      %dma_wait3A_160 = arith.constant 0 : i32
      %dma_wait3A_161 = tpu.memref_slice %arg3[%add3A, %dma_wait3A_159, %dma_wait3A_160] : memref<32x125x80xi32, #tpu.memory_space<hbm>> -> memref<1x61x80xi32, #tpu.memory_space<hbm>>
      %dma_wait3A_162 = tpu.memref_squeeze %dma_wait3A_161 : memref<1x61x80xi32, #tpu.memory_space<hbm>> -> memref<61x80xi32, #tpu.memory_space<hbm>>
      tpu.wait_dma2 semaphore(%run_scoped3A_134 : memref<!tpu.dma_semaphore, #tpu.memory_space<semaphore_mem>>) src(%dma_wait3A_162 : memref<61x80xi32, #tpu.memory_space<hbm>>) dst(%dma_wait3A_158 : memref<61x80xi32, #tpu.memory_space<vmem>>)
      tpu.yield
    }) : () -> ()
    "tpu.region"() ({
      %run_scoped3A_134 = tpu.sem_alloc : memref<!tpu.dma_semaphore, #tpu.memory_space<semaphore_mem>>
      %dma_start3A_135 = arith.constant 0 : i32
      %dma_start3A_136 = arith.constant 0 : i32
      %dma_start3A_137 = tpu.memref_slice %arg8[%dma_start3A_135, %dma_start3A_136] : memref<64x80xi32, #tpu.memory_space<vmem>> -> memref<61x80xi32, #tpu.memory_space<vmem>>
      %dma_start3A_138 = arith.constant 64 : i32
      %dma_start3A_139 = arith.constant 0 : i32
      %dma_start3A_140 = tpu.memref_slice %arg4[%add3A, %dma_start3A_138, %dma_start3A_139] : memref<32x125x80xi32, #tpu.memory_space<hbm>> -> memref<1x61x80xi32, #tpu.memory_space<hbm>>
      %dma_start3A_141 = tpu.memref_squeeze %dma_start3A_140 : memref<1x61x80xi32, #tpu.memory_space<hbm>> -> memref<61x80xi32, #tpu.memory_space<hbm>>
      %dma_start3A_142 = arith.constant 0 : i32
      %dma_start3A_143 = arith.constant 0 : i32
      %dma_start3A_144 = tpu.memref_slice %arg8[%dma_start3A_142, %dma_start3A_143] : memref<64x80xi32, #tpu.memory_space<vmem>> -> memref<61x80xi32, #tpu.memory_space<vmem>>
      %dma_start3A_145 = arith.constant 64 : i32
      %dma_start3A_146 = arith.constant 0 : i32
      %dma_start3A_147 = tpu.memref_slice %arg4[%add3A, %dma_start3A_145, %dma_start3A_146] : memref<32x125x80xi32, #tpu.memory_space<hbm>> -> memref<1x61x80xi32, #tpu.memory_space<hbm>>
      %dma_start3A_148 = tpu.memref_squeeze %dma_start3A_147 : memref<1x61x80xi32, #tpu.memory_space<hbm>> -> memref<61x80xi32, #tpu.memory_space<hbm>>
      tpu.enqueue_dma source(%dma_start3A_148 : memref<61x80xi32, #tpu.memory_space<hbm>>) target(%dma_start3A_144 : memref<61x80xi32, #tpu.memory_space<vmem>>) target_semaphore(%run_scoped3A_134 : memref<!tpu.dma_semaphore, #tpu.memory_space<semaphore_mem>>)
      %dma_wait3A_149 = arith.constant 0 : i32
      %dma_wait3A_150 = arith.constant 0 : i32
      %dma_wait3A_151 = tpu.memref_slice %arg8[%dma_wait3A_149, %dma_wait3A_150] : memref<64x80xi32, #tpu.memory_space<vmem>> -> memref<61x80xi32, #tpu.memory_space<vmem>>
      %dma_wait3A_152 = arith.constant 64 : i32
      %dma_wait3A_153 = arith.constant 0 : i32
      %dma_wait3A_154 = tpu.memref_slice %arg4[%add3A, %dma_wait3A_152, %dma_wait3A_153] : memref<32x125x80xi32, #tpu.memory_space<hbm>> -> memref<1x61x80xi32, #tpu.memory_space<hbm>>
      %dma_wait3A_155 = tpu.memref_squeeze %dma_wait3A_154 : memref<1x61x80xi32, #tpu.memory_space<hbm>> -> memref<61x80xi32, #tpu.memory_space<hbm>>
      %dma_wait3A_156 = arith.constant 0 : i32
      %dma_wait3A_157 = arith.constant 0 : i32
      %dma_wait3A_158 = tpu.memref_slice %arg8[%dma_wait3A_156, %dma_wait3A_157] : memref<64x80xi32, #tpu.memory_space<vmem>> -> memref<61x80xi32, #tpu.memory_space<vmem>>
      %dma_wait3A_159 = arith.constant 64 : i32
      %dma_wait3A_160 = arith.constant 0 : i32
      %dma_wait3A_161 = tpu.memref_slice %arg4[%add3A, %dma_wait3A_159, %dma_wait3A_160] : memref<32x125x80xi32, #tpu.memory_space<hbm>> -> memref<1x61x80xi32, #tpu.memory_space<hbm>>
      %dma_wait3A_162 = tpu.memref_squeeze %dma_wait3A_161 : memref<1x61x80xi32, #tpu.memory_space<hbm>> -> memref<61x80xi32, #tpu.memory_space<hbm>>
      tpu.wait_dma2 semaphore(%run_scoped3A_134 : memref<!tpu.dma_semaphore, #tpu.memory_space<semaphore_mem>>) src(%dma_wait3A_162 : memref<61x80xi32, #tpu.memory_space<hbm>>) dst(%dma_wait3A_158 : memref<61x80xi32, #tpu.memory_space<vmem>>)
      tpu.yield
    }) : () -> ()
    %dma_start3A_65 = arith.constant 0 : i32
    %dma_start3A_66 = arith.constant 0 : i32
    %dma_start3A_67 = tpu.memref_slice %arg7[%dma_start3A_65, %dma_start3A_66] : memref<64x80xi32, #tpu.memory_space<vmem>> -> memref<1x80xi32, #tpu.memory_space<vmem>>
    %dma_start3A_68 = tpu.memref_squeeze %dma_start3A_67 : memref<1x80xi32, #tpu.memory_space<vmem>> -> memref<80xi32, #tpu.memory_space<vmem>>
    %dma_start3A_69 = arith.constant 0 : i32
    %dma_start3A_70 = arith.constant 0 : i32
    %dma_start3A_71 = tpu.memref_slice %arg2[%dma_start3A_69, %dma_start3A_70] : memref<10000x128xf32, #tpu.memory_space<hbm>> -> memref<10000x128xf32, #tpu.memory_space<hbm>>
    tpu.enqueue_indirect_dma source(%dma_start3A_71 : memref<10000x128xf32, #tpu.memory_space<hbm>>) target(%arg9 : memref<80x128xf32, #tpu.memory_space<vmem>>) offsets(%dma_start3A_68 : memref<80xi32, #tpu.memory_space<vmem>>) semaphore(%arg13 : memref<!tpu.dma_semaphore, #tpu.memory_space<semaphore_mem>>)
    %dma_start3A_72 = arith.constant 1 : i32
    %dma_start3A_73 = arith.constant 0 : i32
    %dma_start3A_74 = tpu.memref_slice %arg7[%dma_start3A_72, %dma_start3A_73] : memref<64x80xi32, #tpu.memory_space<vmem>> -> memref<1x80xi32, #tpu.memory_space<vmem>>
    %dma_start3A_75 = tpu.memref_squeeze %dma_start3A_74 : memref<1x80xi32, #tpu.memory_space<vmem>> -> memref<80xi32, #tpu.memory_space<vmem>>
    %dma_start3A_76 = arith.constant 0 : i32
    %dma_start3A_77 = arith.constant 0 : i32
    %dma_start3A_78 = tpu.memref_slice %arg2[%dma_start3A_76, %dma_start3A_77] : memref<10000x128xf32, #tpu.memory_space<hbm>> -> memref<10000x128xf32, #tpu.memory_space<hbm>>
    tpu.enqueue_indirect_dma source(%dma_start3A_78 : memref<10000x128xf32, #tpu.memory_space<hbm>>) target(%arg10 : memref<80x128xf32, #tpu.memory_space<vmem>>) offsets(%dma_start3A_75 : memref<80xi32, #tpu.memory_space<vmem>>) semaphore(%arg14 : memref<!tpu.dma_semaphore, #tpu.memory_space<semaphore_mem>>)
    %dma_start3A_79 = arith.constant 2 : i32
    %dma_start3A_80 = arith.constant 0 : i32
    %dma_start3A_81 = tpu.memref_slice %arg7[%dma_start3A_79, %dma_start3A_80] : memref<64x80xi32, #tpu.memory_space<vmem>> -> memref<1x80xi32, #tpu.memory_space<vmem>>
    %dma_start3A_82 = tpu.memref_squeeze %dma_start3A_81 : memref<1x80xi32, #tpu.memory_space<vmem>> -> memref<80xi32, #tpu.memory_space<vmem>>
    %dma_start3A_83 = arith.constant 0 : i32
    %dma_start3A_84 = arith.constant 0 : i32
    %dma_start3A_85 = tpu.memref_slice %arg2[%dma_start3A_83, %dma_start3A_84] : memref<10000x128xf32, #tpu.memory_space<hbm>> -> memref<10000x128xf32, #tpu.memory_space<hbm>>
    tpu.enqueue_indirect_dma source(%dma_start3A_85 : memref<10000x128xf32, #tpu.memory_space<hbm>>) target(%arg11 : memref<80x128xf32, #tpu.memory_space<vmem>>) offsets(%dma_start3A_82 : memref<80xi32, #tpu.memory_space<vmem>>) semaphore(%arg15 : memref<!tpu.dma_semaphore, #tpu.memory_space<semaphore_mem>>)
    %scan3A_86 = arith.constant 0 : i32
    %scan3A_87 = arith.constant 0 : i32
    %scan3A_88 = arith.constant 19 : i32
    %scan3A_89 = arith.addi %scan3A_87, %scan3A_88 : i32
    %scan3A_90 = arith.constant 1 : i32
    scf.for %scan3A_134 = %scan3A_87 to %scan3A_89 step %scan3A_90  : i32 {
      %mul3A_135 = arith.constant 3 : i32
      %mul3A_136 = arith.muli %mul3A_135, %scan3A_134 : i32
      %add3A_137 = arith.constant 0 : i32
      %add3A_138 = arith.addi %mul3A_136, %add3A_137 : i32
      %dma_wait3A_139 = arith.constant 0 : i32
      %dma_wait3A_140 = tpu.memref_slice %arg7[%add3A_138, %dma_wait3A_139] : memref<64x80xi32, #tpu.memory_space<vmem>> -> memref<1x80xi32, #tpu.memory_space<vmem>>
      %dma_wait3A_141 = tpu.memref_squeeze %dma_wait3A_140 : memref<1x80xi32, #tpu.memory_space<vmem>> -> memref<80xi32, #tpu.memory_space<vmem>>
      %dma_wait3A_142 = arith.constant 0 : i32
      %dma_wait3A_143 = arith.constant 0 : i32
      %dma_wait3A_144 = tpu.memref_slice %arg2[%dma_wait3A_142, %dma_wait3A_143] : memref<10000x128xf32, #tpu.memory_space<hbm>> -> memref<10000x128xf32, #tpu.memory_space<hbm>>
      tpu.wait_indirect_dma semaphore(%arg13 : memref<!tpu.dma_semaphore, #tpu.memory_space<semaphore_mem>>) src(%dma_wait3A_144 : memref<10000x128xf32, #tpu.memory_space<hbm>>) dst(%arg9 : memref<80x128xf32, #tpu.memory_space<vmem>>)
      "tpu.region"() ({
        %run_scoped3A_191 = tpu.sem_alloc : memref<!tpu.dma_semaphore, #tpu.memory_space<semaphore_mem>>
        %dma_start3A_192 = arith.constant 0 : i32
        %dma_start3A_193 = tpu.memref_slice %arg8[%add3A_138, %dma_start3A_192] : memref<64x80xi32, #tpu.memory_space<vmem>> -> memref<1x80xi32, #tpu.memory_space<vmem>>
        %dma_start3A_194 = tpu.memref_squeeze %dma_start3A_193 : memref<1x80xi32, #tpu.memory_space<vmem>> -> memref<80xi32, #tpu.memory_space<vmem>>
        %dma_start3A_195 = arith.constant 0 : i32
        %dma_start3A_196 = arith.constant 0 : i32
        %dma_start3A_197 = tpu.memref_slice %arg12[%dma_start3A_195, %dma_start3A_196] : memref<10240x128xf32, #tpu.memory_space<vmem_shared>> -> memref<10240x128xf32, #tpu.memory_space<vmem_shared>>
        tpu.enqueue_indirect_dma source(%arg9 : memref<80x128xf32, #tpu.memory_space<vmem>>) target(%dma_start3A_197 : memref<10240x128xf32, #tpu.memory_space<vmem_shared>>) offsets(%dma_start3A_194 : memref<80xi32, #tpu.memory_space<vmem>>) semaphore(%run_scoped3A_191 : memref<!tpu.dma_semaphore, #tpu.memory_space<semaphore_mem>>) {add = true}
        %dma_wait3A_198 = arith.constant 0 : i32
        %dma_wait3A_199 = tpu.memref_slice %arg8[%add3A_138, %dma_wait3A_198] : memref<64x80xi32, #tpu.memory_space<vmem>> -> memref<1x80xi32, #tpu.memory_space<vmem>>
        %dma_wait3A_200 = tpu.memref_squeeze %dma_wait3A_199 : memref<1x80xi32, #tpu.memory_space<vmem>> -> memref<80xi32, #tpu.memory_space<vmem>>
        %dma_wait3A_201 = arith.constant 0 : i32
        %dma_wait3A_202 = arith.constant 0 : i32
        %dma_wait3A_203 = tpu.memref_slice %arg12[%dma_wait3A_201, %dma_wait3A_202] : memref<10240x128xf32, #tpu.memory_space<vmem_shared>> -> memref<10240x128xf32, #tpu.memory_space<vmem_shared>>
        tpu.wait_indirect_dma semaphore(%run_scoped3A_191 : memref<!tpu.dma_semaphore, #tpu.memory_space<semaphore_mem>>) src(%arg9 : memref<80x128xf32, #tpu.memory_space<vmem>>) dst(%dma_wait3A_203 : memref<10240x128xf32, #tpu.memory_space<vmem_shared>>)
        tpu.yield
      }) : () -> ()
      %add3A_145 = arith.constant 0 : i32
      %add3A_146 = arith.addi %mul3A_136, %add3A_145 : i32
      %add3A_147 = arith.constant 3 : i32
      %add3A_148 = arith.addi %add3A_146, %add3A_147 : i32
      %dma_start3A_149 = arith.constant 0 : i32
      %dma_start3A_150 = tpu.memref_slice %arg7[%add3A_148, %dma_start3A_149] : memref<64x80xi32, #tpu.memory_space<vmem>> -> memref<1x80xi32, #tpu.memory_space<vmem>>
      %dma_start3A_151 = tpu.memref_squeeze %dma_start3A_150 : memref<1x80xi32, #tpu.memory_space<vmem>> -> memref<80xi32, #tpu.memory_space<vmem>>
      %dma_start3A_152 = arith.constant 0 : i32
      %dma_start3A_153 = arith.constant 0 : i32
      %dma_start3A_154 = tpu.memref_slice %arg2[%dma_start3A_152, %dma_start3A_153] : memref<10000x128xf32, #tpu.memory_space<hbm>> -> memref<10000x128xf32, #tpu.memory_space<hbm>>
      tpu.enqueue_indirect_dma source(%dma_start3A_154 : memref<10000x128xf32, #tpu.memory_space<hbm>>) target(%arg9 : memref<80x128xf32, #tpu.memory_space<vmem>>) offsets(%dma_start3A_151 : memref<80xi32, #tpu.memory_space<vmem>>) semaphore(%arg13 : memref<!tpu.dma_semaphore, #tpu.memory_space<semaphore_mem>>)
      %add3A_155 = arith.constant 1 : i32
      %add3A_156 = arith.addi %mul3A_136, %add3A_155 : i32
      %dma_wait3A_157 = arith.constant 0 : i32
      %dma_wait3A_158 = tpu.memref_slice %arg7[%add3A_156, %dma_wait3A_157] : memref<64x80xi32, #tpu.memory_space<vmem>> -> memref<1x80xi32, #tpu.memory_space<vmem>>
      %dma_wait3A_159 = tpu.memref_squeeze %dma_wait3A_158 : memref<1x80xi32, #tpu.memory_space<vmem>> -> memref<80xi32, #tpu.memory_space<vmem>>
      %dma_wait3A_160 = arith.constant 0 : i32
      %dma_wait3A_161 = arith.constant 0 : i32
      %dma_wait3A_162 = tpu.memref_slice %arg2[%dma_wait3A_160, %dma_wait3A_161] : memref<10000x128xf32, #tpu.memory_space<hbm>> -> memref<10000x128xf32, #tpu.memory_space<hbm>>
      tpu.wait_indirect_dma semaphore(%arg14 : memref<!tpu.dma_semaphore, #tpu.memory_space<semaphore_mem>>) src(%dma_wait3A_162 : memref<10000x128xf32, #tpu.memory_space<hbm>>) dst(%arg10 : memref<80x128xf32, #tpu.memory_space<vmem>>)
      "tpu.region"() ({
        %run_scoped3A_191 = tpu.sem_alloc : memref<!tpu.dma_semaphore, #tpu.memory_space<semaphore_mem>>
        %dma_start3A_192 = arith.constant 0 : i32
        %dma_start3A_193 = tpu.memref_slice %arg8[%add3A_156, %dma_start3A_192] : memref<64x80xi32, #tpu.memory_space<vmem>> -> memref<1x80xi32, #tpu.memory_space<vmem>>
        %dma_start3A_194 = tpu.memref_squeeze %dma_start3A_193 : memref<1x80xi32, #tpu.memory_space<vmem>> -> memref<80xi32, #tpu.memory_space<vmem>>
        %dma_start3A_195 = arith.constant 0 : i32
        %dma_start3A_196 = arith.constant 0 : i32
        %dma_start3A_197 = tpu.memref_slice %arg12[%dma_start3A_195, %dma_start3A_196] : memref<10240x128xf32, #tpu.memory_space<vmem_shared>> -> memref<10240x128xf32, #tpu.memory_space<vmem_shared>>
        tpu.enqueue_indirect_dma source(%arg10 : memref<80x128xf32, #tpu.memory_space<vmem>>) target(%dma_start3A_197 : memref<10240x128xf32, #tpu.memory_space<vmem_shared>>) offsets(%dma_start3A_194 : memref<80xi32, #tpu.memory_space<vmem>>) semaphore(%run_scoped3A_191 : memref<!tpu.dma_semaphore, #tpu.memory_space<semaphore_mem>>) {add = true}
        %dma_wait3A_198 = arith.constant 0 : i32
        %dma_wait3A_199 = tpu.memref_slice %arg8[%add3A_156, %dma_wait3A_198] : memref<64x80xi32, #tpu.memory_space<vmem>> -> memref<1x80xi32, #tpu.memory_space<vmem>>
        %dma_wait3A_200 = tpu.memref_squeeze %dma_wait3A_199 : memref<1x80xi32, #tpu.memory_space<vmem>> -> memref<80xi32, #tpu.memory_space<vmem>>
        %dma_wait3A_201 = arith.constant 0 : i32
        %dma_wait3A_202 = arith.constant 0 : i32
        %dma_wait3A_203 = tpu.memref_slice %arg12[%dma_wait3A_201, %dma_wait3A_202] : memref<10240x128xf32, #tpu.memory_space<vmem_shared>> -> memref<10240x128xf32, #tpu.memory_space<vmem_shared>>
        tpu.wait_indirect_dma semaphore(%run_scoped3A_191 : memref<!tpu.dma_semaphore, #tpu.memory_space<semaphore_mem>>) src(%arg10 : memref<80x128xf32, #tpu.memory_space<vmem>>) dst(%dma_wait3A_203 : memref<10240x128xf32, #tpu.memory_space<vmem_shared>>)
        tpu.yield
      }) : () -> ()
      %add3A_163 = arith.constant 1 : i32
      %add3A_164 = arith.addi %mul3A_136, %add3A_163 : i32
      %add3A_165 = arith.constant 3 : i32
      %add3A_166 = arith.addi %add3A_164, %add3A_165 : i32
      %dma_start3A_167 = arith.constant 0 : i32
      %dma_start3A_168 = tpu.memref_slice %arg7[%add3A_166, %dma_start3A_167] : memref<64x80xi32, #tpu.memory_space<vmem>> -> memref<1x80xi32, #tpu.memory_space<vmem>>
      %dma_start3A_169 = tpu.memref_squeeze %dma_start3A_168 : memref<1x80xi32, #tpu.memory_space<vmem>> -> memref<80xi32, #tpu.memory_space<vmem>>
      %dma_start3A_170 = arith.constant 0 : i32
      %dma_start3A_171 = arith.constant 0 : i32
      %dma_start3A_172 = tpu.memref_slice %arg2[%dma_start3A_170, %dma_start3A_171] : memref<10000x128xf32, #tpu.memory_space<hbm>> -> memref<10000x128xf32, #tpu.memory_space<hbm>>
      tpu.enqueue_indirect_dma source(%dma_start3A_172 : memref<10000x128xf32, #tpu.memory_space<hbm>>) target(%arg10 : memref<80x128xf32, #tpu.memory_space<vmem>>) offsets(%dma_start3A_169 : memref<80xi32, #tpu.memory_space<vmem>>) semaphore(%arg14 : memref<!tpu.dma_semaphore, #tpu.memory_space<semaphore_mem>>)
      %add3A_173 = arith.constant 2 : i32
      %add3A_174 = arith.addi %mul3A_136, %add3A_173 : i32
      %dma_wait3A_175 = arith.constant 0 : i32
      %dma_wait3A_176 = tpu.memref_slice %arg7[%add3A_174, %dma_wait3A_175] : memref<64x80xi32, #tpu.memory_space<vmem>> -> memref<1x80xi32, #tpu.memory_space<vmem>>
      %dma_wait3A_177 = tpu.memref_squeeze %dma_wait3A_176 : memref<1x80xi32, #tpu.memory_space<vmem>> -> memref<80xi32, #tpu.memory_space<vmem>>
      %dma_wait3A_178 = arith.constant 0 : i32
      %dma_wait3A_179 = arith.constant 0 : i32
      %dma_wait3A_180 = tpu.memref_slice %arg2[%dma_wait3A_178, %dma_wait3A_179] : memref<10000x128xf32, #tpu.memory_space<hbm>> -> memref<10000x128xf32, #tpu.memory_space<hbm>>
      tpu.wait_indirect_dma semaphore(%arg15 : memref<!tpu.dma_semaphore, #tpu.memory_space<semaphore_mem>>) src(%dma_wait3A_180 : memref<10000x128xf32, #tpu.memory_space<hbm>>) dst(%arg11 : memref<80x128xf32, #tpu.memory_space<vmem>>)
      "tpu.region"() ({
        %run_scoped3A_191 = tpu.sem_alloc : memref<!tpu.dma_semaphore, #tpu.memory_space<semaphore_mem>>
        %dma_start3A_192 = arith.constant 0 : i32
        %dma_start3A_193 = tpu.memref_slice %arg8[%add3A_174, %dma_start3A_192] : memref<64x80xi32, #tpu.memory_space<vmem>> -> memref<1x80xi32, #tpu.memory_space<vmem>>
        %dma_start3A_194 = tpu.memref_squeeze %dma_start3A_193 : memref<1x80xi32, #tpu.memory_space<vmem>> -> memref<80xi32, #tpu.memory_space<vmem>>
        %dma_start3A_195 = arith.constant 0 : i32
        %dma_start3A_196 = arith.constant 0 : i32
        %dma_start3A_197 = tpu.memref_slice %arg12[%dma_start3A_195, %dma_start3A_196] : memref<10240x128xf32, #tpu.memory_space<vmem_shared>> -> memref<10240x128xf32, #tpu.memory_space<vmem_shared>>
        tpu.enqueue_indirect_dma source(%arg11 : memref<80x128xf32, #tpu.memory_space<vmem>>) target(%dma_start3A_197 : memref<10240x128xf32, #tpu.memory_space<vmem_shared>>) offsets(%dma_start3A_194 : memref<80xi32, #tpu.memory_space<vmem>>) semaphore(%run_scoped3A_191 : memref<!tpu.dma_semaphore, #tpu.memory_space<semaphore_mem>>) {add = true}
        %dma_wait3A_198 = arith.constant 0 : i32
        %dma_wait3A_199 = tpu.memref_slice %arg8[%add3A_174, %dma_wait3A_198] : memref<64x80xi32, #tpu.memory_space<vmem>> -> memref<1x80xi32, #tpu.memory_space<vmem>>
        %dma_wait3A_200 = tpu.memref_squeeze %dma_wait3A_199 : memref<1x80xi32, #tpu.memory_space<vmem>> -> memref<80xi32, #tpu.memory_space<vmem>>
        %dma_wait3A_201 = arith.constant 0 : i32
        %dma_wait3A_202 = arith.constant 0 : i32
        %dma_wait3A_203 = tpu.memref_slice %arg12[%dma_wait3A_201, %dma_wait3A_202] : memref<10240x128xf32, #tpu.memory_space<vmem_shared>> -> memref<10240x128xf32, #tpu.memory_space<vmem_shared>>
        tpu.wait_indirect_dma semaphore(%run_scoped3A_191 : memref<!tpu.dma_semaphore, #tpu.memory_space<semaphore_mem>>) src(%arg11 : memref<80x128xf32, #tpu.memory_space<vmem>>) dst(%dma_wait3A_203 : memref<10240x128xf32, #tpu.memory_space<vmem_shared>>)
        tpu.yield
      }) : () -> ()
      %add3A_181 = arith.constant 2 : i32
      %add3A_182 = arith.addi %mul3A_136, %add3A_181 : i32
      %add3A_183 = arith.constant 3 : i32
      %add3A_184 = arith.addi %add3A_182, %add3A_183 : i32
      %dma_start3A_185 = arith.constant 0 : i32
      %dma_start3A_186 = tpu.memref_slice %arg7[%add3A_184, %dma_start3A_185] : memref<64x80xi32, #tpu.memory_space<vmem>> -> memref<1x80xi32, #tpu.memory_space<vmem>>
      %dma_start3A_187 = tpu.memref_squeeze %dma_start3A_186 : memref<1x80xi32, #tpu.memory_space<vmem>> -> memref<80xi32, #tpu.memory_space<vmem>>
      %dma_start3A_188 = arith.constant 0 : i32
      %dma_start3A_189 = arith.constant 0 : i32
      %dma_start3A_190 = tpu.memref_slice %arg2[%dma_start3A_188, %dma_start3A_189] : memref<10000x128xf32, #tpu.memory_space<hbm>> -> memref<10000x128xf32, #tpu.memory_space<hbm>>
      tpu.enqueue_indirect_dma source(%dma_start3A_190 : memref<10000x128xf32, #tpu.memory_space<hbm>>) target(%arg11 : memref<80x128xf32, #tpu.memory_space<vmem>>) offsets(%dma_start3A_187 : memref<80xi32, #tpu.memory_space<vmem>>) semaphore(%arg15 : memref<!tpu.dma_semaphore, #tpu.memory_space<semaphore_mem>>)
    }
    %scan3A_91 = arith.constant 19 : i32
    %dma_wait3A_92 = arith.constant 57 : i32
    %dma_wait3A_93 = arith.constant 0 : i32
    %dma_wait3A_94 = tpu.memref_slice %arg7[%dma_wait3A_92, %dma_wait3A_93] : memref<64x80xi32, #tpu.memory_space<vmem>> -> memref<1x80xi32, #tpu.memory_space<vmem>>
    %dma_wait3A_95 = tpu.memref_squeeze %dma_wait3A_94 : memref<1x80xi32, #tpu.memory_space<vmem>> -> memref<80xi32, #tpu.memory_space<vmem>>
    %dma_wait3A_96 = arith.constant 0 : i32
    %dma_wait3A_97 = arith.constant 0 : i32
    %dma_wait3A_98 = tpu.memref_slice %arg2[%dma_wait3A_96, %dma_wait3A_97] : memref<10000x128xf32, #tpu.memory_space<hbm>> -> memref<10000x128xf32, #tpu.memory_space<hbm>>
    tpu.wait_indirect_dma semaphore(%arg13 : memref<!tpu.dma_semaphore, #tpu.memory_space<semaphore_mem>>) src(%dma_wait3A_98 : memref<10000x128xf32, #tpu.memory_space<hbm>>) dst(%arg9 : memref<80x128xf32, #tpu.memory_space<vmem>>)
    %run_scoped3A_99 = arith.constant 57 : i32
    "tpu.region"() ({
      %run_scoped3A_134 = tpu.sem_alloc : memref<!tpu.dma_semaphore, #tpu.memory_space<semaphore_mem>>
      %dma_start3A_135 = arith.constant 0 : i32
      %dma_start3A_136 = tpu.memref_slice %arg8[%run_scoped3A_99, %dma_start3A_135] : memref<64x80xi32, #tpu.memory_space<vmem>> -> memref<1x80xi32, #tpu.memory_space<vmem>>
      %dma_start3A_137 = tpu.memref_squeeze %dma_start3A_136 : memref<1x80xi32, #tpu.memory_space<vmem>> -> memref<80xi32, #tpu.memory_space<vmem>>
      %dma_start3A_138 = arith.constant 0 : i32
      %dma_start3A_139 = arith.constant 0 : i32
      %dma_start3A_140 = tpu.memref_slice %arg12[%dma_start3A_138, %dma_start3A_139] : memref<10240x128xf32, #tpu.memory_space<vmem_shared>> -> memref<10240x128xf32, #tpu.memory_space<vmem_shared>>
      tpu.enqueue_indirect_dma source(%arg9 : memref<80x128xf32, #tpu.memory_space<vmem>>) target(%dma_start3A_140 : memref<10240x128xf32, #tpu.memory_space<vmem_shared>>) offsets(%dma_start3A_137 : memref<80xi32, #tpu.memory_space<vmem>>) semaphore(%run_scoped3A_134 : memref<!tpu.dma_semaphore, #tpu.memory_space<semaphore_mem>>) {add = true}
      %dma_wait3A_141 = arith.constant 0 : i32
      %dma_wait3A_142 = tpu.memref_slice %arg8[%run_scoped3A_99, %dma_wait3A_141] : memref<64x80xi32, #tpu.memory_space<vmem>> -> memref<1x80xi32, #tpu.memory_space<vmem>>
      %dma_wait3A_143 = tpu.memref_squeeze %dma_wait3A_142 : memref<1x80xi32, #tpu.memory_space<vmem>> -> memref<80xi32, #tpu.memory_space<vmem>>
      %dma_wait3A_144 = arith.constant 0 : i32
      %dma_wait3A_145 = arith.constant 0 : i32
      %dma_wait3A_146 = tpu.memref_slice %arg12[%dma_wait3A_144, %dma_wait3A_145] : memref<10240x128xf32, #tpu.memory_space<vmem_shared>> -> memref<10240x128xf32, #tpu.memory_space<vmem_shared>>
      tpu.wait_indirect_dma semaphore(%run_scoped3A_134 : memref<!tpu.dma_semaphore, #tpu.memory_space<semaphore_mem>>) src(%arg9 : memref<80x128xf32, #tpu.memory_space<vmem>>) dst(%dma_wait3A_146 : memref<10240x128xf32, #tpu.memory_space<vmem_shared>>)
      tpu.yield
    }) : () -> ()
    %dma_start3A_100 = arith.constant 60 : i32
    %dma_start3A_101 = arith.constant 0 : i32
    %dma_start3A_102 = tpu.memref_slice %arg7[%dma_start3A_100, %dma_start3A_101] : memref<64x80xi32, #tpu.memory_space<vmem>> -> memref<1x80xi32, #tpu.memory_space<vmem>>
    %dma_start3A_103 = tpu.memref_squeeze %dma_start3A_102 : memref<1x80xi32, #tpu.memory_space<vmem>> -> memref<80xi32, #tpu.memory_space<vmem>>
    %dma_start3A_104 = arith.constant 0 : i32
    %dma_start3A_105 = arith.constant 0 : i32
    %dma_start3A_106 = tpu.memref_slice %arg2[%dma_start3A_104, %dma_start3A_105] : memref<10000x128xf32, #tpu.memory_space<hbm>> -> memref<10000x128xf32, #tpu.memory_space<hbm>>
    tpu.enqueue_indirect_dma source(%dma_start3A_106 : memref<10000x128xf32, #tpu.memory_space<hbm>>) target(%arg9 : memref<80x128xf32, #tpu.memory_space<vmem>>) offsets(%dma_start3A_103 : memref<80xi32, #tpu.memory_space<vmem>>) semaphore(%arg13 : memref<!tpu.dma_semaphore, #tpu.memory_space<semaphore_mem>>)
    %dma_wait3A_107 = arith.constant 58 : i32
    %dma_wait3A_108 = arith.constant 0 : i32
    %dma_wait3A_109 = tpu.memref_slice %arg7[%dma_wait3A_107, %dma_wait3A_108] : memref<64x80xi32, #tpu.memory_space<vmem>> -> memref<1x80xi32, #tpu.memory_space<vmem>>
    %dma_wait3A_110 = tpu.memref_squeeze %dma_wait3A_109 : memref<1x80xi32, #tpu.memory_space<vmem>> -> memref<80xi32, #tpu.memory_space<vmem>>
    %dma_wait3A_111 = arith.constant 0 : i32
    %dma_wait3A_112 = arith.constant 0 : i32
    %dma_wait3A_113 = tpu.memref_slice %arg2[%dma_wait3A_111, %dma_wait3A_112] : memref<10000x128xf32, #tpu.memory_space<hbm>> -> memref<10000x128xf32, #tpu.memory_space<hbm>>
    tpu.wait_indirect_dma semaphore(%arg14 : memref<!tpu.dma_semaphore, #tpu.memory_space<semaphore_mem>>) src(%dma_wait3A_113 : memref<10000x128xf32, #tpu.memory_space<hbm>>) dst(%arg10 : memref<80x128xf32, #tpu.memory_space<vmem>>)
    %run_scoped3A_114 = arith.constant 58 : i32
    "tpu.region"() ({
      %run_scoped3A_134 = tpu.sem_alloc : memref<!tpu.dma_semaphore, #tpu.memory_space<semaphore_mem>>
      %dma_start3A_135 = arith.constant 0 : i32
      %dma_start3A_136 = tpu.memref_slice %arg8[%run_scoped3A_114, %dma_start3A_135] : memref<64x80xi32, #tpu.memory_space<vmem>> -> memref<1x80xi32, #tpu.memory_space<vmem>>
      %dma_start3A_137 = tpu.memref_squeeze %dma_start3A_136 : memref<1x80xi32, #tpu.memory_space<vmem>> -> memref<80xi32, #tpu.memory_space<vmem>>
      %dma_start3A_138 = arith.constant 0 : i32
      %dma_start3A_139 = arith.constant 0 : i32
      %dma_start3A_140 = tpu.memref_slice %arg12[%dma_start3A_138, %dma_start3A_139] : memref<10240x128xf32, #tpu.memory_space<vmem_shared>> -> memref<10240x128xf32, #tpu.memory_space<vmem_shared>>
      tpu.enqueue_indirect_dma source(%arg10 : memref<80x128xf32, #tpu.memory_space<vmem>>) target(%dma_start3A_140 : memref<10240x128xf32, #tpu.memory_space<vmem_shared>>) offsets(%dma_start3A_137 : memref<80xi32, #tpu.memory_space<vmem>>) semaphore(%run_scoped3A_134 : memref<!tpu.dma_semaphore, #tpu.memory_space<semaphore_mem>>) {add = true}
      %dma_wait3A_141 = arith.constant 0 : i32
      %dma_wait3A_142 = tpu.memref_slice %arg8[%run_scoped3A_114, %dma_wait3A_141] : memref<64x80xi32, #tpu.memory_space<vmem>> -> memref<1x80xi32, #tpu.memory_space<vmem>>
      %dma_wait3A_143 = tpu.memref_squeeze %dma_wait3A_142 : memref<1x80xi32, #tpu.memory_space<vmem>> -> memref<80xi32, #tpu.memory_space<vmem>>
      %dma_wait3A_144 = arith.constant 0 : i32
      %dma_wait3A_145 = arith.constant 0 : i32
      %dma_wait3A_146 = tpu.memref_slice %arg12[%dma_wait3A_144, %dma_wait3A_145] : memref<10240x128xf32, #tpu.memory_space<vmem_shared>> -> memref<10240x128xf32, #tpu.memory_space<vmem_shared>>
      tpu.wait_indirect_dma semaphore(%run_scoped3A_134 : memref<!tpu.dma_semaphore, #tpu.memory_space<semaphore_mem>>) src(%arg10 : memref<80x128xf32, #tpu.memory_space<vmem>>) dst(%dma_wait3A_146 : memref<10240x128xf32, #tpu.memory_space<vmem_shared>>)
      tpu.yield
    }) : () -> ()
    %dma_wait3A_115 = arith.constant 59 : i32
    %dma_wait3A_116 = arith.constant 0 : i32
    %dma_wait3A_117 = tpu.memref_slice %arg7[%dma_wait3A_115, %dma_wait3A_116] : memref<64x80xi32, #tpu.memory_space<vmem>> -> memref<1x80xi32, #tpu.memory_space<vmem>>
    %dma_wait3A_118 = tpu.memref_squeeze %dma_wait3A_117 : memref<1x80xi32, #tpu.memory_space<vmem>> -> memref<80xi32, #tpu.memory_space<vmem>>
    %dma_wait3A_119 = arith.constant 0 : i32
    %dma_wait3A_120 = arith.constant 0 : i32
    %dma_wait3A_121 = tpu.memref_slice %arg2[%dma_wait3A_119, %dma_wait3A_120] : memref<10000x128xf32, #tpu.memory_space<hbm>> -> memref<10000x128xf32, #tpu.memory_space<hbm>>
    tpu.wait_indirect_dma semaphore(%arg15 : memref<!tpu.dma_semaphore, #tpu.memory_space<semaphore_mem>>) src(%dma_wait3A_121 : memref<10000x128xf32, #tpu.memory_space<hbm>>) dst(%arg11 : memref<80x128xf32, #tpu.memory_space<vmem>>)
    %run_scoped3A_122 = arith.constant 59 : i32
    "tpu.region"() ({
      %run_scoped3A_134 = tpu.sem_alloc : memref<!tpu.dma_semaphore, #tpu.memory_space<semaphore_mem>>
      %dma_start3A_135 = arith.constant 0 : i32
      %dma_start3A_136 = tpu.memref_slice %arg8[%run_scoped3A_122, %dma_start3A_135] : memref<64x80xi32, #tpu.memory_space<vmem>> -> memref<1x80xi32, #tpu.memory_space<vmem>>
      %dma_start3A_137 = tpu.memref_squeeze %dma_start3A_136 : memref<1x80xi32, #tpu.memory_space<vmem>> -> memref<80xi32, #tpu.memory_space<vmem>>
      %dma_start3A_138 = arith.constant 0 : i32
      %dma_start3A_139 = arith.constant 0 : i32
      %dma_start3A_140 = tpu.memref_slice %arg12[%dma_start3A_138, %dma_start3A_139] : memref<10240x128xf32, #tpu.memory_space<vmem_shared>> -> memref<10240x128xf32, #tpu.memory_space<vmem_shared>>
      tpu.enqueue_indirect_dma source(%arg11 : memref<80x128xf32, #tpu.memory_space<vmem>>) target(%dma_start3A_140 : memref<10240x128xf32, #tpu.memory_space<vmem_shared>>) offsets(%dma_start3A_137 : memref<80xi32, #tpu.memory_space<vmem>>) semaphore(%run_scoped3A_134 : memref<!tpu.dma_semaphore, #tpu.memory_space<semaphore_mem>>) {add = true}
      %dma_wait3A_141 = arith.constant 0 : i32
      %dma_wait3A_142 = tpu.memref_slice %arg8[%run_scoped3A_122, %dma_wait3A_141] : memref<64x80xi32, #tpu.memory_space<vmem>> -> memref<1x80xi32, #tpu.memory_space<vmem>>
      %dma_wait3A_143 = tpu.memref_squeeze %dma_wait3A_142 : memref<1x80xi32, #tpu.memory_space<vmem>> -> memref<80xi32, #tpu.memory_space<vmem>>
      %dma_wait3A_144 = arith.constant 0 : i32
      %dma_wait3A_145 = arith.constant 0 : i32
      %dma_wait3A_146 = tpu.memref_slice %arg12[%dma_wait3A_144, %dma_wait3A_145] : memref<10240x128xf32, #tpu.memory_space<vmem_shared>> -> memref<10240x128xf32, #tpu.memory_space<vmem_shared>>
      tpu.wait_indirect_dma semaphore(%run_scoped3A_134 : memref<!tpu.dma_semaphore, #tpu.memory_space<semaphore_mem>>) src(%arg11 : memref<80x128xf32, #tpu.memory_space<vmem>>) dst(%dma_wait3A_146 : memref<10240x128xf32, #tpu.memory_space<vmem_shared>>)
      tpu.yield
    }) : () -> ()
    %dma_wait3A_123 = arith.constant 60 : i32
    %dma_wait3A_124 = arith.constant 0 : i32
    %dma_wait3A_125 = tpu.memref_slice %arg7[%dma_wait3A_123, %dma_wait3A_124] : memref<64x80xi32, #tpu.memory_space<vmem>> -> memref<1x80xi32, #tpu.memory_space<vmem>>
    %dma_wait3A_126 = tpu.memref_squeeze %dma_wait3A_125 : memref<1x80xi32, #tpu.memory_space<vmem>> -> memref<80xi32, #tpu.memory_space<vmem>>
    %dma_wait3A_127 = arith.constant 0 : i32
    %dma_wait3A_128 = arith.constant 0 : i32
    %dma_wait3A_129 = tpu.memref_slice %arg2[%dma_wait3A_127, %dma_wait3A_128] : memref<10000x128xf32, #tpu.memory_space<hbm>> -> memref<10000x128xf32, #tpu.memory_space<hbm>>
    tpu.wait_indirect_dma semaphore(%arg13 : memref<!tpu.dma_semaphore, #tpu.memory_space<semaphore_mem>>) src(%dma_wait3A_129 : memref<10000x128xf32, #tpu.memory_space<hbm>>) dst(%arg9 : memref<80x128xf32, #tpu.memory_space<vmem>>)
    %run_scoped3A_130 = arith.constant 60 : i32
    "tpu.region"() ({
      %run_scoped3A_134 = tpu.sem_alloc : memref<!tpu.dma_semaphore, #tpu.memory_space<semaphore_mem>>
      %dma_start3A_135 = arith.constant 0 : i32
      %dma_start3A_136 = tpu.memref_slice %arg8[%run_scoped3A_130, %dma_start3A_135] : memref<64x80xi32, #tpu.memory_space<vmem>> -> memref<1x80xi32, #tpu.memory_space<vmem>>
      %dma_start3A_137 = tpu.memref_squeeze %dma_start3A_136 : memref<1x80xi32, #tpu.memory_space<vmem>> -> memref<80xi32, #tpu.memory_space<vmem>>
      %dma_start3A_138 = arith.constant 0 : i32
      %dma_start3A_139 = arith.constant 0 : i32
      %dma_start3A_140 = tpu.memref_slice %arg12[%dma_start3A_138, %dma_start3A_139] : memref<10240x128xf32, #tpu.memory_space<vmem_shared>> -> memref<10240x128xf32, #tpu.memory_space<vmem_shared>>
      tpu.enqueue_indirect_dma source(%arg9 : memref<80x128xf32, #tpu.memory_space<vmem>>) target(%dma_start3A_140 : memref<10240x128xf32, #tpu.memory_space<vmem_shared>>) offsets(%dma_start3A_137 : memref<80xi32, #tpu.memory_space<vmem>>) semaphore(%run_scoped3A_134 : memref<!tpu.dma_semaphore, #tpu.memory_space<semaphore_mem>>) {add = true}
      %dma_wait3A_141 = arith.constant 0 : i32
      %dma_wait3A_142 = tpu.memref_slice %arg8[%run_scoped3A_130, %dma_wait3A_141] : memref<64x80xi32, #tpu.memory_space<vmem>> -> memref<1x80xi32, #tpu.memory_space<vmem>>
      %dma_wait3A_143 = tpu.memref_squeeze %dma_wait3A_142 : memref<1x80xi32, #tpu.memory_space<vmem>> -> memref<80xi32, #tpu.memory_space<vmem>>
      %dma_wait3A_144 = arith.constant 0 : i32
      %dma_wait3A_145 = arith.constant 0 : i32
      %dma_wait3A_146 = tpu.memref_slice %arg12[%dma_wait3A_144, %dma_wait3A_145] : memref<10240x128xf32, #tpu.memory_space<vmem_shared>> -> memref<10240x128xf32, #tpu.memory_space<vmem_shared>>
      tpu.wait_indirect_dma semaphore(%run_scoped3A_134 : memref<!tpu.dma_semaphore, #tpu.memory_space<semaphore_mem>>) src(%arg9 : memref<80x128xf32, #tpu.memory_space<vmem>>) dst(%dma_wait3A_146 : memref<10240x128xf32, #tpu.memory_space<vmem_shared>>)
      tpu.yield
    }) : () -> ()
    %barrier3A_131 = arith.constant 0 : index
    tpu.barrier barrier_id(%barrier3A_131)
    %mul3A_132 = arith.constant 640 : i32
    %mul3A_133 = arith.muli %arg1, %mul3A_132 : i32
    "tpu.region"() ({
      %run_scoped3A_134 = tpu.sem_alloc : memref<!tpu.dma_semaphore, #tpu.memory_space<semaphore_mem>>
      %dma_start3A_135 = arith.constant 0 : i32
      %dma_start3A_136 = tpu.memref_slice %arg6[%arg0, %mul3A_133, %dma_start3A_135] : memref<2x10240x128xf32, #tpu.memory_space<hbm>> -> memref<1x640x128xf32, #tpu.memory_space<hbm>>
      %dma_start3A_137 = tpu.memref_squeeze %dma_start3A_136 : memref<1x640x128xf32, #tpu.memory_space<hbm>> -> memref<640x128xf32, #tpu.memory_space<hbm>>
      %dma_start3A_138 = arith.constant 0 : i32
      %dma_start3A_139 = tpu.memref_slice %arg12[%mul3A_133, %dma_start3A_138] : memref<10240x128xf32, #tpu.memory_space<vmem_shared>> -> memref<640x128xf32, #tpu.memory_space<vmem_shared>>
      tpu.enqueue_dma source(%dma_start3A_139 : memref<640x128xf32, #tpu.memory_space<vmem_shared>>) target(%dma_start3A_137 : memref<640x128xf32, #tpu.memory_space<hbm>>) target_semaphore(%run_scoped3A_134 : memref<!tpu.dma_semaphore, #tpu.memory_space<semaphore_mem>>)
      %dma_wait3A_140 = arith.constant 0 : i32
      %dma_wait3A_141 = tpu.memref_slice %arg6[%arg0, %mul3A_133, %dma_wait3A_140] : memref<2x10240x128xf32, #tpu.memory_space<hbm>> -> memref<1x640x128xf32, #tpu.memory_space<hbm>>
      %dma_wait3A_142 = tpu.memref_squeeze %dma_wait3A_141 : memref<1x640x128xf32, #tpu.memory_space<hbm>> -> memref<640x128xf32, #tpu.memory_space<hbm>>
      %dma_wait3A_143 = arith.constant 0 : i32
      %dma_wait3A_144 = tpu.memref_slice %arg12[%mul3A_133, %dma_wait3A_143] : memref<10240x128xf32, #tpu.memory_space<vmem_shared>> -> memref<640x128xf32, #tpu.memory_space<vmem_shared>>
      tpu.wait_dma2 semaphore(%run_scoped3A_134 : memref<!tpu.dma_semaphore, #tpu.memory_space<semaphore_mem>>) src(%dma_wait3A_144 : memref<640x128xf32, #tpu.memory_space<vmem_shared>>) dst(%dma_wait3A_142 : memref<640x128xf32, #tpu.memory_space<hbm>>)
      tpu.yield
    }) : () -> ()
    return
  }
}

module attributes {stable_mosaic.version = 14 : i64} {
  func.func @_tc_a_body(%arg0: i32, %arg1: memref<1000x128xf32, #tpu.memory_space<vmem>>, %arg2: memref<128xf32, #tpu.memory_space<vmem>>, %arg3: memref<128xf32, #tpu.memory_space<vmem>>, %arg4: memref<128x128xf32, #tpu.memory_space<vmem>>, %arg5: memref<128xf32, #tpu.memory_space<vmem>>, %arg6: memref<128x128xf32, #tpu.memory_space<vmem>>, %arg7: memref<1000x128xf32, #tpu.memory_space<vmem>>, %arg8: memref<1000x128xf32, #tpu.memory_space<vmem>>) attributes {dimension_semantics = [#tpu.dimension_semantics<arbitrary>], iteration_bounds = array<i64: 10>, scalar_prefetch = 0 : i64, scratch_operands = 0 : i64, tpu.core_type = #tpu.core_type<tc>, window_params = [{transform_indices = @transform_0, window_bounds = array<i64: 1000, 128>}, {pipeline_mode = #tpu.pipeline_mode<synchronous>, transform_indices = @transform_1, window_bounds = array<i64: 128>}, {pipeline_mode = #tpu.pipeline_mode<synchronous>, transform_indices = @transform_2, window_bounds = array<i64: 128>}, {pipeline_mode = #tpu.pipeline_mode<synchronous>, transform_indices = @transform_3, window_bounds = array<i64: 128, 128>}, {pipeline_mode = #tpu.pipeline_mode<synchronous>, transform_indices = @transform_4, window_bounds = array<i64: 128>}, {pipeline_mode = #tpu.pipeline_mode<synchronous>, transform_indices = @transform_5, window_bounds = array<i64: 128, 128>}, {transform_indices = @transform_6, window_bounds = array<i64: 1000, 128>}, {transform_indices = @transform_7, window_bounds = array<i64: 1000, 128>}]} {
    %get3A = arith.constant 0 : index
    %get3A_0 = arith.constant 0 : index
    %get3A_1 = vector.load %arg1[%get3A, %get3A_0] : memref<1000x128xf32, #tpu.memory_space<vmem>>, vector<1000x128xf32>
    %get3A_2 = arith.constant 0 : index
    %get3A_3 = vector.load %arg2[%get3A_2] : memref<128xf32, #tpu.memory_space<vmem>>, vector<128xf32>
    %get3A_4 = arith.constant 0 : index
    %get3A_5 = vector.load %arg3[%get3A_4] : memref<128xf32, #tpu.memory_space<vmem>>, vector<128xf32>
    %reduce_sum3A = arith.constant dense<0.000000e+00> : vector<1000xf32>
    %reduce_sum3A_6 = vector.multi_reduction <add>, %get3A_1, %reduce_sum3A [1] : vector<1000x128xf32> to vector<1000xf32>
    %broadcast_in_dim3A = vector.shape_cast %reduce_sum3A_6 : vector<1000xf32> to vector<1000x1xf32>
    %div3A = arith.constant 1.280000e+02 : f32
    %div3A_7 = vector.broadcast %div3A : f32 to vector<1000x1xf32>
    %div3A_8 = arith.divf %broadcast_in_dim3A, %div3A_7 : vector<1000x1xf32>
    %sub3A = vector.broadcast %div3A_8 : vector<1000x1xf32> to vector<1000x128xf32>
    %sub3A_9 = arith.subf %get3A_1, %sub3A : vector<1000x128xf32>
    %integer_pow3A = arith.mulf %sub3A_9, %sub3A_9 : vector<1000x128xf32>
    %reduce_sum3A_10 = arith.constant dense<0.000000e+00> : vector<1000xf32>
    %reduce_sum3A_11 = vector.multi_reduction <add>, %integer_pow3A, %reduce_sum3A_10 [1] : vector<1000x128xf32> to vector<1000xf32>
    %broadcast_in_dim3A_12 = vector.shape_cast %reduce_sum3A_11 : vector<1000xf32> to vector<1000x1xf32>
    %div3A_13 = arith.constant 1.280000e+02 : f32
    %div3A_14 = vector.broadcast %div3A_13 : f32 to vector<1000x1xf32>
    %div3A_15 = arith.divf %broadcast_in_dim3A_12, %div3A_14 : vector<1000x1xf32>
    %sub3A_16 = vector.broadcast %div3A_8 : vector<1000x1xf32> to vector<1000x128xf32>
    %sub3A_17 = arith.subf %get3A_1, %sub3A_16 : vector<1000x128xf32>
    %add3A = arith.constant 9.99999974E-6 : f32
    %add3A_18 = vector.broadcast %add3A : f32 to vector<1000x1xf32>
    %add3A_19 = arith.addf %div3A_15, %add3A_18 : vector<1000x1xf32>
    %sqrt3A = math.sqrt %add3A_19 : vector<1000x1xf32>
    %div3A_20 = vector.broadcast %sqrt3A : vector<1000x1xf32> to vector<1000x128xf32>
    %div3A_21 = arith.divf %sub3A_17, %div3A_20 : vector<1000x128xf32>
    %broadcast_in_dim3A_22 = vector.shape_cast %get3A_3 : vector<128xf32> to vector<1x128xf32>
    %mul3A = vector.broadcast %broadcast_in_dim3A_22 : vector<1x128xf32> to vector<1000x128xf32>
    %mul3A_23 = arith.mulf %div3A_21, %mul3A : vector<1000x128xf32>
    %broadcast_in_dim3A_24 = vector.shape_cast %get3A_5 : vector<128xf32> to vector<1x128xf32>
    %add3A_25 = vector.broadcast %broadcast_in_dim3A_24 : vector<1x128xf32> to vector<1000x128xf32>
    %add3A_26 = arith.addf %mul3A_23, %add3A_25 : vector<1000x128xf32>
    %get3A_27 = arith.constant 0 : index
    %get3A_28 = arith.constant 0 : index
    %get3A_29 = vector.load %arg4[%get3A_27, %get3A_28] : memref<128x128xf32, #tpu.memory_space<vmem>>, vector<128x128xf32>
    %dot_general3A = arith.constant dense<0.000000e+00> : vector<1000x128xf32>
    %dot_general3A_30 = tpu.matmul %add3A_26, %get3A_29, %dot_general3A {dimension_numbers = #tpu.dot_dimension_numbers<[1], [0], [0], [1], [0, 0, 1, 1], [], []>, transpose_lhs_hint = false} : vector<1000x128xf32>, vector<128x128xf32>, vector<1000x128xf32> -> vector<1000x128xf32>
    %get3A_31 = arith.constant 0 : index
    %get3A_32 = vector.load %arg5[%get3A_31] : memref<128xf32, #tpu.memory_space<vmem>>, vector<128xf32>
    %broadcast_in_dim3A_33 = vector.shape_cast %get3A_32 : vector<128xf32> to vector<1x128xf32>
    %add3A_34 = vector.broadcast %broadcast_in_dim3A_33 : vector<1x128xf32> to vector<1000x128xf32>
    %add3A_35 = arith.addf %dot_general3A_30, %add3A_34 : vector<1000x128xf32>
    %swap3A = arith.constant 0 : index
    %swap3A_36 = arith.constant 0 : index
    %swap3A_37 = vector.load %arg7[%swap3A, %swap3A_36] : memref<1000x128xf32, #tpu.memory_space<vmem>>, vector<1000x128xf32>
    tpu.vector_store %arg7[%swap3A, %swap3A_36], %add3A_35 {strides = array<i32>} : memref<1000x128xf32, #tpu.memory_space<vmem>>, vector<1000x128xf32>,
    %get3A_38 = arith.constant 0 : index
    %get3A_39 = arith.constant 0 : index
    %get3A_40 = vector.load %arg6[%get3A_38, %get3A_39] : memref<128x128xf32, #tpu.memory_space<vmem>>, vector<128x128xf32>
    %dot_general3A_41 = arith.constant dense<0.000000e+00> : vector<1000x128xf32>
    %dot_general3A_42 = tpu.matmul %add3A_26, %get3A_40, %dot_general3A_41 {dimension_numbers = #tpu.dot_dimension_numbers<[1], [0], [0], [1], [0, 0, 1, 1], [], []>, transpose_lhs_hint = false} : vector<1000x128xf32>, vector<128x128xf32>, vector<1000x128xf32> -> vector<1000x128xf32>
    %swap3A_43 = arith.constant 0 : index
    %swap3A_44 = arith.constant 0 : index
    %swap3A_45 = vector.load %arg8[%swap3A_43, %swap3A_44] : memref<1000x128xf32, #tpu.memory_space<vmem>>, vector<1000x128xf32>
    tpu.vector_store %arg8[%swap3A_43, %swap3A_44], %dot_general3A_42 {strides = array<i32>} : memref<1000x128xf32, #tpu.memory_space<vmem>>, vector<1000x128xf32>,
    return
  }
  func.func @transform_0(%arg0: i32) -> (i32, i32) {
    %c0_i32 = arith.constant 0 : i32
    %c0_i32_0 = arith.constant 0 : i32
    return %arg0, %c0_i32 : i32, i32
  }
  func.func @transform_1(%arg0: i32) -> i32 {
    %c0_i32 = arith.constant 0 : i32
    %c0_i32_0 = arith.constant 0 : i32
    return %c0_i32 : i32
  }
  func.func @transform_2(%arg0: i32) -> i32 {
    %c0_i32 = arith.constant 0 : i32
    %c0_i32_0 = arith.constant 0 : i32
    return %c0_i32 : i32
  }
  func.func @transform_3(%arg0: i32) -> (i32, i32) {
    %c0_i32 = arith.constant 0 : i32
    %c0_i32_0 = arith.constant 0 : i32
    %c0_i32_1 = arith.constant 0 : i32
    return %c0_i32, %c0_i32_0 : i32, i32
  }
  func.func @transform_4(%arg0: i32) -> i32 {
    %c0_i32 = arith.constant 0 : i32
    %c0_i32_0 = arith.constant 0 : i32
    return %c0_i32 : i32
  }
  func.func @transform_5(%arg0: i32) -> (i32, i32) {
    %c0_i32 = arith.constant 0 : i32
    %c0_i32_0 = arith.constant 0 : i32
    %c0_i32_1 = arith.constant 0 : i32
    return %c0_i32, %c0_i32_0 : i32, i32
  }
  func.func @transform_6(%arg0: i32) -> (i32, i32) {
    %c0_i32 = arith.constant 0 : i32
    %c0_i32_0 = arith.constant 0 : i32
    return %arg0, %c0_i32 : i32, i32
  }
  func.func @transform_7(%arg0: i32) -> (i32, i32) {
    %c0_i32 = arith.constant 0 : i32
    %c0_i32_0 = arith.constant 0 : i32
    return %arg0, %c0_i32 : i32, i32
  }
}

module attributes {stable_mosaic.version = 14 : i64} {
  func.func @_tc_b_body(%arg0: i32, %arg1: memref<1x1000x128xf32, #tpu.memory_space<vmem>>, %arg2: memref<1x1000x128xf32, #tpu.memory_space<vmem>>, %arg3: memref<1000x128xf32, #tpu.memory_space<vmem>>, %arg4: memref<128xf32, #tpu.memory_space<vmem>>, %arg5: memref<128xf32, #tpu.memory_space<vmem>>, %arg6: memref<128x128xf32, #tpu.memory_space<vmem>>, %arg7: memref<128xf32, #tpu.memory_space<vmem>>, %arg8: memref<128x128xf32, #tpu.memory_space<vmem>>, %arg9: memref<1000x128xf32, #tpu.memory_space<vmem>>, %arg10: memref<1000x128xf32, #tpu.memory_space<vmem>>) attributes {dimension_semantics = [#tpu.dimension_semantics<arbitrary>], iteration_bounds = array<i64: 10>, scalar_prefetch = 0 : i64, scratch_operands = 0 : i64, tpu.core_type = #tpu.core_type<tc>, window_params = [{transform_indices = @transform_0, window_bounds = array<i64: 1, 1000, 128>}, {transform_indices = @transform_1, window_bounds = array<i64: 1, 1000, 128>}, {transform_indices = @transform_2, window_bounds = array<i64: 1000, 128>}, {pipeline_mode = #tpu.pipeline_mode<synchronous>, transform_indices = @transform_3, window_bounds = array<i64: 128>}, {pipeline_mode = #tpu.pipeline_mode<synchronous>, transform_indices = @transform_4, window_bounds = array<i64: 128>}, {pipeline_mode = #tpu.pipeline_mode<synchronous>, transform_indices = @transform_5, window_bounds = array<i64: 128, 128>}, {pipeline_mode = #tpu.pipeline_mode<synchronous>, transform_indices = @transform_6, window_bounds = array<i64: 128>}, {pipeline_mode = #tpu.pipeline_mode<synchronous>, transform_indices = @transform_7, window_bounds = array<i64: 128, 128>}, {transform_indices = @transform_8, window_bounds = array<i64: 1000, 128>}, {transform_indices = @transform_9, window_bounds = array<i64: 1000, 128>}]} {
    %get3A = arith.constant 0 : index
    %get3A_0 = arith.constant 0 : index
    %get3A_1 = arith.constant 0 : index
    %get3A_2 = vector.load %arg1[%get3A, %get3A_0, %get3A_1] : memref<1x1000x128xf32, #tpu.memory_space<vmem>>, vector<1x1000x128xf32>
    %get3A_3 = vector.shape_cast %get3A_2 : vector<1x1000x128xf32> to vector<1000x128xf32>
    %get3A_4 = arith.constant 0 : index
    %get3A_5 = arith.constant 0 : index
    %get3A_6 = arith.constant 0 : index
    %get3A_7 = vector.load %arg2[%get3A_4, %get3A_5, %get3A_6] : memref<1x1000x128xf32, #tpu.memory_space<vmem>>, vector<1x1000x128xf32>
    %get3A_8 = vector.shape_cast %get3A_7 : vector<1x1000x128xf32> to vector<1000x128xf32>
    %add3A = arith.addf %get3A_3, %get3A_8 : vector<1000x128xf32>
    %get3A_9 = arith.constant 0 : index
    %get3A_10 = arith.constant 0 : index
    %get3A_11 = vector.load %arg3[%get3A_9, %get3A_10] : memref<1000x128xf32, #tpu.memory_space<vmem>>, vector<1000x128xf32>
    %add3A_12 = arith.addf %add3A, %get3A_11 : vector<1000x128xf32>
    %mul3A = arith.mulf %add3A_12, %add3A_12 : vector<1000x128xf32>
    %reduce_sum3A = arith.constant dense<0.000000e+00> : vector<1000xf32>
    %reduce_sum3A_13 = vector.multi_reduction <add>, %mul3A, %reduce_sum3A [1] : vector<1000x128xf32> to vector<1000xf32>
    %broadcast_in_dim3A = vector.shape_cast %reduce_sum3A_13 : vector<1000xf32> to vector<1000x1xf32>
    %sqrt3A = math.sqrt %broadcast_in_dim3A : vector<1000x1xf32>
    %max3A = arith.constant 9.99999996E-13 : f32
    %max3A_14 = vector.broadcast %max3A : f32 to vector<1000x1xf32>
    %max3A_15 = arith.maximumf %sqrt3A, %max3A_14 : vector<1000x1xf32>
    %div3A = vector.broadcast %max3A_15 : vector<1000x1xf32> to vector<1000x128xf32>
    %div3A_16 = arith.divf %add3A_12, %div3A : vector<1000x128xf32>
    %get3A_17 = arith.constant 0 : index
    %get3A_18 = vector.load %arg4[%get3A_17] : memref<128xf32, #tpu.memory_space<vmem>>, vector<128xf32>
    %get3A_19 = arith.constant 0 : index
    %get3A_20 = vector.load %arg5[%get3A_19] : memref<128xf32, #tpu.memory_space<vmem>>, vector<128xf32>
    %reduce_sum3A_21 = arith.constant dense<0.000000e+00> : vector<1000xf32>
    %reduce_sum3A_22 = vector.multi_reduction <add>, %div3A_16, %reduce_sum3A_21 [1] : vector<1000x128xf32> to vector<1000xf32>
    %broadcast_in_dim3A_23 = vector.shape_cast %reduce_sum3A_22 : vector<1000xf32> to vector<1000x1xf32>
    %div3A_24 = arith.constant 1.280000e+02 : f32
    %div3A_25 = vector.broadcast %div3A_24 : f32 to vector<1000x1xf32>
    %div3A_26 = arith.divf %broadcast_in_dim3A_23, %div3A_25 : vector<1000x1xf32>
    %sub3A = vector.broadcast %div3A_26 : vector<1000x1xf32> to vector<1000x128xf32>
    %sub3A_27 = arith.subf %div3A_16, %sub3A : vector<1000x128xf32>
    %integer_pow3A = arith.mulf %sub3A_27, %sub3A_27 : vector<1000x128xf32>
    %reduce_sum3A_28 = arith.constant dense<0.000000e+00> : vector<1000xf32>
    %reduce_sum3A_29 = vector.multi_reduction <add>, %integer_pow3A, %reduce_sum3A_28 [1] : vector<1000x128xf32> to vector<1000xf32>
    %broadcast_in_dim3A_30 = vector.shape_cast %reduce_sum3A_29 : vector<1000xf32> to vector<1000x1xf32>
    %div3A_31 = arith.constant 1.280000e+02 : f32
    %div3A_32 = vector.broadcast %div3A_31 : f32 to vector<1000x1xf32>
    %div3A_33 = arith.divf %broadcast_in_dim3A_30, %div3A_32 : vector<1000x1xf32>
    %sub3A_34 = vector.broadcast %div3A_26 : vector<1000x1xf32> to vector<1000x128xf32>
    %sub3A_35 = arith.subf %div3A_16, %sub3A_34 : vector<1000x128xf32>
    %add3A_36 = arith.constant 9.99999974E-6 : f32
    %add3A_37 = vector.broadcast %add3A_36 : f32 to vector<1000x1xf32>
    %add3A_38 = arith.addf %div3A_33, %add3A_37 : vector<1000x1xf32>
    %sqrt3A_39 = math.sqrt %add3A_38 : vector<1000x1xf32>
    %div3A_40 = vector.broadcast %sqrt3A_39 : vector<1000x1xf32> to vector<1000x128xf32>
    %div3A_41 = arith.divf %sub3A_35, %div3A_40 : vector<1000x128xf32>
    %broadcast_in_dim3A_42 = vector.shape_cast %get3A_18 : vector<128xf32> to vector<1x128xf32>
    %mul3A_43 = vector.broadcast %broadcast_in_dim3A_42 : vector<1x128xf32> to vector<1000x128xf32>
    %mul3A_44 = arith.mulf %div3A_41, %mul3A_43 : vector<1000x128xf32>
    %broadcast_in_dim3A_45 = vector.shape_cast %get3A_20 : vector<128xf32> to vector<1x128xf32>
    %add3A_46 = vector.broadcast %broadcast_in_dim3A_45 : vector<1x128xf32> to vector<1000x128xf32>
    %add3A_47 = arith.addf %mul3A_44, %add3A_46 : vector<1000x128xf32>
    %max3A_48 = arith.constant 0.000000e+00 : f32
    %max3A_49 = vector.broadcast %max3A_48 : f32 to vector<1000x128xf32>
    %max3A_50 = arith.maximumf %add3A_47, %max3A_49 : vector<1000x128xf32>
    %get3A_51 = arith.constant 0 : index
    %get3A_52 = arith.constant 0 : index
    %get3A_53 = vector.load %arg6[%get3A_51, %get3A_52] : memref<128x128xf32, #tpu.memory_space<vmem>>, vector<128x128xf32>
    %dot_general3A = arith.constant dense<0.000000e+00> : vector<1000x128xf32>
    %dot_general3A_54 = tpu.matmul %max3A_50, %get3A_53, %dot_general3A {dimension_numbers = #tpu.dot_dimension_numbers<[1], [0], [0], [1], [0, 0, 1, 1], [], []>, transpose_lhs_hint = false} : vector<1000x128xf32>, vector<128x128xf32>, vector<1000x128xf32> -> vector<1000x128xf32>
    %get3A_55 = arith.constant 0 : index
    %get3A_56 = vector.load %arg7[%get3A_55] : memref<128xf32, #tpu.memory_space<vmem>>, vector<128xf32>
    %broadcast_in_dim3A_57 = vector.shape_cast %get3A_56 : vector<128xf32> to vector<1x128xf32>
    %add3A_58 = vector.broadcast %broadcast_in_dim3A_57 : vector<1x128xf32> to vector<1000x128xf32>
    %add3A_59 = arith.addf %dot_general3A_54, %add3A_58 : vector<1000x128xf32>
    %swap3A = arith.constant 0 : index
    %swap3A_60 = arith.constant 0 : index
    %swap3A_61 = vector.load %arg9[%swap3A, %swap3A_60] : memref<1000x128xf32, #tpu.memory_space<vmem>>, vector<1000x128xf32>
    tpu.vector_store %arg9[%swap3A, %swap3A_60], %add3A_59 {strides = array<i32>} : memref<1000x128xf32, #tpu.memory_space<vmem>>, vector<1000x128xf32>,
    %get3A_62 = arith.constant 0 : index
    %get3A_63 = arith.constant 0 : index
    %get3A_64 = vector.load %arg8[%get3A_62, %get3A_63] : memref<128x128xf32, #tpu.memory_space<vmem>>, vector<128x128xf32>
    %dot_general3A_65 = arith.constant dense<0.000000e+00> : vector<1000x128xf32>
    %dot_general3A_66 = tpu.matmul %max3A_50, %get3A_64, %dot_general3A_65 {dimension_numbers = #tpu.dot_dimension_numbers<[1], [0], [0], [1], [0, 0, 1, 1], [], []>, transpose_lhs_hint = false} : vector<1000x128xf32>, vector<128x128xf32>, vector<1000x128xf32> -> vector<1000x128xf32>
    %swap3A_67 = arith.constant 0 : index
    %swap3A_68 = arith.constant 0 : index
    %swap3A_69 = vector.load %arg10[%swap3A_67, %swap3A_68] : memref<1000x128xf32, #tpu.memory_space<vmem>>, vector<1000x128xf32>
    tpu.vector_store %arg10[%swap3A_67, %swap3A_68], %dot_general3A_66 {strides = array<i32>} : memref<1000x128xf32, #tpu.memory_space<vmem>>, vector<1000x128xf32>,
    return
  }
  func.func @transform_0(%arg0: i32) -> (i32, i32, i32) {
    %c0_i32 = arith.constant 0 : i32
    %c0_i32_0 = arith.constant 0 : i32
    %c0_i32_1 = arith.constant 0 : i32
    return %c0_i32, %arg0, %c0_i32_0 : i32, i32, i32
  }
  func.func @transform_1(%arg0: i32) -> (i32, i32, i32) {
    %c1_i32 = arith.constant 1 : i32
    %c0_i32 = arith.constant 0 : i32
    %c0_i32_0 = arith.constant 0 : i32
    return %c1_i32, %arg0, %c0_i32 : i32, i32, i32
  }
  func.func @transform_2(%arg0: i32) -> (i32, i32) {
    %c0_i32 = arith.constant 0 : i32
    %c0_i32_0 = arith.constant 0 : i32
    return %arg0, %c0_i32 : i32, i32
  }
  func.func @transform_3(%arg0: i32) -> i32 {
    %c0_i32 = arith.constant 0 : i32
    %c0_i32_0 = arith.constant 0 : i32
    return %c0_i32 : i32
  }
  func.func @transform_4(%arg0: i32) -> i32 {
    %c0_i32 = arith.constant 0 : i32
    %c0_i32_0 = arith.constant 0 : i32
    return %c0_i32 : i32
  }
  func.func @transform_5(%arg0: i32) -> (i32, i32) {
    %c0_i32 = arith.constant 0 : i32
    %c0_i32_0 = arith.constant 0 : i32
    %c0_i32_1 = arith.constant 0 : i32
    return %c0_i32, %c0_i32_0 : i32, i32
  }
  func.func @transform_6(%arg0: i32) -> i32 {
    %c0_i32 = arith.constant 0 : i32
    %c0_i32_0 = arith.constant 0 : i32
    return %c0_i32 : i32
  }
  func.func @transform_7(%arg0: i32) -> (i32, i32) {
    %c0_i32 = arith.constant 0 : i32
    %c0_i32_0 = arith.constant 0 : i32
    %c0_i32_1 = arith.constant 0 : i32
    return %c0_i32, %c0_i32_0 : i32, i32
  }
  func.func @transform_8(%arg0: i32) -> (i32, i32) {
    %c0_i32 = arith.constant 0 : i32
    %c0_i32_0 = arith.constant 0 : i32
    return %arg0, %c0_i32 : i32, i32
  }
  func.func @transform_9(%arg0: i32) -> (i32, i32) {
    %c0_i32 = arith.constant 0 : i32
    %c0_i32_0 = arith.constant 0 : i32
    return %arg0, %c0_i32 : i32, i32
  }
}

module attributes {stable_mosaic.version = 14 : i64} {
  func.func @_tc_c_body(%arg0: i32, %arg1: memref<1x1000x128xf32, #tpu.memory_space<vmem>>, %arg2: memref<1x1000x128xf32, #tpu.memory_space<vmem>>, %arg3: memref<1000x128xf32, #tpu.memory_space<vmem>>, %arg4: memref<1000x40xf32, #tpu.memory_space<vmem>>) attributes {dimension_semantics = [#tpu.dimension_semantics<arbitrary>], iteration_bounds = array<i64: 10>, scalar_prefetch = 0 : i64, scratch_operands = 0 : i64, tpu.core_type = #tpu.core_type<tc>, window_params = [{transform_indices = @transform_0, window_bounds = array<i64: 1, 1000, 128>}, {transform_indices = @transform_1, window_bounds = array<i64: 1, 1000, 128>}, {transform_indices = @transform_2, window_bounds = array<i64: 1000, 128>}, {transform_indices = @transform_3, window_bounds = array<i64: 1000, 40>}]} {
    %get3A = arith.constant 0 : index
    %get3A_0 = arith.constant 0 : index
    %get3A_1 = arith.constant 0 : index
    %get3A_2 = vector.load %arg1[%get3A, %get3A_0, %get3A_1] : memref<1x1000x128xf32, #tpu.memory_space<vmem>>, vector<1x1000x128xf32>
    %get3A_3 = vector.shape_cast %get3A_2 : vector<1x1000x128xf32> to vector<1000x128xf32>
    %get3A_4 = arith.constant 0 : index
    %get3A_5 = arith.constant 0 : index
    %get3A_6 = arith.constant 0 : index
    %get3A_7 = vector.load %arg2[%get3A_4, %get3A_5, %get3A_6] : memref<1x1000x128xf32, #tpu.memory_space<vmem>>, vector<1x1000x128xf32>
    %get3A_8 = vector.shape_cast %get3A_7 : vector<1x1000x128xf32> to vector<1000x128xf32>
    %add3A = arith.addf %get3A_3, %get3A_8 : vector<1000x128xf32>
    %get3A_9 = arith.constant 0 : index
    %get3A_10 = arith.constant 0 : index
    %get3A_11 = vector.load %arg3[%get3A_9, %get3A_10] : memref<1000x128xf32, #tpu.memory_space<vmem>>, vector<1000x128xf32>
    %add3A_12 = arith.addf %add3A, %get3A_11 : vector<1000x128xf32>
    %slice3A = vector.extract_strided_slice %add3A_12 {offsets = [0, 0], sizes = [1000, 40], strides = [1, 1]} : vector<1000x128xf32> to vector<1000x40xf32>
    %mul3A = arith.mulf %slice3A, %slice3A : vector<1000x40xf32>
    %reduce_sum3A = arith.constant dense<0.000000e+00> : vector<1000xf32>
    %reduce_sum3A_13 = vector.multi_reduction <add>, %mul3A, %reduce_sum3A [1] : vector<1000x40xf32> to vector<1000xf32>
    %broadcast_in_dim3A = vector.shape_cast %reduce_sum3A_13 : vector<1000xf32> to vector<1000x1xf32>
    %sqrt3A = math.sqrt %broadcast_in_dim3A : vector<1000x1xf32>
    %max3A = arith.constant 9.99999996E-13 : f32
    %max3A_14 = vector.broadcast %max3A : f32 to vector<1000x1xf32>
    %max3A_15 = arith.maximumf %sqrt3A, %max3A_14 : vector<1000x1xf32>
    %div3A = vector.broadcast %max3A_15 : vector<1000x1xf32> to vector<1000x40xf32>
    %div3A_16 = arith.divf %slice3A, %div3A : vector<1000x40xf32>
    %reduce_max3A = arith.constant dense<0xFF800000> : vector<1000xf32>
    %reduce_max3A_17 = vector.multi_reduction <maximumf>, %div3A_16, %reduce_max3A [1] : vector<1000x40xf32> to vector<1000xf32>
    %broadcast_in_dim3A_18 = vector.shape_cast %reduce_max3A_17 : vector<1000xf32> to vector<1000x1xf32>
    %sub3A = vector.broadcast %broadcast_in_dim3A_18 : vector<1000x1xf32> to vector<1000x40xf32>
    %sub3A_19 = arith.subf %div3A_16, %sub3A : vector<1000x40xf32>
    %exp3A = math.exp %sub3A_19 : vector<1000x40xf32>
    %reduce_sum3A_20 = arith.constant dense<0.000000e+00> : vector<1000xf32>
    %reduce_sum3A_21 = vector.multi_reduction <add>, %exp3A, %reduce_sum3A_20 [1] : vector<1000x40xf32> to vector<1000xf32>
    %broadcast_in_dim3A_22 = vector.shape_cast %reduce_sum3A_21 : vector<1000xf32> to vector<1000x1xf32>
    %log3A = math.log %broadcast_in_dim3A_22 : vector<1000x1xf32>
    %sub3A_23 = vector.broadcast %broadcast_in_dim3A_18 : vector<1000x1xf32> to vector<1000x40xf32>
    %sub3A_24 = arith.subf %div3A_16, %sub3A_23 : vector<1000x40xf32>
    %sub3A_25 = vector.broadcast %log3A : vector<1000x1xf32> to vector<1000x40xf32>
    %sub3A_26 = arith.subf %sub3A_24, %sub3A_25 : vector<1000x40xf32>
    %swap3A = arith.constant 0 : index
    %swap3A_27 = arith.constant 0 : index
    %swap3A_28 = vector.load %arg4[%swap3A, %swap3A_27] : memref<1000x40xf32, #tpu.memory_space<vmem>>, vector<1000x40xf32>
    tpu.vector_store %arg4[%swap3A, %swap3A_27], %sub3A_26 {strides = array<i32>} : memref<1000x40xf32, #tpu.memory_space<vmem>>, vector<1000x40xf32>,
    return
  }
  func.func @transform_0(%arg0: i32) -> (i32, i32, i32) {
    %c0_i32 = arith.constant 0 : i32
    %c0_i32_0 = arith.constant 0 : i32
    %c0_i32_1 = arith.constant 0 : i32
    return %c0_i32, %arg0, %c0_i32_0 : i32, i32, i32
  }
  func.func @transform_1(%arg0: i32) -> (i32, i32, i32) {
    %c1_i32 = arith.constant 1 : i32
    %c0_i32 = arith.constant 0 : i32
    %c0_i32_0 = arith.constant 0 : i32
    return %c1_i32, %arg0, %c0_i32 : i32, i32, i32
  }
  func.func @transform_2(%arg0: i32) -> (i32, i32) {
    %c0_i32 = arith.constant 0 : i32
    %c0_i32_0 = arith.constant 0 : i32
    return %arg0, %c0_i32 : i32, i32
  }
  func.func @transform_3(%arg0: i32) -> (i32, i32) {
    %c0_i32 = arith.constant 0 : i32
    %c0_i32_0 = arith.constant 0 : i32
    return %arg0, %c0_i32 : i32, i32
  }
}

</mosaic_0001>

<sc_bundles>
// kernel: kernel.10.cloned.1.call-start
scs
__scs_entry_jumppad:
0x0: {  	(pc) =	sbr.rel $0x88, $3  }
0x1: {  	(tag) =	ssettag $0x0;
	lr =	simm.s32 $0x1  }
0x2: {  	[smem:$0x3F95] =	sst lr;
	_ =	strace $0xD0000000  }
0x3: {  	_ = 	snop  }
0x4: {  	_ = 	snop  }
0x5: {  	_ = 	snop  }
0x6: {  	_ = 	snop  }
0x7: {  	_ = 	snop  }
__scs_overlays_trampoline_lowered:
0x8: {  	[smem:$0x3FA4] =	sst s0  }
0x9: {  	[smem:$0x3FA5] =	sst s1  }
0xa: {  	[smem:$0x3FA6] =	sst s2  }
0xb: {  	[smem:$0x3FA7] =	sst s3  }
0xc: {  	[smem:$0x3FA8] =	sst s4  }
0xd: {  	[smem:$0x3FA9] =	sst s5  }
0xe: {  	[smem:$0x3FAA] =	sst s6  }
0xf: {  	[smem:$0x3FAB] =	sst s7  }
0x10: {  	[smem:$0x3FAC] =	sst s8  }
0x11: {  	[smem:$0x3FAD] =	sst s9;
	s0 =	simm.s32 @!p0 $0x0  }
0x12: {  	s1 =	sld [smem:$0x3F93];
	s0 =	simm.s32 @p0 $0x1  }
0x13: {  	[smem:$0x3FAE] =	sst s0;
	s0 =	simm.s32 @!p1 $0x0  }
0x14: {  	s2 =	sld [smem:$0x3F92];
	s0 =	simm.s32 @p1 $0x1  }
0x15: {  	[smem:$0x3FAF] =	sst s0;
	s0 =	simm.s32 @!p2 $0x0  }
0x16: {  	s3 =	sld [smem:$0x3FDB];
	s0 =	simm.s32 @p2 $0x1  }
0x17: {  	s4 =	simm.s32 $0x1BF5;
	[smem:$0x3FB1] =	sst s0  }
0x18: {  	s0 =	sld [smem:$0x3F94];
	_ =	swait.ge [sflag:s4], $0x0  }
0x19: {  	s7 =	sld [smem:$0x3F95]  }
0x1a: {  	s8 =	sadd.s32 $0xFFFFE003, lr  }
0x1b: {  	s9 =	sadd.s32 $0xFFFFFEF7, lr;
	s5 =	simm.s32 $0xFFFFFFFF;
	p2 =	slt.u32 s8, $0xFFFFF086  }
0x1c: {  	p1 =	slt.u32 s9, $0xF7A;
	s5 =	simm.s32 @!p2 $0x0  }
0x1d: {  	s5 =	simm.s32 @p1 $0x1;
	p0 =	seq.s32 s7, s2  }
0x1e: {  	s7 =	smul.u32 @!p0 $0xF7A, s2;
	p2 =	seq.s32 @!p0 s5, $0x0  }
0x1f: {  	s9 =	smul.u32 $0xF7A, s1;
	s8 =	simm.s32 @!p0 $0x1BF5;
	p2 =	por !p2, p0  }
0x20: {  	[sflag:s8] =	ssyncset.s32 @!p0 $0xFFFFF086;
	s6 =	sadd.s32 @!p0 s3, s7;
	s7 =	simm.s32 @!p0 $0x108  }
0x21: {  	s3 =	sadd.s32 s3, s9;
	s6 =	sadd.s32 @!p0 $0x88, s6;
	s7 =	simm.s32 @p2 $0x1082  }
0x22: {  	[simem:s7], [sflag:s8] =	dma.local @!p0 [hbm:s6], $0xF7A  }
0x23: {  	s9 =	sor.u32 $0xD0000000, s2;
	s6 =	simm.s32 $0x108;
	_ =	swait.ge @!p0 [sflag:s8], $0x0  }
0x24: {  	s3 =	sadd.s32 $0x88, s3;
	s6 =	simm.s32 @!p1 $0x1082;
	[sflag:s4] =	ssyncset.s32 $0xFFFFF086  }
0x25: {  	[simem:s6], [sflag:s4] =	dma.local [hbm:s3], $0xF7A  }
0x26: {  	[smem:$0x3F95] =	sst s1;
	(tag) =	ssettag s2;
	_ =	strace s9  }
0x27: {  	s1 =	sld [smem:$0x3FA5]  }
0x28: {  	s2 =	sld [smem:$0x3FA6]  }
0x29: {  	s4 =	sld [smem:$0x3FA8]  }
0x2a: {  	p0 =	seq.s32 s5, $0x0;
	s5 =	sld [smem:$0x3FA9]  }
0x2b: {  	s6 =	sld [smem:$0x3FAA]  }
0x2c: {  	s7 =	sld [smem:$0x3FAB]  }
0x2d: {  	s3 =	simm.s32 $0x108;
	s8 =	sld [smem:$0x3FAC]  }
0x2e: {  	s3 =	simm.s32 @!p0 $0x1082;
	s9 =	sld [smem:$0x3FAD]  }
0x2f: {  	lr =	sadd.s32 s0, s3;
	s0 =	sld [smem:$0x3FA4]  }
0x30: {  	s3 =	sld [smem:$0x3FA7]  }
0x31: {  	[smem:$0x3FB0] =	sst s10  }
0x32: {  	s10 =	sld [smem:$0x3FAE];
	_ =	sdelay $0x3  }
0x33: {  	p0 =	seq.s32 s10, $0x1;
	s10 =	sld [smem:$0x3FB0];
	_ =	sdelay $0x3  }
0x34: {  	[smem:$0x3FB0] =	sst s10  }
0x35: {  	s10 =	sld [smem:$0x3FAF];
	_ =	sdelay $0x3  }
0x36: {  	p1 =	seq.s32 s10, $0x1;
	s10 =	sld [smem:$0x3FB0];
	_ =	sdelay $0x3  }
0x37: {  	[smem:$0x3FB0] =	sst s10  }
0x38: {  	s10 =	sld [smem:$0x3FB1]  }
0x39: {  	_ = 	snop;
	(pc) =	sbr.ind lr, $3  }
0x3a: {  	_ = 	snop  }
0x3b: {  	_ = 	snop  }
0x3c: {  	p2 =	seq.s32 s10, $0x1;
	s10 =	sld [smem:$0x3FB0]  }
0x3d: {  	_ =	shalt  }
0x3e: {  	_ =	shalt  }
0x3f: {  	_ =	shalt  }
0x40: {  	_ =	shalt  }
0x41: {  	_ =	shalt  }
0x42: {  	_ =	shalt  }
0x43: {  	_ =	shalt  }
0x44: {  	_ =	shalt  }
0x45: {  	_ =	shalt  }
0x46: {  	_ =	shalt  }
0x47: {  	_ =	shalt  }
0x48: {  	_ =	shalt  }
0x49: {  	_ =	shalt  }
0x4a: {  	_ =	shalt  }
0x4b: {  	_ =	shalt  }
0x4c: {  	_ =	shalt  }
0x4d: {  	_ =	shalt  }
0x4e: {  	_ =	shalt  }
0x4f: {  	_ =	shalt  }
0x50: {  	_ =	shalt  }
0x51: {  	_ =	shalt  }
0x52: {  	_ =	shalt  }
0x53: {  	_ =	shalt  }
0x54: {  	_ =	shalt  }
0x55: {  	_ =	shalt  }
0x56: {  	_ =	shalt  }
0x57: {  	_ =	shalt  }
0x58: {  	_ =	shalt  }
0x59: {  	_ =	shalt  }
0x5a: {  	_ =	shalt  }
0x5b: {  	_ =	shalt  }
0x5c: {  	_ =	shalt  }
0x5d: {  	_ =	shalt  }
0x5e: {  	_ =	shalt  }
0x5f: {  	_ =	shalt  }
0x60: {  	_ =	shalt  }
0x61: {  	_ =	shalt  }
0x62: {  	_ =	shalt  }
0x63: {  	_ =	shalt  }
0x64: {  	_ =	shalt  }
0x65: {  	_ =	shalt  }
0x66: {  	_ =	shalt  }
0x67: {  	_ =	shalt  }
0x68: {  	_ =	shalt  }
0x69: {  	_ =	shalt  }
0x6a: {  	_ =	shalt  }
0x6b: {  	_ =	shalt  }
0x6c: {  	_ =	shalt  }
0x6d: {  	_ =	shalt  }
0x6e: {  	_ =	shalt  }
0x6f: {  	_ =	shalt  }
0x70: {  	_ =	shalt  }
0x71: {  	_ =	shalt  }
0x72: {  	_ =	shalt  }
0x73: {  	_ =	shalt  }
0x74: {  	_ =	shalt  }
0x75: {  	_ =	shalt  }
0x76: {  	_ =	shalt  }
0x77: {  	_ =	shalt  }
0x78: {  	_ =	shalt  }
0x79: {  	_ =	shalt  }
0x7a: {  	_ =	shalt  }
0x7b: {  	_ =	shalt  }
0x7c: {  	_ =	shalt  }
0x7d: {  	_ =	shalt  }
0x7e: {  	_ =	shalt  }
0x7f: {  	_ =	shalt  }
0x80: {  	_ =	shalt  }
0x81: {  	_ =	shalt  }
0x82: {  	_ =	shalt  }
0x83: {  	_ =	shalt  }
0x84: {  	_ =	shalt  }
0x85: {  	_ =	shalt  }
0x86: {  	_ =	shalt  }
0x87: {  	_ =	shalt  }
.Lfunc_end0:
.L_simem_size_0:
called_computation.1_lowered:
.L_overlay_start_0:
0x88: {  	s2 =	sld [smem:$0x3FD9]  }
0x89: {  	s3 =	sld [smem:$0x3FFE];
	_ =	sdelay $0x1  }
0x8a: {  	s1 =	srdreg.scid  }
0x8b: {  	s0 =	sand.u32 $0x1, s1  }
0x8c: {  	s17 =	sshll.u32 s0, $0xA;
	s2 =	sadd.s32 s3, s2  }
0x8d: {  	s2 =	sadd.s32 s2, s17  }
0x8e: {  	[smem:$0x3FBC] =	sst s2  }
0x8f: {  	_ = 	snop  }
0x90: {  	s2 =	sld [smem:$0x3FD0];
	(tm) =	ssettm $0x1  }
0x91: {  	s18 =	sld [smem:$0x3FFB];
	_ =	sdelay $0x3  }
0x92: {  	_ =	strace s18  }
0x93: {  	s3 =	sld [smem:$0x3FFC];
	_ =	sdelay $0x3  }
0x94: {  	_ =	strace s3  }
0x95: {  	s3 =	sld [smem:$0x3FFD];
	_ =	sdelay $0x3  }
0x96: {  	_ =	strace s3  }
0x97: {  	_ =	strace $0x8FFFFFFF  }
0x98: {  	s19 =	sld [smem:$0x3FDB];
	_ =	sdelay $0x1  }
0x99: {  	s4 =	simm.s32 $_scs_section_size  }
0x9a: {  	s5 =	simm.s32 $_size__tile_overlayer_lowered;
	s6 =	simm.s32 $_tile_overlayer_lowered  }
0x9b: {  	s22 =	simm.s32 $0x1BFF;
	s21 =	sshll.u32 s6, $0x1;
	s3 =	sadd.s32 s4, s19  }
0x9c: {  	s7 =	simm.s32 $0x0;
	s20 =	sshll.u32 s5, $0x1;
	s5 =	sadd.s32 s21, s3  }
0x9d: {  	[timem:s7], [sflag:s22] =	dma.local [hbm:s5], s20  }
0x9e: {  	_ =	swait.ge [sflag:s22], s20  }
0x9f: {  	s4 =	ssub.s32 $0x0, s20;
	[sflag:s22] =	ssyncset.done $0x0  }
0xa0: {  	[sflag:s22] =	ssyncadd.s32 s4;
	_ =	sdelay $0x1  }
0xa1: {  	s23 =	simm.s32 $0x1B8B  }
0xa2: {  	_ =	swait.ge [sflag:s23], $0x1  }
0xa3: {  	[sflag:s23] =	ssyncset.done $0x0  }
0xa4: {  	s25 =	simm.s32 $0x1B8E;
	s24 =	sld [smem:$0x3FFE];
	[sflag:s23] =	ssyncadd.s32 $0xFFFFFFFF  }
0xa5: {  	s26 =	simm.s32 $execute0_lowered;
	[smem:$0x3FD2] =	sst s25  }
0xa6: {  	s5 =	sshll.u32 s26, $0x1;
	_ =	strace $0x80000049;
	[dreg:$0x1] =	wrdreg $0xFFFFFFFF  }
0xa7: {  	s28 =	simm.s32 $_size_execute0_lowered;
	s3 =	sadd.s32 s3, s5;
	[dreg:$0x0] =	wrdreg $0x0  }
0xa8: {  	s5 =	sshll.u32 s28, $0x1;
	[dreg:$0x2] =	wrdreg s3  }
0xa9: {  	[dreg:$0x3] =	wrdreg s5  }
0xaa: {  	[dreg:$0x4] =	wrdreg $0xC0  }
0xab: {  	_ =	task [dreg:s7], $0x5FFFF  }
0xac: {  	[dreg:$0x1] =	wrdreg $0xFFFFFFFF  }
0xad: {  	[dreg:$0x0] =	wrdreg $0x60  }
0xae: {  	[dreg:$0x2] =	wrdreg s24  }
0xaf: {  	[dreg:$0x3] =	wrdreg s2  }
0xb0: {  	[dreg:$0x4] =	wrdreg $0xB8000  }
0xb1: {  	[dreg:$0x5] =	wrdreg $0x9  }
0xb2: {  	_ =	task.clear_ibuf [dreg:s7], $0x6FFFF;
	_ =	strace $0x90000049  }
0xb3: {  	s29 =	simm.s32 $0x9;
	_ =	strace $0x8000004B  }
0xb4: {  	_ =	swait.ge [sflag:s29], $0x1  }
0xb5: {  	[sflag:s29] =	ssyncadd.s32 $0xFFFFFFFF  }
0xb6: {  	_ =	strace $0x9000004B  }
0xb7: {  	_ =	sfence  }
0xb8: {  	s30 =	sld [smem:$0x0];
	_ =	sdelay $0x2  }
0xb9: {  	s31 =	sshll.u32 s1, $0xD;
	s1 =	sshrl.u32 s1, $0x2  }
0xba: {  	s3 =	sand.u32 $0x4000, s31;
	s1 =	sadd.s32 s1, s30  }
0xbb: {  	s0 =	sor.u32 s3, s0;
	s1 =	sshll.u32 s1, $0x11  }
0xbc: {  	s0 =	sor.u32 s1, s0  }
0xbd: {  	s0 =	sadd.s32 $0x8F2B, s0  }
0xbe: {  	[sflag:s0] =	ssyncadd.remote.s32 $0x1  }
0xbf: {  	_ =	sfence.sel $0xFFFF  }
0xc0: {  	[dreg:$0x0] =	wrdreg $0xFFFFFFFF;
	(pc) =	sbr.abs _section_cstart, $3  }
0xc1: {  	[dreg:$0x1] =	wrdreg $0xFFFFFFFF  }
0xc2: {  	_ =	task.clear_ibuf [dreg:s7], $0x2FFFF;
	_ =	strace $0x9FFFFFFF  }
0xc3: {  	(tm) =	ssettm $0x7FFFFFFF  }
tec
execute0_lowered:
.L_overlay_start_1:
0x0: {  	(tag) =	ssettag $0x1  }
0x1: {  	s0 =	rddreg [dreg:$0x0]  }
0x2: {  	s2 =	rddreg [dreg:$0x2];
	s1 =	srdreg.scid;
	s4 =	simm.s32 $0x0  }
0x3: {  	s11 =	stileid.u32;
	s14 =	simm.s32 $0x4;
	s15 =	simm.s32 $0x2000  }
0x4: {  	s16 =	simm.s32 $0x50;
	s17 =	simm.s32 $0x4000;
	s18 =	simm.s32 $0x80  }
0x5: {  	s19 =	simm.s32 $0x6800;
	s20 =	simm.s32 $0x100;
	s21 =	simm.s32 $0x9000  }
0x6: {  	s22 =	simm.s32 $0x1;
	s23 =	simm.s32 $0x2;
	s31 =	simm.s32 $0x3C80  }
0x7: {  	s1 =	sand.u32 $0x1, s1;
	[smem:$0x7FF] =	sst s4;
	s6 =	smul.u32 $0x14000, s11  }
0x8: {  	s5 =	sadd.s32 $0x21C00, s0;
	s9 =	sadd.s32 $0x11C00, s0;
	s8 =	smul.u32 $0x50000, s11  }
0x9: {  	s10 =	sadd.s32 $0x1C00, s0;
	s28 =	sshll.u32 s11, $0xB;
	s29 =	sshll.u32 s11, $0x6  }
0xa: {  	s3 =	smul.u32 $0x140000, s1;
	_ =	strace $0x8000004A;
	s24 =	ssub.s32 $0x2, s1  }
0xb: {  	s1 =	sshll.u32 s1, $0xF;
	s7 =	sshrl.u32 s24, $0x1;
	s26 =	sshrl.u32 s8, $0x2  }
0xc: {  	s1 =	sor.u32 s28, s1;
	s3 =	sadd.s32 s6, s3;
	s25 =	ssub.s32 s24, s7  }
0xd: {  	s13 =	sadd.s32 s26, s2;
	s6 =	sor.u32 $0x1C04, s29;
	s7 =	sadd.s32 s9, s1  }
0xe: {  	s30 =	sor.u32 $0x400, s1;
	s8 =	sadd.s32 s10, s1;
	s24 =	simm.s32 $0x3  }
0xf: {  	s1 =	simm.s32 $0x3D80;
	s26 =	simm.s32 $0x0;
	s3 =	sshrl.u32 s3, $0x3  }
0x10: {  	s9 =	sadd.s32 s9, s30;
	s10 =	sadd.s32 s10, s30;
	s12 =	smax.u32 s25, $0x1  }
0x11: {  	s13 =	sshrl.u32 s13, $0x3;
	s25 =	simm.s32 $0x3E00;
	s0 =	sadd.s32 s3, s0  }
0x12: {  	s3 =	simm.s32 $0x3D00;
	s11 =	sadd.s32 $0x48E00, s0;
	s0 =	simm.s32 $0x1E00  }
.LBB2_1:
0x13: {  	s28 =	rddreg [dreg:$0x1]  }
0x14: {  	[spmem:s13], [sflag:s6] =	dma.local [hbm:s28], $0x2800  }
0x15: {  	_ =	swait.ge [sflag:s14], $0x2800  }
0x16: {  	[sflag:s14] =	ssyncset.done $0x0  }
0x17: {  	[sflag:s14] =	ssyncadd.s32 $0xFFFFD800  }
0x18: {  	[bflag:$0x0] =	sbarrier.arrive $0xFFFF  }
0x19: {  	[tilespmem:s4], [sflag:$0x4] =	stream.linear.gather [hbm4b:s7+s4], $0x2000, $0x38;
	[tilespmem:$0x1F800] =	vst v63  }
0x1a: {  	_ =	swait.ge [sflag:s14], $0x2000  }
0x1b: {  	[sflag:s14] =	ssyncset.done $0x0  }
0x1c: {  	[sflag:s14] =	ssyncadd.s32 $0xFFFFE000  }
0x1d: {  	[tilespmem:s15], [sflag:$0x4] =	stream.linear.gather [hbm4b:s8+s4], $0x2000, $0x38;
	[tilespmem:$0x1F800] =	vst v63  }
0x1e: {  	_ =	swait.ge [sflag:s14], $0x2000  }
0x1f: {  	[sflag:s14] =	ssyncset.done $0x0  }
0x20: {  	[sflag:s14] =	ssyncadd.s32 $0xFFFFE000  }
0x21: {  	[tilespmem:s17], [sflag:$0x1] =	stream.indirect.gather [hbm4b:s5+s16], $0x80, s4, s16, $0xb8;
	[tilespmem:$0x1F800] =	vst v63  }
0x22: {  	_ = 	snop  }
0x23: {  	[tilespmem:s19], [sflag:$0x2] =	stream.indirect.gather [hbm4b:s5+s16], $0x80, s18, s16, $0xb8;
	[tilespmem:$0x1F800] =	vst v63  }
0x24: {  	_ = 	snop  }
0x25: {  	[tilespmem:s21], [sflag:$0x3] =	stream.indirect.gather [hbm4b:s5+s16], $0x80, s20, s16, $0xb8;
	[tilespmem:$0x1F800] =	vst v63  }
0x26: {  	_ =	swait.ge [sflag:s22], $0x2800  }
0x27: {  	[sflag:s22] =	ssyncset.done $0x0  }
0x28: {  	s28 =	simm.s32 $0x2000;
	[sflag:s22] =	ssyncadd.s32 $0xFFFFD800  }
0x29: {  	[spmem:s2] =	stream.indirect.scatter.add.f32 [tilespmem:s17], [sflag:$0x4], $0x80, s28, s16, $0xb8;
	[tilespmem:$0x1F800] =	vst v63  }
0x2a: {  	_ =	swait.ge [sflag:s14], $0x2800  }
0x2b: {  	[sflag:s14] =	ssyncset.done $0x0  }
0x2c: {  	s28 =	simm.s32 $0x180;
	[sflag:s14] =	ssyncadd.s32 $0xFFFFD800  }
0x2d: {  	[tilespmem:s17], [sflag:$0x1] =	stream.indirect.gather [hbm4b:s5+s16], $0x80, s28, s16, $0xb8;
	[tilespmem:$0x1F800] =	vst v63  }
0x2e: {  	_ =	swait.ge [sflag:s23], $0x2800  }
0x2f: {  	[sflag:s23] =	ssyncset.done $0x0  }
0x30: {  	s28 =	simm.s32 $0x2080;
	[sflag:s23] =	ssyncadd.s32 $0xFFFFD800  }
0x31: {  	[spmem:s2] =	stream.indirect.scatter.add.f32 [tilespmem:s19], [sflag:$0x4], $0x80, s28, s16, $0xb8;
	[tilespmem:$0x1F800] =	vst v63  }
0x32: {  	_ =	swait.ge [sflag:s14], $0x2800  }
0x33: {  	[sflag:s14] =	ssyncset.done $0x0  }
0x34: {  	s28 =	simm.s32 $0x200;
	[sflag:s14] =	ssyncadd.s32 $0xFFFFD800  }
0x35: {  	[tilespmem:s19], [sflag:$0x2] =	stream.indirect.gather [hbm4b:s5+s16], $0x80, s28, s16, $0xb8;
	[tilespmem:$0x1F800] =	vst v63  }
0x36: {  	_ =	swait.ge [sflag:s24], $0x2800  }
0x37: {  	[sflag:s24] =	ssyncset.done $0x0  }
0x38: {  	s28 =	simm.s32 $0x2100;
	[sflag:s24] =	ssyncadd.s32 $0xFFFFD800  }
0x39: {  	[spmem:s2] =	stream.indirect.scatter.add.f32 [tilespmem:s21], [sflag:$0x4], $0x80, s28, s16, $0xb8;
	[tilespmem:$0x1F800] =	vst v63  }
0x3a: {  	_ =	swait.ge [sflag:s14], $0x2800  }
0x3b: {  	[sflag:s14] =	ssyncset.done $0x0  }
0x3c: {  	s29 =	simm.s32 $0x280;
	s28 =	simm.s32 $0x600;
	[sflag:s14] =	ssyncadd.s32 $0xFFFFD800  }
.LBB2_2:
0x3d: {  	[tilespmem:s21], [sflag:$0x3] =	stream.indirect.gather [hbm4b:s5+s16], $0x80, s29, s16, $0xb8;
	[tilespmem:$0x1F800] =	vst v63  }
0x3e: {  	s29 =	smov.u32 s28  }
0x3f: {  	p0 =	sne.s32 s28, $0x7200;
	s28 =	sadd.s32 $0x600, s28;
	_ =	swait.ge [sflag:s22], $0x2800  }
0x40: {  	s29 =	sshra.s32 s29, $0x2;
	[sflag:s22] =	ssyncset.done $0x0  }
0x41: {  	s30 =	sadd.s32 $0x2000, s29;
	[sflag:s22] =	ssyncadd.s32 $0xFFFFD800  }
0x42: {  	[spmem:s2] =	stream.indirect.scatter.add.f32 [tilespmem:s17], [sflag:$0x4], $0x80, s30, s16, $0xb8;
	[tilespmem:$0x1F800] =	vst v63  }
0x43: {  	_ =	swait.ge [sflag:s14], $0x2800  }
0x44: {  	[sflag:s14] =	ssyncset.done $0x0  }
0x45: {  	s30 =	sadd.s32 $0x180, s29;
	[sflag:s14] =	ssyncadd.s32 $0xFFFFD800  }
0x46: {  	[tilespmem:s17], [sflag:$0x1] =	stream.indirect.gather [hbm4b:s5+s16], $0x80, s30, s16, $0xb8;
	[tilespmem:$0x1F800] =	vst v63  }
0x47: {  	_ =	swait.ge [sflag:s23], $0x2800  }
0x48: {  	[sflag:s23] =	ssyncset.done $0x0  }
0x49: {  	s30 =	sadd.s32 $0x2080, s29;
	[sflag:s23] =	ssyncadd.s32 $0xFFFFD800  }
0x4a: {  	[spmem:s2] =	stream.indirect.scatter.add.f32 [tilespmem:s19], [sflag:$0x4], $0x80, s30, s16, $0xb8;
	[tilespmem:$0x1F800] =	vst v63  }
0x4b: {  	_ =	swait.ge [sflag:s14], $0x2800  }
0x4c: {  	[sflag:s14] =	ssyncset.done $0x0  }
0x4d: {  	s30 =	sadd.s32 $0x200, s29;
	[sflag:s14] =	ssyncadd.s32 $0xFFFFD800  }
0x4e: {  	[tilespmem:s19], [sflag:$0x2] =	stream.indirect.gather [hbm4b:s5+s16], $0x80, s30, s16, $0xb8;
	[tilespmem:$0x1F800] =	vst v63  }
0x4f: {  	_ =	swait.ge [sflag:s24], $0x2800  }
0x50: {  	[sflag:s24] =	ssyncset.done $0x0  }
.Ltmp0:
0x51: {  	s30 =	sadd.s32 $0x2100, s29;
	[sflag:s24] =	ssyncadd.s32 $0xFFFFD800;
	(pc) =	sbr.rel @p0 .LBB2_2-.Ltmp0, $4  }
0x52: {  	[spmem:s2] =	stream.indirect.scatter.add.f32 [tilespmem:s21], [sflag:$0x4], $0x80, s30, s16, $0xb8;
	[tilespmem:$0x1F800] =	vst v63  }
0x53: {  	_ =	swait.ge [sflag:s14], $0x2800  }
0x54: {  	[sflag:s14] =	ssyncset.done $0x0  }
0x55: {  	s29 =	sadd.s32 $0x280, s29;
	[sflag:s14] =	ssyncadd.s32 $0xFFFFD800  }
0x56: {  	[tilespmem:s21], [sflag:$0x3] =	stream.indirect.gather [hbm4b:s5+s16], $0x80, s29, s16, $0xb8;
	[tilespmem:$0x1F800] =	vst v63  }
0x57: {  	_ =	swait.ge [sflag:s22], $0x2800  }
0x58: {  	[sflag:s22] =	ssyncset.done $0x0  }
0x59: {  	[sflag:s22] =	ssyncadd.s32 $0xFFFFD800  }
0x5a: {  	[spmem:s2] =	stream.indirect.scatter.add.f32 [tilespmem:s17], [sflag:$0x4], $0x80, s25, s16, $0xb8;
	[tilespmem:$0x1F800] =	vst v63  }
0x5b: {  	_ =	swait.ge [sflag:s14], $0x2800  }
0x5c: {  	[sflag:s14] =	ssyncset.done $0x0  }
0x5d: {  	s28 =	simm.s32 $0x1F80;
	[sflag:s14] =	ssyncadd.s32 $0xFFFFD800  }
0x5e: {  	[tilespmem:s17], [sflag:$0x1] =	stream.indirect.gather [hbm4b:s5+s16], $0x80, s28, s16, $0xb8;
	[tilespmem:$0x1F800] =	vst v63  }
0x5f: {  	_ =	swait.ge [sflag:s23], $0x2800  }
0x60: {  	[sflag:s23] =	ssyncset.done $0x0  }
0x61: {  	s28 =	simm.s32 $0x3E80;
	[sflag:s23] =	ssyncadd.s32 $0xFFFFD800  }
0x62: {  	[spmem:s2] =	stream.indirect.scatter.add.f32 [tilespmem:s19], [sflag:$0x4], $0x80, s28, s16, $0xb8;
	[tilespmem:$0x1F800] =	vst v63  }
0x63: {  	_ =	swait.ge [sflag:s14], $0x2800  }
0x64: {  	[sflag:s14] =	ssyncset.done $0x0  }
0x65: {  	[sflag:s14] =	ssyncadd.s32 $0xFFFFD800  }
0x66: {  	_ =	swait.ge [sflag:s24], $0x2800  }
0x67: {  	[sflag:s24] =	ssyncset.done $0x0  }
0x68: {  	s28 =	simm.s32 $0x3F00;
	[sflag:s24] =	ssyncadd.s32 $0xFFFFD800  }
0x69: {  	[spmem:s2] =	stream.indirect.scatter.add.f32 [tilespmem:s21], [sflag:$0x4], $0x80, s28, s16, $0xb8;
	[tilespmem:$0x1F800] =	vst v63  }
0x6a: {  	_ =	swait.ge [sflag:s14], $0x2800  }
0x6b: {  	[sflag:s14] =	ssyncset.done $0x0  }
0x6c: {  	[sflag:s14] =	ssyncadd.s32 $0xFFFFD800  }
0x6d: {  	_ =	swait.ge [sflag:s22], $0x2800  }
0x6e: {  	[sflag:s22] =	ssyncset.done $0x0  }
0x6f: {  	s28 =	simm.s32 $0x3F80;
	[sflag:s22] =	ssyncadd.s32 $0xFFFFD800  }
0x70: {  	[spmem:s2] =	stream.indirect.scatter.add.f32 [tilespmem:s17], [sflag:$0x4], $0x80, s28, s16, $0xb8;
	[tilespmem:$0x1F800] =	vst v63  }
0x71: {  	_ =	swait.ge [sflag:s14], $0x2800  }
0x72: {  	[sflag:s14] =	ssyncset.done $0x0  }
0x73: {  	s28 =	simm.s32 $0x0;
	[sflag:s14] =	ssyncadd.s32 $0xFFFFD800  }
0x74: {  	[tilespmem:s28], [sflag:$0x4] =	stream.linear.gather [hbm4b:s9+s28], $0x1E80, $0x38;
	[tilespmem:$0x1F800] =	vst v63  }
0x75: {  	_ =	swait.ge [sflag:s14], $0x1E80  }
0x76: {  	[sflag:s14] =	ssyncset.done $0x0  }
0x77: {  	[sflag:s14] =	ssyncadd.s32 $0xFFFFE180  }
0x78: {  	[tilespmem:s15], [sflag:$0x4] =	stream.linear.gather [hbm4b:s10+s28], $0x1E80, $0x38;
	[tilespmem:$0x1F800] =	vst v63  }
0x79: {  	_ =	swait.ge [sflag:s14], $0x1E80  }
0x7a: {  	[sflag:s14] =	ssyncset.done $0x0  }
0x7b: {  	[sflag:s14] =	ssyncadd.s32 $0xFFFFE180  }
0x7c: {  	[tilespmem:s17], [sflag:$0x1] =	stream.indirect.gather [hbm4b:s5+s16], $0x80, s28, s16, $0xb8;
	[tilespmem:$0x1F800] =	vst v63  }
0x7d: {  	_ = 	snop  }
0x7e: {  	[tilespmem:s19], [sflag:$0x2] =	stream.indirect.gather [hbm4b:s5+s16], $0x80, s18, s16, $0xb8;
	[tilespmem:$0x1F800] =	vst v63  }
0x7f: {  	_ = 	snop  }
0x80: {  	[tilespmem:s21], [sflag:$0x3] =	stream.indirect.gather [hbm4b:s5+s16], $0x80, s20, s16, $0xb8;
	[tilespmem:$0x1F800] =	vst v63  }
0x81: {  	_ =	swait.ge [sflag:s22], $0x2800  }
0x82: {  	[sflag:s22] =	ssyncset.done $0x0  }
0x83: {  	s28 =	simm.s32 $0x2000;
	[sflag:s22] =	ssyncadd.s32 $0xFFFFD800  }
0x84: {  	[spmem:s2] =	stream.indirect.scatter.add.f32 [tilespmem:s17], [sflag:$0x4], $0x80, s28, s16, $0xb8;
	[tilespmem:$0x1F800] =	vst v63  }
0x85: {  	_ =	swait.ge [sflag:s14], $0x2800  }
0x86: {  	[sflag:s14] =	ssyncset.done $0x0  }
0x87: {  	s28 =	simm.s32 $0x180;
	[sflag:s14] =	ssyncadd.s32 $0xFFFFD800  }
0x88: {  	[tilespmem:s17], [sflag:$0x1] =	stream.indirect.gather [hbm4b:s5+s16], $0x80, s28, s16, $0xb8;
	[tilespmem:$0x1F800] =	vst v63  }
0x89: {  	_ =	swait.ge [sflag:s23], $0x2800  }
0x8a: {  	[sflag:s23] =	ssyncset.done $0x0  }
0x8b: {  	s28 =	simm.s32 $0x2080;
	[sflag:s23] =	ssyncadd.s32 $0xFFFFD800  }
0x8c: {  	[spmem:s2] =	stream.indirect.scatter.add.f32 [tilespmem:s19], [sflag:$0x4], $0x80, s28, s16, $0xb8;
	[tilespmem:$0x1F800] =	vst v63  }
0x8d: {  	_ =	swait.ge [sflag:s14], $0x2800  }
0x8e: {  	[sflag:s14] =	ssyncset.done $0x0  }
0x8f: {  	s28 =	simm.s32 $0x200;
	[sflag:s14] =	ssyncadd.s32 $0xFFFFD800  }
0x90: {  	[tilespmem:s19], [sflag:$0x2] =	stream.indirect.gather [hbm4b:s5+s16], $0x80, s28, s16, $0xb8;
	[tilespmem:$0x1F800] =	vst v63  }
0x91: {  	_ =	swait.ge [sflag:s24], $0x2800  }
0x92: {  	[sflag:s24] =	ssyncset.done $0x0  }
0x93: {  	s28 =	simm.s32 $0x2100;
	[sflag:s24] =	ssyncadd.s32 $0xFFFFD800  }
0x94: {  	[spmem:s2] =	stream.indirect.scatter.add.f32 [tilespmem:s21], [sflag:$0x4], $0x80, s28, s16, $0xb8;
	[tilespmem:$0x1F800] =	vst v63  }
0x95: {  	_ =	swait.ge [sflag:s14], $0x2800  }
0x96: {  	[sflag:s14] =	ssyncset.done $0x0  }
0x97: {  	s29 =	simm.s32 $0x280;
	s28 =	simm.s32 $0x600;
	[sflag:s14] =	ssyncadd.s32 $0xFFFFD800  }
.LBB2_4:
0x98: {  	[tilespmem:s21], [sflag:$0x3] =	stream.indirect.gather [hbm4b:s5+s16], $0x80, s29, s16, $0xb8;
	[tilespmem:$0x1F800] =	vst v63  }
0x99: {  	s29 =	smov.u32 s28  }
0x9a: {  	p0 =	sne.s32 s28, $0x6C00;
	s28 =	sadd.s32 $0x600, s28;
	_ =	swait.ge [sflag:s22], $0x2800  }
0x9b: {  	s29 =	sshra.s32 s29, $0x2;
	[sflag:s22] =	ssyncset.done $0x0  }
0x9c: {  	s30 =	sadd.s32 $0x2000, s29;
	[sflag:s22] =	ssyncadd.s32 $0xFFFFD800  }
0x9d: {  	[spmem:s2] =	stream.indirect.scatter.add.f32 [tilespmem:s17], [sflag:$0x4], $0x80, s30, s16, $0xb8;
	[tilespmem:$0x1F800] =	vst v63  }
0x9e: {  	_ =	swait.ge [sflag:s14], $0x2800  }
0x9f: {  	[sflag:s14] =	ssyncset.done $0x0  }
0xa0: {  	s30 =	sadd.s32 $0x180, s29;
	[sflag:s14] =	ssyncadd.s32 $0xFFFFD800  }
0xa1: {  	[tilespmem:s17], [sflag:$0x1] =	stream.indirect.gather [hbm4b:s5+s16], $0x80, s30, s16, $0xb8;
	[tilespmem:$0x1F800] =	vst v63  }
0xa2: {  	_ =	swait.ge [sflag:s23], $0x2800  }
0xa3: {  	[sflag:s23] =	ssyncset.done $0x0  }
0xa4: {  	s30 =	sadd.s32 $0x2080, s29;
	[sflag:s23] =	ssyncadd.s32 $0xFFFFD800  }
0xa5: {  	[spmem:s2] =	stream.indirect.scatter.add.f32 [tilespmem:s19], [sflag:$0x4], $0x80, s30, s16, $0xb8;
	[tilespmem:$0x1F800] =	vst v63  }
0xa6: {  	_ =	swait.ge [sflag:s14], $0x2800  }
0xa7: {  	[sflag:s14] =	ssyncset.done $0x0  }
0xa8: {  	s30 =	sadd.s32 $0x200, s29;
	[sflag:s14] =	ssyncadd.s32 $0xFFFFD800  }
0xa9: {  	[tilespmem:s19], [sflag:$0x2] =	stream.indirect.gather [hbm4b:s5+s16], $0x80, s30, s16, $0xb8;
	[tilespmem:$0x1F800] =	vst v63  }
0xaa: {  	_ =	swait.ge [sflag:s24], $0x2800  }
0xab: {  	[sflag:s24] =	ssyncset.done $0x0  }
.Ltmp1:
0xac: {  	s30 =	sadd.s32 $0x2100, s29;
	[sflag:s24] =	ssyncadd.s32 $0xFFFFD800;
	(pc) =	sbr.rel @p0 .LBB2_4-.Ltmp1, $4  }
0xad: {  	[spmem:s2] =	stream.indirect.scatter.add.f32 [tilespmem:s21], [sflag:$0x4], $0x80, s30, s16, $0xb8;
	[tilespmem:$0x1F800] =	vst v63  }
0xae: {  	_ =	swait.ge [sflag:s14], $0x2800  }
0xaf: {  	[sflag:s14] =	ssyncset.done $0x0  }
0xb0: {  	s29 =	sadd.s32 $0x280, s29;
	[sflag:s14] =	ssyncadd.s32 $0xFFFFD800  }
0xb1: {  	[tilespmem:s21], [sflag:$0x3] =	stream.indirect.gather [hbm4b:s5+s16], $0x80, s29, s16, $0xb8;
	[tilespmem:$0x1F800] =	vst v63  }
0xb2: {  	_ =	swait.ge [sflag:s22], $0x2800  }
0xb3: {  	[sflag:s22] =	ssyncset.done $0x0  }
0xb4: {  	[sflag:s22] =	ssyncadd.s32 $0xFFFFD800  }
0xb5: {  	[spmem:s2] =	stream.indirect.scatter.add.f32 [tilespmem:s17], [sflag:$0x4], $0x80, s31, s16, $0xb8;
	[tilespmem:$0x1F800] =	vst v63  }
0xb6: {  	_ =	swait.ge [sflag:s14], $0x2800  }
0xb7: {  	[sflag:s14] =	ssyncset.done $0x0  }
0xb8: {  	[sflag:s14] =	ssyncadd.s32 $0xFFFFD800  }
0xb9: {  	[tilespmem:s17], [sflag:$0x1] =	stream.indirect.gather [hbm4b:s5+s16], $0x80, s0, s16, $0xb8;
	[tilespmem:$0x1F800] =	vst v63  }
0xba: {  	_ =	swait.ge [sflag:s23], $0x2800  }
0xbb: {  	[sflag:s23] =	ssyncset.done $0x0  }
0xbc: {  	[sflag:s23] =	ssyncadd.s32 $0xFFFFD800  }
0xbd: {  	[spmem:s2] =	stream.indirect.scatter.add.f32 [tilespmem:s19], [sflag:$0x4], $0x80, s3, s16, $0xb8;
	[tilespmem:$0x1F800] =	vst v63  }
0xbe: {  	_ =	swait.ge [sflag:s14], $0x2800  }
0xbf: {  	[sflag:s14] =	ssyncset.done $0x0  }
0xc0: {  	[sflag:s14] =	ssyncadd.s32 $0xFFFFD800  }
0xc1: {  	_ =	swait.ge [sflag:s24], $0x2800  }
0xc2: {  	[sflag:s24] =	ssyncset.done $0x0  }
0xc3: {  	[sflag:s24] =	ssyncadd.s32 $0xFFFFD800  }
0xc4: {  	[spmem:s2] =	stream.indirect.scatter.add.f32 [tilespmem:s21], [sflag:$0x4], $0x80, s1, s16, $0xb8;
	[tilespmem:$0x1F800] =	vst v63  }
0xc5: {  	_ =	swait.ge [sflag:s14], $0x2800  }
0xc6: {  	[sflag:s14] =	ssyncset.done $0x0  }
0xc7: {  	[sflag:s14] =	ssyncadd.s32 $0xFFFFD800  }
0xc8: {  	_ =	swait.ge [sflag:s22], $0x2800  }
0xc9: {  	[sflag:s22] =	ssyncset.done $0x0  }
0xca: {  	[sflag:s22] =	ssyncadd.s32 $0xFFFFD800  }
0xcb: {  	[spmem:s2] =	stream.indirect.scatter.add.f32 [tilespmem:s17], [sflag:$0x4], $0x80, s25, s16, $0xb8;
	[tilespmem:$0x1F800] =	vst v63  }
0xcc: {  	_ =	swait.ge [sflag:s14], $0x2800  }
0xcd: {  	s26 =	sadd.s32 $0x1, s26;
	[sflag:s14] =	ssyncset.done $0x0  }
0xce: {  	p0 =	sne.s32 s26, s12;
	[sflag:s14] =	ssyncadd.s32 $0xFFFFD800  }
.Ltmp2:
0xcf: {  	[bflag:$0x0] =	sbarrier.arrive $0xFFFF;
	(pc) =	sbr.rel @p0 .LBB2_1-.Ltmp2, $4  }
0xd0: {  	[hbm:s11], [sflag:s6] =	dma.local [spmem:s13], $0x2800  }
0xd1: {  	_ =	swait.ge [sflag:s14], $0x2800  }
0xd2: {  	[sflag:s14] =	ssyncset.done $0x0  }
0xd3: {  	[sflag:s14] =	ssyncadd.s32 $0xFFFFD800  }
0xd4: {  	_ =	sfence.sel $0x180000  }
0xd5: {  	[bflag:$0x0] =	sbarrier.arrive $0xFFFF  }
0xd6: {  	_ =	strace $0x9000004A  }
0xd7: {  	s0 =	stileid.u32;
	[bflag:$0x2] =	sbarrier.arrive $0xFFFF  }
0xd8: {  	p0 =	sne.s32 s0, $0x0;
	s0 =	rddreg [dreg:$0x3]  }
0xd9: {  	s0 =	sadd.s32 @!p0 $0x100000, s0  }
0xda: {  	[sflag:s0] =	ssyncadd.tile.s32 @!p0 $0x1;
	_ =	shalt  }
.Lfunc_end2:
_tile_overlayer_lowered:
.L_overlay_start_2:
0xdb: {  	(tag) =	ssettag $0x2  }
0xdc: {  	s0 =	rddreg [dreg:$0x0];
	s2 =	stileid.u32  }
0xdd: {  	s1 =	rddreg [dreg:$0x1];
	p0 =	sne.s32 s2, $0x0  }
0xde: {  	s3 =	rddreg [dreg:$0x2];
	[bflag:$0x3] =	sbarrier.arrive $0xFFFF;
	s2 =	simm.s32 @!p0 $0x1C04  }
0xdf: {  	[timem:s3], [sflag:s2] =	dma.local @!p0 [hbm:s0], s1  }
0xe0: {  	s0 =	simm.s32 @!p0 $0x4  }
0xe1: {  	_ =	swait.ge @!p0 [sflag:s0], s1  }
0xe2: {  	s1 =	ssub.s32 @!p0 $0x0, s1;
	[sflag:s0] =	ssyncset.done @!p0 $0x0  }
0xe3: {  	[sflag:s0] =	ssyncadd.s32 @!p0 s1  }
0xe4: {  	[bflag:$0x3] =	sbarrier.arrive $0xFFFF  }
0xe5: {  	_ =	shalt  }

// kernel: kernel.7.cloned.1.call-start
scs
__scs_entry_jumppad:
0x0: {  	(pc) =	sbr.rel $0x88, $3  }
0x1: {  	(tag) =	ssettag $0x0;
	lr =	simm.s32 $0x1  }
0x2: {  	[smem:$0x3F95] =	sst lr;
	_ =	strace $0xD0000000  }
0x3: {  	_ = 	snop  }
0x4: {  	_ = 	snop  }
0x5: {  	_ = 	snop  }
0x6: {  	_ = 	snop  }
0x7: {  	_ = 	snop  }
__scs_overlays_trampoline_lowered:
0x8: {  	[smem:$0x3FA4] =	sst s0  }
0x9: {  	[smem:$0x3FA5] =	sst s1  }
0xa: {  	[smem:$0x3FA6] =	sst s2  }
0xb: {  	[smem:$0x3FA7] =	sst s3  }
0xc: {  	[smem:$0x3FA8] =	sst s4  }
0xd: {  	[smem:$0x3FA9] =	sst s5  }
0xe: {  	[smem:$0x3FAA] =	sst s6  }
0xf: {  	[smem:$0x3FAB] =	sst s7  }
0x10: {  	[smem:$0x3FAC] =	sst s8  }
0x11: {  	[smem:$0x3FAD] =	sst s9;
	s0 =	simm.s32 @!p0 $0x0  }
0x12: {  	s1 =	sld [smem:$0x3F93];
	s0 =	simm.s32 @p0 $0x1  }
0x13: {  	[smem:$0x3FAE] =	sst s0;
	s0 =	simm.s32 @!p1 $0x0  }
0x14: {  	s2 =	sld [smem:$0x3F92];
	s0 =	simm.s32 @p1 $0x1  }
0x15: {  	[smem:$0x3FAF] =	sst s0;
	s0 =	simm.s32 @!p2 $0x0  }
0x16: {  	s3 =	sld [smem:$0x3FDB];
	s0 =	simm.s32 @p2 $0x1  }
0x17: {  	s4 =	simm.s32 $0x1BF5;
	[smem:$0x3FB1] =	sst s0  }
0x18: {  	s0 =	sld [smem:$0x3F94];
	_ =	swait.ge [sflag:s4], $0x0  }
0x19: {  	s7 =	sld [smem:$0x3F95]  }
0x1a: {  	s8 =	sadd.s32 $0xFFFFE003, lr  }
0x1b: {  	s9 =	sadd.s32 $0xFFFFFEF7, lr;
	s5 =	simm.s32 $0xFFFFFFFF;
	p2 =	slt.u32 s8, $0xFFFFF086  }
0x1c: {  	p1 =	slt.u32 s9, $0xF7A;
	s5 =	simm.s32 @!p2 $0x0  }
0x1d: {  	s5 =	simm.s32 @p1 $0x1;
	p0 =	seq.s32 s7, s2  }
0x1e: {  	s7 =	smul.u32 @!p0 $0xF7A, s2;
	p2 =	seq.s32 @!p0 s5, $0x0  }
0x1f: {  	s9 =	smul.u32 $0xF7A, s1;
	s8 =	simm.s32 @!p0 $0x1BF5;
	p2 =	por !p2, p0  }
0x20: {  	[sflag:s8] =	ssyncset.s32 @!p0 $0xFFFFF086;
	s6 =	sadd.s32 @!p0 s3, s7;
	s7 =	simm.s32 @!p0 $0x108  }
0x21: {  	s3 =	sadd.s32 s3, s9;
	s6 =	sadd.s32 @!p0 $0x88, s6;
	s7 =	simm.s32 @p2 $0x1082  }
0x22: {  	[simem:s7], [sflag:s8] =	dma.local @!p0 [hbm:s6], $0xF7A  }
0x23: {  	s9 =	sor.u32 $0xD0000000, s2;
	s6 =	simm.s32 $0x108;
	_ =	swait.ge @!p0 [sflag:s8], $0x0  }
0x24: {  	s3 =	sadd.s32 $0x88, s3;
	s6 =	simm.s32 @!p1 $0x1082;
	[sflag:s4] =	ssyncset.s32 $0xFFFFF086  }
0x25: {  	[simem:s6], [sflag:s4] =	dma.local [hbm:s3], $0xF7A  }
0x26: {  	[smem:$0x3F95] =	sst s1;
	(tag) =	ssettag s2;
	_ =	strace s9  }
0x27: {  	s1 =	sld [smem:$0x3FA5]  }
0x28: {  	s2 =	sld [smem:$0x3FA6]  }
0x29: {  	s4 =	sld [smem:$0x3FA8]  }
0x2a: {  	p0 =	seq.s32 s5, $0x0;
	s5 =	sld [smem:$0x3FA9]  }
0x2b: {  	s6 =	sld [smem:$0x3FAA]  }
0x2c: {  	s7 =	sld [smem:$0x3FAB]  }
0x2d: {  	s3 =	simm.s32 $0x108;
	s8 =	sld [smem:$0x3FAC]  }
0x2e: {  	s3 =	simm.s32 @!p0 $0x1082;
	s9 =	sld [smem:$0x3FAD]  }
0x2f: {  	lr =	sadd.s32 s0, s3;
	s0 =	sld [smem:$0x3FA4]  }
0x30: {  	s3 =	sld [smem:$0x3FA7]  }
0x31: {  	[smem:$0x3FB0] =	sst s10  }
0x32: {  	s10 =	sld [smem:$0x3FAE];
	_ =	sdelay $0x3  }
0x33: {  	p0 =	seq.s32 s10, $0x1;
	s10 =	sld [smem:$0x3FB0];
	_ =	sdelay $0x3  }
0x34: {  	[smem:$0x3FB0] =	sst s10  }
0x35: {  	s10 =	sld [smem:$0x3FAF];
	_ =	sdelay $0x3  }
0x36: {  	p1 =	seq.s32 s10, $0x1;
	s10 =	sld [smem:$0x3FB0];
	_ =	sdelay $0x3  }
0x37: {  	[smem:$0x3FB0] =	sst s10  }
0x38: {  	s10 =	sld [smem:$0x3FB1]  }
0x39: {  	_ = 	snop;
	(pc) =	sbr.ind lr, $3  }
0x3a: {  	_ = 	snop  }
0x3b: {  	_ = 	snop  }
0x3c: {  	p2 =	seq.s32 s10, $0x1;
	s10 =	sld [smem:$0x3FB0]  }
0x3d: {  	_ =	shalt  }
0x3e: {  	_ =	shalt  }
0x3f: {  	_ =	shalt  }
0x40: {  	_ =	shalt  }
0x41: {  	_ =	shalt  }
0x42: {  	_ =	shalt  }
0x43: {  	_ =	shalt  }
0x44: {  	_ =	shalt  }
0x45: {  	_ =	shalt  }
0x46: {  	_ =	shalt  }
0x47: {  	_ =	shalt  }
0x48: {  	_ =	shalt  }
0x49: {  	_ =	shalt  }
0x4a: {  	_ =	shalt  }
0x4b: {  	_ =	shalt  }
0x4c: {  	_ =	shalt  }
0x4d: {  	_ =	shalt  }
0x4e: {  	_ =	shalt  }
0x4f: {  	_ =	shalt  }
0x50: {  	_ =	shalt  }
0x51: {  	_ =	shalt  }
0x52: {  	_ =	shalt  }
0x53: {  	_ =	shalt  }
0x54: {  	_ =	shalt  }
0x55: {  	_ =	shalt  }
0x56: {  	_ =	shalt  }
0x57: {  	_ =	shalt  }
0x58: {  	_ =	shalt  }
0x59: {  	_ =	shalt  }
0x5a: {  	_ =	shalt  }
0x5b: {  	_ =	shalt  }
0x5c: {  	_ =	shalt  }
0x5d: {  	_ =	shalt  }
0x5e: {  	_ =	shalt  }
0x5f: {  	_ =	shalt  }
0x60: {  	_ =	shalt  }
0x61: {  	_ =	shalt  }
0x62: {  	_ =	shalt  }
0x63: {  	_ =	shalt  }
0x64: {  	_ =	shalt  }
0x65: {  	_ =	shalt  }
0x66: {  	_ =	shalt  }
0x67: {  	_ =	shalt  }
0x68: {  	_ =	shalt  }
0x69: {  	_ =	shalt  }
0x6a: {  	_ =	shalt  }
0x6b: {  	_ =	shalt  }
0x6c: {  	_ =	shalt  }
0x6d: {  	_ =	shalt  }
0x6e: {  	_ =	shalt  }
0x6f: {  	_ =	shalt  }
0x70: {  	_ =	shalt  }
0x71: {  	_ =	shalt  }
0x72: {  	_ =	shalt  }
0x73: {  	_ =	shalt  }
0x74: {  	_ =	shalt  }
0x75: {  	_ =	shalt  }
0x76: {  	_ =	shalt  }
0x77: {  	_ =	shalt  }
0x78: {  	_ =	shalt  }
0x79: {  	_ =	shalt  }
0x7a: {  	_ =	shalt  }
0x7b: {  	_ =	shalt  }
0x7c: {  	_ =	shalt  }
0x7d: {  	_ =	shalt  }
0x7e: {  	_ =	shalt  }
0x7f: {  	_ =	shalt  }
0x80: {  	_ =	shalt  }
0x81: {  	_ =	shalt  }
0x82: {  	_ =	shalt  }
0x83: {  	_ =	shalt  }
0x84: {  	_ =	shalt  }
0x85: {  	_ =	shalt  }
0x86: {  	_ =	shalt  }
0x87: {  	_ =	shalt  }
.Lfunc_end0:
.L_simem_size_0:
called_computation_lowered:
.L_overlay_start_0:
0x88: {  	s2 =	sld [smem:$0x3FD9]  }
0x89: {  	s3 =	sld [smem:$0x3FFE];
	_ =	sdelay $0x1  }
0x8a: {  	s1 =	srdreg.scid  }
0x8b: {  	s0 =	sand.u32 $0x1, s1  }
0x8c: {  	s17 =	sshll.u32 s0, $0xA;
	s2 =	sadd.s32 s3, s2  }
0x8d: {  	s2 =	sadd.s32 s2, s17  }
0x8e: {  	[smem:$0x3FBC] =	sst s2  }
0x8f: {  	_ = 	snop  }
0x90: {  	s2 =	sld [smem:$0x3FD0];
	(tm) =	ssettm $0x1  }
0x91: {  	s18 =	sld [smem:$0x3FFB];
	_ =	sdelay $0x3  }
0x92: {  	_ =	strace s18  }
0x93: {  	s3 =	sld [smem:$0x3FFC];
	_ =	sdelay $0x3  }
0x94: {  	_ =	strace s3  }
0x95: {  	s3 =	sld [smem:$0x3FFD];
	_ =	sdelay $0x3  }
0x96: {  	_ =	strace s3  }
0x97: {  	_ =	strace $0x8FFFFFFF  }
0x98: {  	s19 =	sld [smem:$0x3FDB];
	_ =	sdelay $0x1  }
0x99: {  	s4 =	simm.s32 $_scs_section_size  }
0x9a: {  	s5 =	simm.s32 $_size__tile_overlayer_lowered;
	s6 =	simm.s32 $_tile_overlayer_lowered  }
0x9b: {  	s22 =	simm.s32 $0x1BFF;
	s21 =	sshll.u32 s6, $0x1;
	s3 =	sadd.s32 s4, s19  }
0x9c: {  	s7 =	simm.s32 $0x0;
	s20 =	sshll.u32 s5, $0x1;
	s5 =	sadd.s32 s21, s3  }
0x9d: {  	[timem:s7], [sflag:s22] =	dma.local [hbm:s5], s20  }
0x9e: {  	_ =	swait.ge [sflag:s22], s20  }
0x9f: {  	s4 =	ssub.s32 $0x0, s20;
	[sflag:s22] =	ssyncset.done $0x0  }
0xa0: {  	[sflag:s22] =	ssyncadd.s32 s4;
	_ =	sdelay $0x1  }
0xa1: {  	s23 =	simm.s32 $0x1B8B  }
0xa2: {  	_ =	swait.ge [sflag:s23], $0x1  }
0xa3: {  	[sflag:s23] =	ssyncset.done $0x0  }
0xa4: {  	s25 =	simm.s32 $0x1B8E;
	s24 =	sld [smem:$0x3FFE];
	[sflag:s23] =	ssyncadd.s32 $0xFFFFFFFF  }
0xa5: {  	s26 =	simm.s32 $execute0_lowered;
	[smem:$0x3FD2] =	sst s25  }
0xa6: {  	s5 =	sshll.u32 s26, $0x1;
	_ =	strace $0x80000046;
	[dreg:$0x1] =	wrdreg $0xFFFFFFFF  }
0xa7: {  	s28 =	simm.s32 $_size_execute0_lowered;
	s3 =	sadd.s32 s3, s5;
	[dreg:$0x0] =	wrdreg $0x0  }
0xa8: {  	s5 =	sshll.u32 s28, $0x1;
	[dreg:$0x2] =	wrdreg s3  }
0xa9: {  	[dreg:$0x3] =	wrdreg s5  }
0xaa: {  	[dreg:$0x4] =	wrdreg $0xC0  }
0xab: {  	_ =	task [dreg:s7], $0x5FFFF  }
0xac: {  	[dreg:$0x1] =	wrdreg $0xFFFFFFFF  }
0xad: {  	[dreg:$0x0] =	wrdreg $0x60  }
0xae: {  	[dreg:$0x2] =	wrdreg s24  }
0xaf: {  	[dreg:$0x3] =	wrdreg s2  }
0xb0: {  	[dreg:$0x4] =	wrdreg $0xB8000  }
0xb1: {  	[dreg:$0x5] =	wrdreg $0x9  }
0xb2: {  	_ =	task.clear_ibuf [dreg:s7], $0x6FFFF;
	_ =	strace $0x90000046  }
0xb3: {  	s29 =	simm.s32 $0x9;
	_ =	strace $0x80000048  }
0xb4: {  	_ =	swait.ge [sflag:s29], $0x1  }
0xb5: {  	[sflag:s29] =	ssyncadd.s32 $0xFFFFFFFF  }
0xb6: {  	_ =	strace $0x90000048  }
0xb7: {  	_ =	sfence  }
0xb8: {  	s30 =	sld [smem:$0x0];
	_ =	sdelay $0x2  }
0xb9: {  	s31 =	sshll.u32 s1, $0xD;
	s1 =	sshrl.u32 s1, $0x2  }
0xba: {  	s3 =	sand.u32 $0x4000, s31;
	s1 =	sadd.s32 s1, s30  }
0xbb: {  	s0 =	sor.u32 s3, s0;
	s1 =	sshll.u32 s1, $0x11  }
0xbc: {  	s0 =	sor.u32 s1, s0  }
0xbd: {  	s0 =	sadd.s32 $0x8F2B, s0  }
0xbe: {  	[sflag:s0] =	ssyncadd.remote.s32 $0x1  }
0xbf: {  	_ =	sfence.sel $0xFFFF  }
0xc0: {  	[dreg:$0x0] =	wrdreg $0xFFFFFFFF;
	(pc) =	sbr.abs _section_cstart, $3  }
0xc1: {  	[dreg:$0x1] =	wrdreg $0xFFFFFFFF  }
0xc2: {  	_ =	task.clear_ibuf [dreg:s7], $0x2FFFF;
	_ =	strace $0x9FFFFFFF  }
0xc3: {  	(tm) =	ssettm $0x7FFFFFFF  }
tec
execute0_lowered:
.L_overlay_start_1:
0x0: {  	(tag) =	ssettag $0x1  }
0x1: {  	s0 =	rddreg [dreg:$0x0]  }
0x2: {  	s2 =	rddreg [dreg:$0x2];
	s1 =	srdreg.scid;
	s4 =	simm.s32 $0x0  }
0x3: {  	s11 =	stileid.u32;
	s14 =	simm.s32 $0x4;
	s15 =	simm.s32 $0x2000  }
0x4: {  	s16 =	simm.s32 $0x50;
	s17 =	simm.s32 $0x4000;
	s18 =	simm.s32 $0x80  }
0x5: {  	s19 =	simm.s32 $0x6800;
	s20 =	simm.s32 $0x100;
	s21 =	simm.s32 $0x9000  }
0x6: {  	s22 =	simm.s32 $0x1;
	s23 =	simm.s32 $0x2;
	s31 =	simm.s32 $0x3C80  }
0x7: {  	s1 =	sand.u32 $0x1, s1;
	[smem:$0x7FF] =	sst s4;
	s6 =	smul.u32 $0x14000, s11  }
0x8: {  	s5 =	sadd.s32 $0x21C00, s0;
	s9 =	sadd.s32 $0x11C00, s0;
	s8 =	smul.u32 $0x50000, s11  }
0x9: {  	s10 =	sadd.s32 $0x1C00, s0;
	s28 =	sshll.u32 s11, $0xB;
	s29 =	sshll.u32 s11, $0x6  }
0xa: {  	s3 =	smul.u32 $0x140000, s1;
	_ =	strace $0x80000047;
	s24 =	ssub.s32 $0x2, s1  }
0xb: {  	s1 =	sshll.u32 s1, $0xF;
	s7 =	sshrl.u32 s24, $0x1;
	s26 =	sshrl.u32 s8, $0x2  }
0xc: {  	s1 =	sor.u32 s28, s1;
	s3 =	sadd.s32 s6, s3;
	s25 =	ssub.s32 s24, s7  }
0xd: {  	s13 =	sadd.s32 s26, s2;
	s6 =	sor.u32 $0x1C04, s29;
	s7 =	sadd.s32 s9, s1  }
0xe: {  	s30 =	sor.u32 $0x400, s1;
	s8 =	sadd.s32 s10, s1;
	s24 =	simm.s32 $0x3  }
0xf: {  	s1 =	simm.s32 $0x3D80;
	s26 =	simm.s32 $0x0;
	s3 =	sshrl.u32 s3, $0x3  }
0x10: {  	s9 =	sadd.s32 s9, s30;
	s10 =	sadd.s32 s10, s30;
	s12 =	smax.u32 s25, $0x1  }
0x11: {  	s13 =	sshrl.u32 s13, $0x3;
	s25 =	simm.s32 $0x3E00;
	s0 =	sadd.s32 s3, s0  }
0x12: {  	s3 =	simm.s32 $0x3D00;
	s11 =	sadd.s32 $0x48E00, s0;
	s0 =	simm.s32 $0x1E00  }
.LBB2_1:
0x13: {  	s28 =	rddreg [dreg:$0x1]  }
0x14: {  	[spmem:s13], [sflag:s6] =	dma.local [hbm:s28], $0x2800  }
0x15: {  	_ =	swait.ge [sflag:s14], $0x2800  }
0x16: {  	[sflag:s14] =	ssyncset.done $0x0  }
0x17: {  	[sflag:s14] =	ssyncadd.s32 $0xFFFFD800  }
0x18: {  	[bflag:$0x0] =	sbarrier.arrive $0xFFFF  }
0x19: {  	[tilespmem:s4], [sflag:$0x4] =	stream.linear.gather [hbm4b:s7+s4], $0x2000, $0x38;
	[tilespmem:$0x1F800] =	vst v63  }
0x1a: {  	_ =	swait.ge [sflag:s14], $0x2000  }
0x1b: {  	[sflag:s14] =	ssyncset.done $0x0  }
0x1c: {  	[sflag:s14] =	ssyncadd.s32 $0xFFFFE000  }
0x1d: {  	[tilespmem:s15], [sflag:$0x4] =	stream.linear.gather [hbm4b:s8+s4], $0x2000, $0x38;
	[tilespmem:$0x1F800] =	vst v63  }
0x1e: {  	_ =	swait.ge [sflag:s14], $0x2000  }
0x1f: {  	[sflag:s14] =	ssyncset.done $0x0  }
0x20: {  	[sflag:s14] =	ssyncadd.s32 $0xFFFFE000  }
0x21: {  	[tilespmem:s17], [sflag:$0x1] =	stream.indirect.gather [hbm4b:s5+s16], $0x80, s4, s16, $0xb8;
	[tilespmem:$0x1F800] =	vst v63  }
0x22: {  	_ = 	snop  }
0x23: {  	[tilespmem:s19], [sflag:$0x2] =	stream.indirect.gather [hbm4b:s5+s16], $0x80, s18, s16, $0xb8;
	[tilespmem:$0x1F800] =	vst v63  }
0x24: {  	_ = 	snop  }
0x25: {  	[tilespmem:s21], [sflag:$0x3] =	stream.indirect.gather [hbm4b:s5+s16], $0x80, s20, s16, $0xb8;
	[tilespmem:$0x1F800] =	vst v63  }
0x26: {  	_ =	swait.ge [sflag:s22], $0x2800  }
0x27: {  	[sflag:s22] =	ssyncset.done $0x0  }
0x28: {  	s28 =	simm.s32 $0x2000;
	[sflag:s22] =	ssyncadd.s32 $0xFFFFD800  }
0x29: {  	[spmem:s2] =	stream.indirect.scatter.add.f32 [tilespmem:s17], [sflag:$0x4], $0x80, s28, s16, $0xb8;
	[tilespmem:$0x1F800] =	vst v63  }
0x2a: {  	_ =	swait.ge [sflag:s14], $0x2800  }
0x2b: {  	[sflag:s14] =	ssyncset.done $0x0  }
0x2c: {  	s28 =	simm.s32 $0x180;
	[sflag:s14] =	ssyncadd.s32 $0xFFFFD800  }
0x2d: {  	[tilespmem:s17], [sflag:$0x1] =	stream.indirect.gather [hbm4b:s5+s16], $0x80, s28, s16, $0xb8;
	[tilespmem:$0x1F800] =	vst v63  }
0x2e: {  	_ =	swait.ge [sflag:s23], $0x2800  }
0x2f: {  	[sflag:s23] =	ssyncset.done $0x0  }
0x30: {  	s28 =	simm.s32 $0x2080;
	[sflag:s23] =	ssyncadd.s32 $0xFFFFD800  }
0x31: {  	[spmem:s2] =	stream.indirect.scatter.add.f32 [tilespmem:s19], [sflag:$0x4], $0x80, s28, s16, $0xb8;
	[tilespmem:$0x1F800] =	vst v63  }
0x32: {  	_ =	swait.ge [sflag:s14], $0x2800  }
0x33: {  	[sflag:s14] =	ssyncset.done $0x0  }
0x34: {  	s28 =	simm.s32 $0x200;
	[sflag:s14] =	ssyncadd.s32 $0xFFFFD800  }
0x35: {  	[tilespmem:s19], [sflag:$0x2] =	stream.indirect.gather [hbm4b:s5+s16], $0x80, s28, s16, $0xb8;
	[tilespmem:$0x1F800] =	vst v63  }
0x36: {  	_ =	swait.ge [sflag:s24], $0x2800  }
0x37: {  	[sflag:s24] =	ssyncset.done $0x0  }
0x38: {  	s28 =	simm.s32 $0x2100;
	[sflag:s24] =	ssyncadd.s32 $0xFFFFD800  }
0x39: {  	[spmem:s2] =	stream.indirect.scatter.add.f32 [tilespmem:s21], [sflag:$0x4], $0x80, s28, s16, $0xb8;
	[tilespmem:$0x1F800] =	vst v63  }
0x3a: {  	_ =	swait.ge [sflag:s14], $0x2800  }
0x3b: {  	[sflag:s14] =	ssyncset.done $0x0  }
0x3c: {  	s29 =	simm.s32 $0x280;
	s28 =	simm.s32 $0x600;
	[sflag:s14] =	ssyncadd.s32 $0xFFFFD800  }
.LBB2_2:
0x3d: {  	[tilespmem:s21], [sflag:$0x3] =	stream.indirect.gather [hbm4b:s5+s16], $0x80, s29, s16, $0xb8;
	[tilespmem:$0x1F800] =	vst v63  }
0x3e: {  	s29 =	smov.u32 s28  }
0x3f: {  	p0 =	sne.s32 s28, $0x7200;
	s28 =	sadd.s32 $0x600, s28;
	_ =	swait.ge [sflag:s22], $0x2800  }
0x40: {  	s29 =	sshra.s32 s29, $0x2;
	[sflag:s22] =	ssyncset.done $0x0  }
0x41: {  	s30 =	sadd.s32 $0x2000, s29;
	[sflag:s22] =	ssyncadd.s32 $0xFFFFD800  }
0x42: {  	[spmem:s2] =	stream.indirect.scatter.add.f32 [tilespmem:s17], [sflag:$0x4], $0x80, s30, s16, $0xb8;
	[tilespmem:$0x1F800] =	vst v63  }
0x43: {  	_ =	swait.ge [sflag:s14], $0x2800  }
0x44: {  	[sflag:s14] =	ssyncset.done $0x0  }
0x45: {  	s30 =	sadd.s32 $0x180, s29;
	[sflag:s14] =	ssyncadd.s32 $0xFFFFD800  }
0x46: {  	[tilespmem:s17], [sflag:$0x1] =	stream.indirect.gather [hbm4b:s5+s16], $0x80, s30, s16, $0xb8;
	[tilespmem:$0x1F800] =	vst v63  }
0x47: {  	_ =	swait.ge [sflag:s23], $0x2800  }
0x48: {  	[sflag:s23] =	ssyncset.done $0x0  }
0x49: {  	s30 =	sadd.s32 $0x2080, s29;
	[sflag:s23] =	ssyncadd.s32 $0xFFFFD800  }
0x4a: {  	[spmem:s2] =	stream.indirect.scatter.add.f32 [tilespmem:s19], [sflag:$0x4], $0x80, s30, s16, $0xb8;
	[tilespmem:$0x1F800] =	vst v63  }
0x4b: {  	_ =	swait.ge [sflag:s14], $0x2800  }
0x4c: {  	[sflag:s14] =	ssyncset.done $0x0  }
0x4d: {  	s30 =	sadd.s32 $0x200, s29;
	[sflag:s14] =	ssyncadd.s32 $0xFFFFD800  }
0x4e: {  	[tilespmem:s19], [sflag:$0x2] =	stream.indirect.gather [hbm4b:s5+s16], $0x80, s30, s16, $0xb8;
	[tilespmem:$0x1F800] =	vst v63  }
0x4f: {  	_ =	swait.ge [sflag:s24], $0x2800  }
0x50: {  	[sflag:s24] =	ssyncset.done $0x0  }
.Ltmp0:
0x51: {  	s30 =	sadd.s32 $0x2100, s29;
	[sflag:s24] =	ssyncadd.s32 $0xFFFFD800;
	(pc) =	sbr.rel @p0 .LBB2_2-.Ltmp0, $4  }
0x52: {  	[spmem:s2] =	stream.indirect.scatter.add.f32 [tilespmem:s21], [sflag:$0x4], $0x80, s30, s16, $0xb8;
	[tilespmem:$0x1F800] =	vst v63  }
0x53: {  	_ =	swait.ge [sflag:s14], $0x2800  }
0x54: {  	[sflag:s14] =	ssyncset.done $0x0  }
0x55: {  	s29 =	sadd.s32 $0x280, s29;
	[sflag:s14] =	ssyncadd.s32 $0xFFFFD800  }
0x56: {  	[tilespmem:s21], [sflag:$0x3] =	stream.indirect.gather [hbm4b:s5+s16], $0x80, s29, s16, $0xb8;
	[tilespmem:$0x1F800] =	vst v63  }
0x57: {  	_ =	swait.ge [sflag:s22], $0x2800  }
0x58: {  	[sflag:s22] =	ssyncset.done $0x0  }
0x59: {  	[sflag:s22] =	ssyncadd.s32 $0xFFFFD800  }
0x5a: {  	[spmem:s2] =	stream.indirect.scatter.add.f32 [tilespmem:s17], [sflag:$0x4], $0x80, s25, s16, $0xb8;
	[tilespmem:$0x1F800] =	vst v63  }
0x5b: {  	_ =	swait.ge [sflag:s14], $0x2800  }
0x5c: {  	[sflag:s14] =	ssyncset.done $0x0  }
0x5d: {  	s28 =	simm.s32 $0x1F80;
	[sflag:s14] =	ssyncadd.s32 $0xFFFFD800  }
0x5e: {  	[tilespmem:s17], [sflag:$0x1] =	stream.indirect.gather [hbm4b:s5+s16], $0x80, s28, s16, $0xb8;
	[tilespmem:$0x1F800] =	vst v63  }
0x5f: {  	_ =	swait.ge [sflag:s23], $0x2800  }
0x60: {  	[sflag:s23] =	ssyncset.done $0x0  }
0x61: {  	s28 =	simm.s32 $0x3E80;
	[sflag:s23] =	ssyncadd.s32 $0xFFFFD800  }
0x62: {  	[spmem:s2] =	stream.indirect.scatter.add.f32 [tilespmem:s19], [sflag:$0x4], $0x80, s28, s16, $0xb8;
	[tilespmem:$0x1F800] =	vst v63  }
0x63: {  	_ =	swait.ge [sflag:s14], $0x2800  }
0x64: {  	[sflag:s14] =	ssyncset.done $0x0  }
0x65: {  	[sflag:s14] =	ssyncadd.s32 $0xFFFFD800  }
0x66: {  	_ =	swait.ge [sflag:s24], $0x2800  }
0x67: {  	[sflag:s24] =	ssyncset.done $0x0  }
0x68: {  	s28 =	simm.s32 $0x3F00;
	[sflag:s24] =	ssyncadd.s32 $0xFFFFD800  }
0x69: {  	[spmem:s2] =	stream.indirect.scatter.add.f32 [tilespmem:s21], [sflag:$0x4], $0x80, s28, s16, $0xb8;
	[tilespmem:$0x1F800] =	vst v63  }
0x6a: {  	_ =	swait.ge [sflag:s14], $0x2800  }
0x6b: {  	[sflag:s14] =	ssyncset.done $0x0  }
0x6c: {  	[sflag:s14] =	ssyncadd.s32 $0xFFFFD800  }
0x6d: {  	_ =	swait.ge [sflag:s22], $0x2800  }
0x6e: {  	[sflag:s22] =	ssyncset.done $0x0  }
0x6f: {  	s28 =	simm.s32 $0x3F80;
	[sflag:s22] =	ssyncadd.s32 $0xFFFFD800  }
0x70: {  	[spmem:s2] =	stream.indirect.scatter.add.f32 [tilespmem:s17], [sflag:$0x4], $0x80, s28, s16, $0xb8;
	[tilespmem:$0x1F800] =	vst v63  }
0x71: {  	_ =	swait.ge [sflag:s14], $0x2800  }
0x72: {  	[sflag:s14] =	ssyncset.done $0x0  }
0x73: {  	s28 =	simm.s32 $0x0;
	[sflag:s14] =	ssyncadd.s32 $0xFFFFD800  }
0x74: {  	[tilespmem:s28], [sflag:$0x4] =	stream.linear.gather [hbm4b:s9+s28], $0x1E80, $0x38;
	[tilespmem:$0x1F800] =	vst v63  }
0x75: {  	_ =	swait.ge [sflag:s14], $0x1E80  }
0x76: {  	[sflag:s14] =	ssyncset.done $0x0  }
0x77: {  	[sflag:s14] =	ssyncadd.s32 $0xFFFFE180  }
0x78: {  	[tilespmem:s15], [sflag:$0x4] =	stream.linear.gather [hbm4b:s10+s28], $0x1E80, $0x38;
	[tilespmem:$0x1F800] =	vst v63  }
0x79: {  	_ =	swait.ge [sflag:s14], $0x1E80  }
0x7a: {  	[sflag:s14] =	ssyncset.done $0x0  }
0x7b: {  	[sflag:s14] =	ssyncadd.s32 $0xFFFFE180  }
0x7c: {  	[tilespmem:s17], [sflag:$0x1] =	stream.indirect.gather [hbm4b:s5+s16], $0x80, s28, s16, $0xb8;
	[tilespmem:$0x1F800] =	vst v63  }
0x7d: {  	_ = 	snop  }
0x7e: {  	[tilespmem:s19], [sflag:$0x2] =	stream.indirect.gather [hbm4b:s5+s16], $0x80, s18, s16, $0xb8;
	[tilespmem:$0x1F800] =	vst v63  }
0x7f: {  	_ = 	snop  }
0x80: {  	[tilespmem:s21], [sflag:$0x3] =	stream.indirect.gather [hbm4b:s5+s16], $0x80, s20, s16, $0xb8;
	[tilespmem:$0x1F800] =	vst v63  }
0x81: {  	_ =	swait.ge [sflag:s22], $0x2800  }
0x82: {  	[sflag:s22] =	ssyncset.done $0x0  }
0x83: {  	s28 =	simm.s32 $0x2000;
	[sflag:s22] =	ssyncadd.s32 $0xFFFFD800  }
0x84: {  	[spmem:s2] =	stream.indirect.scatter.add.f32 [tilespmem:s17], [sflag:$0x4], $0x80, s28, s16, $0xb8;
	[tilespmem:$0x1F800] =	vst v63  }
0x85: {  	_ =	swait.ge [sflag:s14], $0x2800  }
0x86: {  	[sflag:s14] =	ssyncset.done $0x0  }
0x87: {  	s28 =	simm.s32 $0x180;
	[sflag:s14] =	ssyncadd.s32 $0xFFFFD800  }
0x88: {  	[tilespmem:s17], [sflag:$0x1] =	stream.indirect.gather [hbm4b:s5+s16], $0x80, s28, s16, $0xb8;
	[tilespmem:$0x1F800] =	vst v63  }
0x89: {  	_ =	swait.ge [sflag:s23], $0x2800  }
0x8a: {  	[sflag:s23] =	ssyncset.done $0x0  }
0x8b: {  	s28 =	simm.s32 $0x2080;
	[sflag:s23] =	ssyncadd.s32 $0xFFFFD800  }
0x8c: {  	[spmem:s2] =	stream.indirect.scatter.add.f32 [tilespmem:s19], [sflag:$0x4], $0x80, s28, s16, $0xb8;
	[tilespmem:$0x1F800] =	vst v63  }
0x8d: {  	_ =	swait.ge [sflag:s14], $0x2800  }
0x8e: {  	[sflag:s14] =	ssyncset.done $0x0  }
0x8f: {  	s28 =	simm.s32 $0x200;
	[sflag:s14] =	ssyncadd.s32 $0xFFFFD800  }
0x90: {  	[tilespmem:s19], [sflag:$0x2] =	stream.indirect.gather [hbm4b:s5+s16], $0x80, s28, s16, $0xb8;
	[tilespmem:$0x1F800] =	vst v63  }
0x91: {  	_ =	swait.ge [sflag:s24], $0x2800  }
0x92: {  	[sflag:s24] =	ssyncset.done $0x0  }
0x93: {  	s28 =	simm.s32 $0x2100;
	[sflag:s24] =	ssyncadd.s32 $0xFFFFD800  }
0x94: {  	[spmem:s2] =	stream.indirect.scatter.add.f32 [tilespmem:s21], [sflag:$0x4], $0x80, s28, s16, $0xb8;
	[tilespmem:$0x1F800] =	vst v63  }
0x95: {  	_ =	swait.ge [sflag:s14], $0x2800  }
0x96: {  	[sflag:s14] =	ssyncset.done $0x0  }
0x97: {  	s29 =	simm.s32 $0x280;
	s28 =	simm.s32 $0x600;
	[sflag:s14] =	ssyncadd.s32 $0xFFFFD800  }
.LBB2_4:
0x98: {  	[tilespmem:s21], [sflag:$0x3] =	stream.indirect.gather [hbm4b:s5+s16], $0x80, s29, s16, $0xb8;
	[tilespmem:$0x1F800] =	vst v63  }
0x99: {  	s29 =	smov.u32 s28  }
0x9a: {  	p0 =	sne.s32 s28, $0x6C00;
	s28 =	sadd.s32 $0x600, s28;
	_ =	swait.ge [sflag:s22], $0x2800  }
0x9b: {  	s29 =	sshra.s32 s29, $0x2;
	[sflag:s22] =	ssyncset.done $0x0  }
0x9c: {  	s30 =	sadd.s32 $0x2000, s29;
	[sflag:s22] =	ssyncadd.s32 $0xFFFFD800  }
0x9d: {  	[spmem:s2] =	stream.indirect.scatter.add.f32 [tilespmem:s17], [sflag:$0x4], $0x80, s30, s16, $0xb8;
	[tilespmem:$0x1F800] =	vst v63  }
0x9e: {  	_ =	swait.ge [sflag:s14], $0x2800  }
0x9f: {  	[sflag:s14] =	ssyncset.done $0x0  }
0xa0: {  	s30 =	sadd.s32 $0x180, s29;
	[sflag:s14] =	ssyncadd.s32 $0xFFFFD800  }
0xa1: {  	[tilespmem:s17], [sflag:$0x1] =	stream.indirect.gather [hbm4b:s5+s16], $0x80, s30, s16, $0xb8;
	[tilespmem:$0x1F800] =	vst v63  }
0xa2: {  	_ =	swait.ge [sflag:s23], $0x2800  }
0xa3: {  	[sflag:s23] =	ssyncset.done $0x0  }
0xa4: {  	s30 =	sadd.s32 $0x2080, s29;
	[sflag:s23] =	ssyncadd.s32 $0xFFFFD800  }
0xa5: {  	[spmem:s2] =	stream.indirect.scatter.add.f32 [tilespmem:s19], [sflag:$0x4], $0x80, s30, s16, $0xb8;
	[tilespmem:$0x1F800] =	vst v63  }
0xa6: {  	_ =	swait.ge [sflag:s14], $0x2800  }
0xa7: {  	[sflag:s14] =	ssyncset.done $0x0  }
0xa8: {  	s30 =	sadd.s32 $0x200, s29;
	[sflag:s14] =	ssyncadd.s32 $0xFFFFD800  }
0xa9: {  	[tilespmem:s19], [sflag:$0x2] =	stream.indirect.gather [hbm4b:s5+s16], $0x80, s30, s16, $0xb8;
	[tilespmem:$0x1F800] =	vst v63  }
0xaa: {  	_ =	swait.ge [sflag:s24], $0x2800  }
0xab: {  	[sflag:s24] =	ssyncset.done $0x0  }
.Ltmp1:
0xac: {  	s30 =	sadd.s32 $0x2100, s29;
	[sflag:s24] =	ssyncadd.s32 $0xFFFFD800;
	(pc) =	sbr.rel @p0 .LBB2_4-.Ltmp1, $4  }
0xad: {  	[spmem:s2] =	stream.indirect.scatter.add.f32 [tilespmem:s21], [sflag:$0x4], $0x80, s30, s16, $0xb8;
	[tilespmem:$0x1F800] =	vst v63  }
0xae: {  	_ =	swait.ge [sflag:s14], $0x2800  }
0xaf: {  	[sflag:s14] =	ssyncset.done $0x0  }
0xb0: {  	s29 =	sadd.s32 $0x280, s29;
	[sflag:s14] =	ssyncadd.s32 $0xFFFFD800  }
0xb1: {  	[tilespmem:s21], [sflag:$0x3] =	stream.indirect.gather [hbm4b:s5+s16], $0x80, s29, s16, $0xb8;
	[tilespmem:$0x1F800] =	vst v63  }
0xb2: {  	_ =	swait.ge [sflag:s22], $0x2800  }
0xb3: {  	[sflag:s22] =	ssyncset.done $0x0  }
0xb4: {  	[sflag:s22] =	ssyncadd.s32 $0xFFFFD800  }
0xb5: {  	[spmem:s2] =	stream.indirect.scatter.add.f32 [tilespmem:s17], [sflag:$0x4], $0x80, s31, s16, $0xb8;
	[tilespmem:$0x1F800] =	vst v63  }
0xb6: {  	_ =	swait.ge [sflag:s14], $0x2800  }
0xb7: {  	[sflag:s14] =	ssyncset.done $0x0  }
0xb8: {  	[sflag:s14] =	ssyncadd.s32 $0xFFFFD800  }
0xb9: {  	[tilespmem:s17], [sflag:$0x1] =	stream.indirect.gather [hbm4b:s5+s16], $0x80, s0, s16, $0xb8;
	[tilespmem:$0x1F800] =	vst v63  }
0xba: {  	_ =	swait.ge [sflag:s23], $0x2800  }
0xbb: {  	[sflag:s23] =	ssyncset.done $0x0  }
0xbc: {  	[sflag:s23] =	ssyncadd.s32 $0xFFFFD800  }
0xbd: {  	[spmem:s2] =	stream.indirect.scatter.add.f32 [tilespmem:s19], [sflag:$0x4], $0x80, s3, s16, $0xb8;
	[tilespmem:$0x1F800] =	vst v63  }
0xbe: {  	_ =	swait.ge [sflag:s14], $0x2800  }
0xbf: {  	[sflag:s14] =	ssyncset.done $0x0  }
0xc0: {  	[sflag:s14] =	ssyncadd.s32 $0xFFFFD800  }
0xc1: {  	_ =	swait.ge [sflag:s24], $0x2800  }
0xc2: {  	[sflag:s24] =	ssyncset.done $0x0  }
0xc3: {  	[sflag:s24] =	ssyncadd.s32 $0xFFFFD800  }
0xc4: {  	[spmem:s2] =	stream.indirect.scatter.add.f32 [tilespmem:s21], [sflag:$0x4], $0x80, s1, s16, $0xb8;
	[tilespmem:$0x1F800] =	vst v63  }
0xc5: {  	_ =	swait.ge [sflag:s14], $0x2800  }
0xc6: {  	[sflag:s14] =	ssyncset.done $0x0  }
0xc7: {  	[sflag:s14] =	ssyncadd.s32 $0xFFFFD800  }
0xc8: {  	_ =	swait.ge [sflag:s22], $0x2800  }
0xc9: {  	[sflag:s22] =	ssyncset.done $0x0  }
0xca: {  	[sflag:s22] =	ssyncadd.s32 $0xFFFFD800  }
0xcb: {  	[spmem:s2] =	stream.indirect.scatter.add.f32 [tilespmem:s17], [sflag:$0x4], $0x80, s25, s16, $0xb8;
	[tilespmem:$0x1F800] =	vst v63  }
0xcc: {  	_ =	swait.ge [sflag:s14], $0x2800  }
0xcd: {  	s26 =	sadd.s32 $0x1, s26;
	[sflag:s14] =	ssyncset.done $0x0  }
0xce: {  	p0 =	sne.s32 s26, s12;
	[sflag:s14] =	ssyncadd.s32 $0xFFFFD800  }
.Ltmp2:
0xcf: {  	[bflag:$0x0] =	sbarrier.arrive $0xFFFF;
	(pc) =	sbr.rel @p0 .LBB2_1-.Ltmp2, $4  }
0xd0: {  	[hbm:s11], [sflag:s6] =	dma.local [spmem:s13], $0x2800  }
0xd1: {  	_ =	swait.ge [sflag:s14], $0x2800  }
0xd2: {  	[sflag:s14] =	ssyncset.done $0x0  }
0xd3: {  	[sflag:s14] =	ssyncadd.s32 $0xFFFFD800  }
0xd4: {  	_ =	sfence.sel $0x180000  }
0xd5: {  	[bflag:$0x0] =	sbarrier.arrive $0xFFFF  }
0xd6: {  	_ =	strace $0x90000047  }
0xd7: {  	s0 =	stileid.u32;
	[bflag:$0x2] =	sbarrier.arrive $0xFFFF  }
0xd8: {  	p0 =	sne.s32 s0, $0x0;
	s0 =	rddreg [dreg:$0x3]  }
0xd9: {  	s0 =	sadd.s32 @!p0 $0x100000, s0  }
0xda: {  	[sflag:s0] =	ssyncadd.tile.s32 @!p0 $0x1;
	_ =	shalt  }
.Lfunc_end2:
_tile_overlayer_lowered:
.L_overlay_start_2:
0xdb: {  	(tag) =	ssettag $0x2  }
0xdc: {  	s0 =	rddreg [dreg:$0x0];
	s2 =	stileid.u32  }
0xdd: {  	s1 =	rddreg [dreg:$0x1];
	p0 =	sne.s32 s2, $0x0  }
0xde: {  	s3 =	rddreg [dreg:$0x2];
	[bflag:$0x3] =	sbarrier.arrive $0xFFFF;
	s2 =	simm.s32 @!p0 $0x1C04  }
0xdf: {  	[timem:s3], [sflag:s2] =	dma.local @!p0 [hbm:s0], s1  }
0xe0: {  	s0 =	simm.s32 @!p0 $0x4  }
0xe1: {  	_ =	swait.ge @!p0 [sflag:s0], s1  }
0xe2: {  	s1 =	ssub.s32 @!p0 $0x0, s1;
	[sflag:s0] =	ssyncset.done @!p0 $0x0  }
0xe3: {  	[sflag:s0] =	ssyncadd.s32 @!p0 s1  }
0xe4: {  	[bflag:$0x3] =	sbarrier.arrive $0xFFFF  }
0xe5: {  	_ =	shalt  }

</sc_bundles>
